<compile_context>
chip_gen: v7x
topology: tpu7x:2x2x1
jax: 0.10.2.dev20260603
libtpu: 0.0.44.dev20260713+nightly
codegen_flags: <defaults>
</compile_context>

<pallas_src>
import functools

import jax
import jax.numpy as jnp
from jax import lax
from jax.experimental import pallas as pl
from jax.experimental.pallas import tpu as pltpu
from jax.experimental.pallas import tpu_sc as plsc

NC = 2
NS = 16
NW = NC * NS
EG = 128
GRP = 128
NCHUNK = 2

_DOT = functools.partial(jnp.dot, preferred_element_type=jnp.float32,
                         precision=jax.lax.Precision.HIGHEST)


def _sc_mesh():
    return plsc.VectorSubcoreMesh(core_axis_name="c", subcore_axis_name="s",
                                  num_cores=NC, num_subcores=NS)


def _sc_segment_sum(table, eidx, n_ent, n_grp, acc_rows):
    D = table.shape[1]
    zrows = acc_rows // (NS * EG)
    ch = n_grp // NCHUNK

    @functools.partial(
        pl.kernel,
        mesh=_sc_mesh(),
        out_type=(jax.ShapeDtypeStruct((n_ent, D), jnp.float32),
                  jax.ShapeDtypeStruct((n_ent, D), jnp.float32)),
        scratch_types=[
            pltpu.VMEM((ch, EG), jnp.int32),
            pltpu.VMEM((ch, EG), jnp.int32),
            pltpu.VMEM((EG, D), jnp.float32),
            pltpu.VMEM((EG, D), jnp.float32),
            pltpu.VMEM_SHARED((acc_rows, D), jnp.float32),
            pltpu.SemaphoreType.DMA,
            pltpu.SemaphoreType.DMA,
        ],
    )
    def k(table_hbm, eidx_hbm, out0, out1, src_v, dst_v, rb0, rb1, acc,
          sem0, sem1):
        c = lax.axis_index("c")
        s = lax.axis_index("s")
        wid = s * NC + c

        def zrow(i, carry):
            for j in range(D // 16):
                rb0[i, pl.ds(j * 16, 16)] = jnp.zeros((16,), jnp.float32)
            return carry
        lax.fori_loop(0, EG, zrow, 0)
        for z in range(zrows):
            pltpu.sync_copy(rb0, acc.at[pl.ds((s * zrows + z) * EG, EG)])

        plsc.subcore_barrier()

        def start_gather(g, rb, sem):
            pltpu.async_copy(table_hbm.at[src_v.at[g]], rb, sem)

        def wait_gather(rb, sem):
            pltpu.make_async_copy(table_hbm.at[src_v.at[0]], rb, sem).wait()

        for chunk in range(NCHUNK):
            pltpu.sync_copy(eidx_hbm.at[0, wid, pl.ds(chunk * ch, ch)], src_v)
            pltpu.sync_copy(eidx_hbm.at[1, wid, pl.ds(chunk * ch, ch)], dst_v)
            start_gather(0, rb0, sem0)

            def body(i, carry):
                g0 = 2 * i
                start_gather(g0 + 1, rb1, sem1)
                wait_gather(rb0, sem0)
                pltpu.sync_copy(rb0, acc.at[dst_v.at[g0]], add=True)
                g2 = jnp.where(g0 + 2 >= ch, 0, g0 + 2)
                start_gather(g2, rb0, sem0)
                wait_gather(rb1, sem1)
                pltpu.sync_copy(rb1, acc.at[dst_v.at[g0 + 1]], add=True)
                return carry
            lax.fori_loop(0, ch // 2, body, 0)
            wait_gather(rb0, sem0)

        plsc.subcore_barrier()

        rp = (n_ent // NS) & ~7
        rem = n_ent - NS * rp
        @pl.when(c == 0)
        def _():
            pltpu.sync_copy(acc.at[pl.ds(s * rp, rp)],
                            out0.at[pl.ds(s * rp, rp)])
        @pl.when(c == 1)
        def _():
            pltpu.sync_copy(acc.at[pl.ds(s * rp, rp)],
                            out1.at[pl.ds(s * rp, rp)])
        if rem:
            @pl.when((c == 0) & (s == NS - 1))
            def _():
                pltpu.sync_copy(acc.at[pl.ds(NS * rp, rem)],
                                out0.at[pl.ds(NS * rp, rem)])
            @pl.when((c == 1) & (s == NS - 1))
            def _():
                pltpu.sync_copy(acc.at[pl.ds(NS * rp, rem)],
                                out1.at[pl.ds(NS * rp, rem)])

    return k(table, eidx)


def _sc_select(h1, q0, q1, emb_rel, e1g, relg, n_sel_grp):
    D = h1.shape[1]
    B = n_sel_grp * GRP

    @functools.partial(
        pl.kernel,
        mesh=_sc_mesh(),
        out_type=(jax.ShapeDtypeStruct((B, D), jnp.float32),
                  jax.ShapeDtypeStruct((B, D), jnp.float32),
                  jax.ShapeDtypeStruct((B, D), jnp.float32),
                  jax.ShapeDtypeStruct((B, D), jnp.float32)),
        scratch_types=[
            pltpu.VMEM((1, GRP), jnp.int32),
            pltpu.VMEM((GRP, D), jnp.float32),
            pltpu.SemaphoreType.DMA,
        ],
    )
    def k(h1_hbm, q0_hbm, q1_hbm, rel_hbm, e1_hbm, relg_hbm,
          oh1, oq0, oq1, orel, idx_v, rows, sem):
        c = lax.axis_index("c")
        s = lax.axis_index("s")
        wid = s * NC + c
        tbl = wid // n_sel_grp
        g = wid % n_sel_grp

        @pl.when(tbl == 3)
        def _():
            pltpu.sync_copy(relg_hbm.at[pl.ds(g, 1)], idx_v)
        @pl.when(tbl < 3)
        def _():
            pltpu.sync_copy(e1_hbm.at[pl.ds(g, 1)], idx_v)

        @pl.when(tbl == 0)
        def _():
            pltpu.async_copy(h1_hbm.at[idx_v.at[0]], rows, sem).wait()
            pltpu.sync_copy(rows, oh1.at[pl.ds(g * GRP, GRP)])
        @pl.when(tbl == 1)
        def _():
            pltpu.async_copy(q0_hbm.at[idx_v.at[0]], rows, sem).wait()
            pltpu.sync_copy(rows, oq0.at[pl.ds(g * GRP, GRP)])
        @pl.when(tbl == 2)
        def _():
            pltpu.async_copy(q1_hbm.at[idx_v.at[0]], rows, sem).wait()
            pltpu.sync_copy(rows, oq1.at[pl.ds(g * GRP, GRP)])
        @pl.when(tbl == 3)
        def _():
            pltpu.async_copy(rel_hbm.at[idx_v.at[0]], rows, sem).wait()
            pltpu.sync_copy(rows, orel.at[pl.ds(g * GRP, GRP)])

    return k(h1, q0, q1, emb_rel, e1g, relg)


def _tc_prep(h, W_msg, W_hh, b_hh, rb):
    V, D = h.shape
    D3 = W_hh.shape[1]

    def body(h_ref, wm_ref, wh_ref, bh_ref, hw_ref, gh_ref):
        hb = h_ref[...]
        hw_ref[...] = _DOT(hb, wm_ref[...])
        gh_ref[...] = _DOT(hb, wh_ref[...]) + bh_ref[...]

    return pl.pallas_call(
        body,
        grid=(V // rb,),
        in_specs=[
            pl.BlockSpec((rb, D), lambda i: (i, 0)),
            pl.BlockSpec((D, D), lambda i: (0, 0)),
            pl.BlockSpec((D, D3), lambda i: (0, 0)),
            pl.BlockSpec((1, D3), lambda i: (0, 0)),
        ],
        out_specs=[
            pl.BlockSpec((rb, D), lambda i: (i, 0)),
            pl.BlockSpec((rb, D3), lambda i: (i, 0)),
        ],
        out_shape=[
            jax.ShapeDtypeStruct((V, D), jnp.float32),
            jax.ShapeDtypeStruct((V, D3), jnp.float32),
        ],
    )(h, W_msg, W_hh, b_hh)


def _gru_combine(a, gh, h, W_ih, b_ih):
    gi = _DOT(a, W_ih) + b_ih
    D = h.shape[-1]
    i_r, i_z, i_n = gi[:, :D], gi[:, D:2 * D], gi[:, 2 * D:]
    h_r, h_z, h_n = gh[:, :D], gh[:, D:2 * D], gh[:, 2 * D:]
    r = jax.nn.sigmoid(i_r + h_r)
    z = jax.nn.sigmoid(i_z + h_z)
    n = jnp.tanh(i_n + r * h_n)
    return (1.0 - z) * n + z * h


def _tc_gru_prep(p0, p1, gh, h0, W_ih, b_ih, W_msg, rb):
    V, D = h0.shape
    D3 = W_ih.shape[1]

    def body(p0_ref, p1_ref, gh_ref, h0_ref, wih_ref, bih_ref, wm_ref,
             h1_ref, hw2_ref):
        a = p0_ref[...] + p1_ref[...]
        h1 = _gru_combine(a, gh_ref[...], h0_ref[...], wih_ref[...],
                          bih_ref[...])
        h1_ref[...] = h1
        hw2_ref[...] = _DOT(h1, wm_ref[...])

    return pl.pallas_call(
        body,
        grid=(V // rb,),
        in_specs=[
            pl.BlockSpec((rb, D), lambda i: (i, 0)),
            pl.BlockSpec((rb, D), lambda i: (i, 0)),
            pl.BlockSpec((rb, D3), lambda i: (i, 0)),
            pl.BlockSpec((rb, D), lambda i: (i, 0)),
            pl.BlockSpec((D, D3), lambda i: (0, 0)),
            pl.BlockSpec((1, D3), lambda i: (0, 0)),
            pl.BlockSpec((D, D), lambda i: (0, 0)),
        ],
        out_specs=[
            pl.BlockSpec((rb, D), lambda i: (i, 0)),
            pl.BlockSpec((rb, D), lambda i: (i, 0)),
        ],
        out_shape=[
            jax.ShapeDtypeStruct((V, D), jnp.float32),
            jax.ShapeDtypeStruct((V, D), jnp.float32),
        ],
    )(p0, p1, gh, h0, W_ih, b_ih, W_msg)


def _tc_final(h1s, q0s, q1s, rels, W_ih, b_ih, W_hh, b_hh, emb_e, cb):
    B, D = h1s.shape
    D3 = W_ih.shape[1]
    V = emb_e.shape[0]

    def body(h1_ref, q0_ref, q1_ref, rel_ref, wih_ref, bih_ref, whh_ref,
             bhh_ref, embe_ref, out_ref, q_ref):
        @pl.when(pl.program_id(0) == 0)
        def _():
            a = q0_ref[...] + q1_ref[...]
            h2 = _gru_combine(a, _DOT(h1_ref[...], whh_ref[...]) +
                              bhh_ref[...], h1_ref[...], wih_ref[...],
                              bih_ref[...])
            q_ref[...] = h2 * rel_ref[...]
        score = lax.dot_general(
            q_ref[...], embe_ref[...], (((1,), (1,)), ((), ())),
            preferred_element_type=jnp.float32,
            precision=jax.lax.Precision.HIGHEST)
        out_ref[...] = jax.nn.sigmoid(score)

    return pl.pallas_call(
        body,
        grid=(-(-V // cb),),
        in_specs=[
            pl.BlockSpec((B, D), lambda i: (0, 0)),
            pl.BlockSpec((B, D), lambda i: (0, 0)),
            pl.BlockSpec((B, D), lambda i: (0, 0)),
            pl.BlockSpec((B, D), lambda i: (0, 0)),
            pl.BlockSpec((D, D3), lambda i: (0, 0)),
            pl.BlockSpec((1, D3), lambda i: (0, 0)),
            pl.BlockSpec((D, D3), lambda i: (0, 0)),
            pl.BlockSpec((1, D3), lambda i: (0, 0)),
            pl.BlockSpec((cb, D), lambda i: (i, 0)),
        ],
        out_specs=pl.BlockSpec((B, cb), lambda i: (0, i)),
        out_shape=jax.ShapeDtypeStruct((B, V), jnp.float32),
        scratch_shapes=[pltpu.VMEM((B, D), jnp.float32)],
    )(h1s, q0s, q1s, rels, W_ih, b_ih, W_hh, b_hh, emb_e)


def kernel(e1, rel, edge_index, emb_e, emb_rel, W_msg, W_ih, W_hh, b_ih, b_hh):
    V, D = emb_e.shape
    E = edge_index.shape[1]
    B = e1.shape[0]
    D3 = W_ih.shape[1]

    n_grp = -(-E // (NW * EG))
    gq = 2 * NCHUNK
    n_grp = -(-n_grp // gq) * gq
    e_pad = NW * n_grp * EG - E
    src = jnp.concatenate([edge_index[0].astype(jnp.int32),
                           jnp.zeros((e_pad,), jnp.int32)])
    dst = jnp.concatenate([edge_index[1].astype(jnp.int32),
                           jnp.full((e_pad,), V, jnp.int32)])
    eidx = jnp.stack([src, dst]).reshape(2, NW, n_grp, EG)

    acc_rows = -(-(V + 1) // (NS * EG)) * (NS * EG)
    n_sel_grp = B // GRP
    e1g = e1[:, 0].astype(jnp.int32).reshape(n_sel_grp, GRP)
    relg = rel[:, 0].astype(jnp.int32).reshape(n_sel_grp, GRP)
    b_ih2 = b_ih.reshape(1, D3)
    b_hh2 = b_hh.reshape(1, D3)
    rb = 1000 if V % 1000 == 0 else 8 * (V // 8)

    hw1, gh1 = _tc_prep(emb_e, W_msg, W_hh, b_hh2, rb)
    p0, p1 = _sc_segment_sum(hw1, eidx, V, n_grp, acc_rows)
    h1, hw2 = _tc_gru_prep(p0, p1, gh1, emb_e, W_ih, b_ih2, W_msg, rb)

    q0, q1 = _sc_segment_sum(hw2, eidx, V, n_grp, acc_rows)
    h1s, q0s, q1s, rels = _sc_select(h1, q0, q1, emb_rel, e1g, relg,
                                     n_sel_grp)

    return _tc_final(h1s, q0s, q1s, rels, W_ih, b_ih2, W_hh, b_hh2, emb_e,
                     1024)

# --- scband reference (transcript-rebuilt; emitter-appended) ---
"""Pipeline reference for scband-ggnndist-mult-35390530519300 (READ-ONLY COPY).

The authoritative reference and input builder live on the scoring server;
editing this copy changes nothing except your own understanding.
"""

import jax, jax.numpy as jnp
import numpy as np

N_ENT = 10000
N_REL = 200
D = 128
E = 320000
B = 1024
N_LAYERS = 2

def setup_inputs(seed: int = 0):
    key = jax.random.key(seed)
    ks = jax.random.split(key, 10)
    e1 = jax.random.randint(ks[0], (B, 1), 0, N_ENT, dtype=jnp.int64) if jax.config.jax_enable_x64 else jax.random.randint(ks[0], (B, 1), 0, N_ENT)
    rel = jax.random.randint(ks[1], (B, 1), 0, N_REL)
    edge_index = jax.random.randint(ks[2], (2, E), 0, N_ENT)
    s = 1.0 / np.sqrt(D)
    emb_e = jax.random.normal(ks[3], (N_ENT, D), dtype=jnp.float32) * s
    emb_rel = jax.random.normal(ks[4], (N_REL, D), dtype=jnp.float32) * s
    W_msg = jax.random.normal(ks[5], (D, D), dtype=jnp.float32) * s
    W_ih = jax.random.normal(ks[6], (D, 3 * D), dtype=jnp.float32) * s
    W_hh = jax.random.normal(ks[7], (D, 3 * D), dtype=jnp.float32) * s
    b_ih = jnp.zeros((3 * D,), dtype=jnp.float32)
    b_hh = jnp.zeros((3 * D,), dtype=jnp.float32)
    return {"e1": e1, "rel": rel, "edge_index": edge_index, "emb_e": emb_e,
            "emb_rel": emb_rel, "W_msg": W_msg, "W_ih": W_ih, "W_hh": W_hh,
            "b_ih": b_ih, "b_hh": b_hh}

def reference(e1, rel, edge_index, emb_e, emb_rel, W_msg, W_ih, W_hh, b_ih, b_hh):
    src = edge_index[0]
    dst = edge_index[1]
    # node_feat initialized from entity embedding table (lookup of all entities)
    h = emb_e
    # GGNN: gated graph conv, weights shared across propagation steps
    for _ in range(N_LAYERS):
        msg = jnp.take(h, src, axis=0) @ W_msg
        a = jax.ops.segment_sum(msg, dst, num_segments=N_ENT)
        gi = a @ W_ih + b_ih
        gh = h @ W_hh + b_hh
        i_r, i_z, i_n = jnp.split(gi, 3, axis=-1)
        h_r, h_z, h_n = jnp.split(gh, 3, axis=-1)
        r = jax.nn.sigmoid(i_r + h_r)
        z = jax.nn.sigmoid(i_z + h_z)
        n = jnp.tanh(i_n + r * h_n)
        h = (1.0 - z) * n + z * h
    e1_embedded = jnp.take(h, e1[:, 0], axis=0)
    rel_embedded = jnp.take(emb_rel, rel[:, 0], axis=0)
    # DistMult scoring against the (original) entity embedding table, BCE-style sigmoid
    logits = jax.nn.sigmoid((e1_embedded * rel_embedded) @ emb_e.T)
    return logits

if __name__ == "__main__":
    import jax
    _d = setup_inputs()
    print(jax.jit(kernel)(*tuple(_d.values())))

</pallas_src>

<mosaic_0001>
#map = affine_map<(d0, d1) -> (0, 0)>
#map1 = affine_map<(d0, d1) -> (0, 0, 0, 0)>
module attributes {stable_mosaic.version = 14 : i64} {
  func.func @k(%arg0: i32, %arg1: i32, %arg2: memref<10000x128xf32, #tpu.memory_space<hbm>>, %arg3: memref<2x32x80x128xi32, #tpu.memory_space<hbm>>, %arg4: memref<10000x128xf32, #tpu.memory_space<hbm>>, %arg5: memref<10000x128xf32, #tpu.memory_space<hbm>>, %arg6: memref<40x128xi32, #tpu.memory_space<vmem>>, %arg7: memref<40x128xi32, #tpu.memory_space<vmem>>, %arg8: memref<128x128xf32, #tpu.memory_space<vmem>>, %arg9: memref<128x128xf32, #tpu.memory_space<vmem>>, %arg10: memref<10240x128xf32, #tpu.memory_space<vmem_shared>>, %arg11: memref<!tpu.dma_semaphore, #tpu.memory_space<semaphore_mem>>, %arg12: memref<!tpu.dma_semaphore, #tpu.memory_space<semaphore_mem>>) attributes {dimension_semantics = [#tpu.dimension_semantics<core_parallel>, #tpu.dimension_semantics<subcore_parallel>], iteration_bounds = array<i64: 2, 16>, scalar_prefetch = 0 : i64, scratch_operands = 7 : i64, tpu.core_type = #tpu.core_type<sc_vector_subcore>, window_params = [{transform_indices = #map}, {transform_indices = #map1}, {transform_indices = #map}, {transform_indices = #map}]} {
    %mul3A = arith.constant 2 : i32
    %mul3A_0 = arith.muli %arg1, %mul3A : i32
    %add3A = arith.addi %mul3A_0, %arg0 : i32
    %scan3A = arith.constant 0 : i32
    %scan3A_1 = arith.constant 0 : i32
    %scan3A_2 = arith.constant 128 : i32
    %scan3A_3 = arith.addi %scan3A_1, %scan3A_2 : i32
    %scan3A_4 = arith.constant 1 : i32
    scf.for %scan3A_100 = %scan3A_1 to %scan3A_3 step %scan3A_4  : i32 {
      %broadcast_in_dim3A = arith.constant 0.000000e+00 : f32
      %broadcast_in_dim3A_101 = vector.broadcast %broadcast_in_dim3A : f32 to vector<16xf32>
      %swap3A = arith.index_cast %scan3A_100 : i32 to index
      %swap3A_102 = arith.constant 0 : index
      %swap3A_103 = tpu.vector_load %arg8[%swap3A, %swap3A_102] {strides = array<i32>} : memref<128x128xf32, #tpu.memory_space<vmem>>, vector<1x16xf32>,
      %swap3A_104 = vector.shape_cast %swap3A_103 : vector<1x16xf32> to vector<16xf32>
      %swap3A_105 = vector.shape_cast %broadcast_in_dim3A_101 : vector<16xf32> to vector<1x16xf32>
      tpu.vector_store %arg8[%swap3A, %swap3A_102], %swap3A_105 {strides = array<i32>} : memref<128x128xf32, #tpu.memory_space<vmem>>, vector<1x16xf32>,
      %broadcast_in_dim3A_106 = arith.constant 0.000000e+00 : f32
      %broadcast_in_dim3A_107 = vector.broadcast %broadcast_in_dim3A_106 : f32 to vector<16xf32>
      %swap3A_108 = arith.index_cast %scan3A_100 : i32 to index
      %swap3A_109 = arith.constant 16 : index
      %swap3A_110 = tpu.vector_load %arg8[%swap3A_108, %swap3A_109] {strides = array<i32>} : memref<128x128xf32, #tpu.memory_space<vmem>>, vector<1x16xf32>,
      %swap3A_111 = vector.shape_cast %swap3A_110 : vector<1x16xf32> to vector<16xf32>
      %swap3A_112 = vector.shape_cast %broadcast_in_dim3A_107 : vector<16xf32> to vector<1x16xf32>
      tpu.vector_store %arg8[%swap3A_108, %swap3A_109], %swap3A_112 {strides = array<i32>} : memref<128x128xf32, #tpu.memory_space<vmem>>, vector<1x16xf32>,
      %broadcast_in_dim3A_113 = arith.constant 0.000000e+00 : f32
      %broadcast_in_dim3A_114 = vector.broadcast %broadcast_in_dim3A_113 : f32 to vector<16xf32>
      %swap3A_115 = arith.index_cast %scan3A_100 : i32 to index
      %swap3A_116 = arith.constant 32 : index
      %swap3A_117 = tpu.vector_load %arg8[%swap3A_115, %swap3A_116] {strides = array<i32>} : memref<128x128xf32, #tpu.memory_space<vmem>>, vector<1x16xf32>,
      %swap3A_118 = vector.shape_cast %swap3A_117 : vector<1x16xf32> to vector<16xf32>
      %swap3A_119 = vector.shape_cast %broadcast_in_dim3A_114 : vector<16xf32> to vector<1x16xf32>
      tpu.vector_store %arg8[%swap3A_115, %swap3A_116], %swap3A_119 {strides = array<i32>} : memref<128x128xf32, #tpu.memory_space<vmem>>, vector<1x16xf32>,
      %broadcast_in_dim3A_120 = arith.constant 0.000000e+00 : f32
      %broadcast_in_dim3A_121 = vector.broadcast %broadcast_in_dim3A_120 : f32 to vector<16xf32>
      %swap3A_122 = arith.index_cast %scan3A_100 : i32 to index
      %swap3A_123 = arith.constant 48 : index
      %swap3A_124 = tpu.vector_load %arg8[%swap3A_122, %swap3A_123] {strides = array<i32>} : memref<128x128xf32, #tpu.memory_space<vmem>>, vector<1x16xf32>,
      %swap3A_125 = vector.shape_cast %swap3A_124 : vector<1x16xf32> to vector<16xf32>
      %swap3A_126 = vector.shape_cast %broadcast_in_dim3A_121 : vector<16xf32> to vector<1x16xf32>
      tpu.vector_store %arg8[%swap3A_122, %swap3A_123], %swap3A_126 {strides = array<i32>} : memref<128x128xf32, #tpu.memory_space<vmem>>, vector<1x16xf32>,
      %broadcast_in_dim3A_127 = arith.constant 0.000000e+00 : f32
      %broadcast_in_dim3A_128 = vector.broadcast %broadcast_in_dim3A_127 : f32 to vector<16xf32>
      %swap3A_129 = arith.index_cast %scan3A_100 : i32 to index
      %swap3A_130 = arith.constant 64 : index
      %swap3A_131 = tpu.vector_load %arg8[%swap3A_129, %swap3A_130] {strides = array<i32>} : memref<128x128xf32, #tpu.memory_space<vmem>>, vector<1x16xf32>,
      %swap3A_132 = vector.shape_cast %swap3A_131 : vector<1x16xf32> to vector<16xf32>
      %swap3A_133 = vector.shape_cast %broadcast_in_dim3A_128 : vector<16xf32> to vector<1x16xf32>
      tpu.vector_store %arg8[%swap3A_129, %swap3A_130], %swap3A_133 {strides = array<i32>} : memref<128x128xf32, #tpu.memory_space<vmem>>, vector<1x16xf32>,
      %broadcast_in_dim3A_134 = arith.constant 0.000000e+00 : f32
      %broadcast_in_dim3A_135 = vector.broadcast %broadcast_in_dim3A_134 : f32 to vector<16xf32>
      %swap3A_136 = arith.index_cast %scan3A_100 : i32 to index
      %swap3A_137 = arith.constant 80 : index
      %swap3A_138 = tpu.vector_load %arg8[%swap3A_136, %swap3A_137] {strides = array<i32>} : memref<128x128xf32, #tpu.memory_space<vmem>>, vector<1x16xf32>,
      %swap3A_139 = vector.shape_cast %swap3A_138 : vector<1x16xf32> to vector<16xf32>
      %swap3A_140 = vector.shape_cast %broadcast_in_dim3A_135 : vector<16xf32> to vector<1x16xf32>
      tpu.vector_store %arg8[%swap3A_136, %swap3A_137], %swap3A_140 {strides = array<i32>} : memref<128x128xf32, #tpu.memory_space<vmem>>, vector<1x16xf32>,
      %broadcast_in_dim3A_141 = arith.constant 0.000000e+00 : f32
      %broadcast_in_dim3A_142 = vector.broadcast %broadcast_in_dim3A_141 : f32 to vector<16xf32>
      %swap3A_143 = arith.index_cast %scan3A_100 : i32 to index
      %swap3A_144 = arith.constant 96 : index
      %swap3A_145 = tpu.vector_load %arg8[%swap3A_143, %swap3A_144] {strides = array<i32>} : memref<128x128xf32, #tpu.memory_space<vmem>>, vector<1x16xf32>,
      %swap3A_146 = vector.shape_cast %swap3A_145 : vector<1x16xf32> to vector<16xf32>
      %swap3A_147 = vector.shape_cast %broadcast_in_dim3A_142 : vector<16xf32> to vector<1x16xf32>
      tpu.vector_store %arg8[%swap3A_143, %swap3A_144], %swap3A_147 {strides = array<i32>} : memref<128x128xf32, #tpu.memory_space<vmem>>, vector<1x16xf32>,
      %broadcast_in_dim3A_148 = arith.constant 0.000000e+00 : f32
      %broadcast_in_dim3A_149 = vector.broadcast %broadcast_in_dim3A_148 : f32 to vector<16xf32>
      %swap3A_150 = arith.index_cast %scan3A_100 : i32 to index
      %swap3A_151 = arith.constant 112 : index
      %swap3A_152 = tpu.vector_load %arg8[%swap3A_150, %swap3A_151] {strides = array<i32>} : memref<128x128xf32, #tpu.memory_space<vmem>>, vector<1x16xf32>,
      %swap3A_153 = vector.shape_cast %swap3A_152 : vector<1x16xf32> to vector<16xf32>
      %swap3A_154 = vector.shape_cast %broadcast_in_dim3A_149 : vector<16xf32> to vector<1x16xf32>
      tpu.vector_store %arg8[%swap3A_150, %swap3A_151], %swap3A_154 {strides = array<i32>} : memref<128x128xf32, #tpu.memory_space<vmem>>, vector<1x16xf32>,
    }
    %scan3A_5 = arith.constant 128 : i32
    %mul3A_6 = arith.constant 5 : i32
    %mul3A_7 = arith.muli %arg1, %mul3A_6 : i32
    %add3A_8 = arith.constant 0 : i32
    %add3A_9 = arith.addi %mul3A_7, %add3A_8 : i32
    %mul3A_10 = arith.constant 128 : i32
    %mul3A_11 = arith.muli %add3A_9, %mul3A_10 : i32
    "tpu.region"() ({
      %run_scoped3A_100 = tpu.sem_alloc : memref<!tpu.dma_semaphore, #tpu.memory_space<semaphore_mem>>
      %dma_start3A_101 = arith.constant 0 : i32
      %dma_start3A_102 = tpu.memref_slice %arg10[%mul3A_11, %dma_start3A_101] : memref<10240x128xf32, #tpu.memory_space<vmem_shared>> -> memref<128x128xf32, #tpu.memory_space<vmem_shared>>
      %dma_start3A_103 = arith.constant 0 : i32
      %dma_start3A_104 = tpu.memref_slice %arg10[%mul3A_11, %dma_start3A_103] : memref<10240x128xf32, #tpu.memory_space<vmem_shared>> -> memref<128x128xf32, #tpu.memory_space<vmem_shared>>
      tpu.enqueue_dma source(%arg8 : memref<128x128xf32, #tpu.memory_space<vmem>>) target(%dma_start3A_104 : memref<128x128xf32, #tpu.memory_space<vmem_shared>>) target_semaphore(%run_scoped3A_100 : memref<!tpu.dma_semaphore, #tpu.memory_space<semaphore_mem>>)
      %dma_wait3A_105 = arith.constant 0 : i32
      %dma_wait3A_106 = tpu.memref_slice %arg10[%mul3A_11, %dma_wait3A_105] : memref<10240x128xf32, #tpu.memory_space<vmem_shared>> -> memref<128x128xf32, #tpu.memory_space<vmem_shared>>
      %dma_wait3A_107 = arith.constant 0 : i32
      %dma_wait3A_108 = tpu.memref_slice %arg10[%mul3A_11, %dma_wait3A_107] : memref<10240x128xf32, #tpu.memory_space<vmem_shared>> -> memref<128x128xf32, #tpu.memory_space<vmem_shared>>
      tpu.wait_dma2 semaphore(%run_scoped3A_100 : memref<!tpu.dma_semaphore, #tpu.memory_space<semaphore_mem>>) src(%arg8 : memref<128x128xf32, #tpu.memory_space<vmem>>) dst(%dma_wait3A_108 : memref<128x128xf32, #tpu.memory_space<vmem_shared>>)
      tpu.yield
    }) : () -> ()
    %mul3A_12 = arith.constant 5 : i32
    %mul3A_13 = arith.muli %arg1, %mul3A_12 : i32
    %add3A_14 = arith.constant 1 : i32
    %add3A_15 = arith.addi %mul3A_13, %add3A_14 : i32
    %mul3A_16 = arith.constant 128 : i32
    %mul3A_17 = arith.muli %add3A_15, %mul3A_16 : i32
    "tpu.region"() ({
      %run_scoped3A_100 = tpu.sem_alloc : memref<!tpu.dma_semaphore, #tpu.memory_space<semaphore_mem>>
      %dma_start3A_101 = arith.constant 0 : i32
      %dma_start3A_102 = tpu.memref_slice %arg10[%mul3A_17, %dma_start3A_101] : memref<10240x128xf32, #tpu.memory_space<vmem_shared>> -> memref<128x128xf32, #tpu.memory_space<vmem_shared>>
      %dma_start3A_103 = arith.constant 0 : i32
      %dma_start3A_104 = tpu.memref_slice %arg10[%mul3A_17, %dma_start3A_103] : memref<10240x128xf32, #tpu.memory_space<vmem_shared>> -> memref<128x128xf32, #tpu.memory_space<vmem_shared>>
      tpu.enqueue_dma source(%arg8 : memref<128x128xf32, #tpu.memory_space<vmem>>) target(%dma_start3A_104 : memref<128x128xf32, #tpu.memory_space<vmem_shared>>) target_semaphore(%run_scoped3A_100 : memref<!tpu.dma_semaphore, #tpu.memory_space<semaphore_mem>>)
      %dma_wait3A_105 = arith.constant 0 : i32
      %dma_wait3A_106 = tpu.memref_slice %arg10[%mul3A_17, %dma_wait3A_105] : memref<10240x128xf32, #tpu.memory_space<vmem_shared>> -> memref<128x128xf32, #tpu.memory_space<vmem_shared>>
      %dma_wait3A_107 = arith.constant 0 : i32
      %dma_wait3A_108 = tpu.memref_slice %arg10[%mul3A_17, %dma_wait3A_107] : memref<10240x128xf32, #tpu.memory_space<vmem_shared>> -> memref<128x128xf32, #tpu.memory_space<vmem_shared>>
      tpu.wait_dma2 semaphore(%run_scoped3A_100 : memref<!tpu.dma_semaphore, #tpu.memory_space<semaphore_mem>>) src(%arg8 : memref<128x128xf32, #tpu.memory_space<vmem>>) dst(%dma_wait3A_108 : memref<128x128xf32, #tpu.memory_space<vmem_shared>>)
      tpu.yield
    }) : () -> ()
    %mul3A_18 = arith.constant 5 : i32
    %mul3A_19 = arith.muli %arg1, %mul3A_18 : i32
    %add3A_20 = arith.constant 2 : i32
    %add3A_21 = arith.addi %mul3A_19, %add3A_20 : i32
    %mul3A_22 = arith.constant 128 : i32
    %mul3A_23 = arith.muli %add3A_21, %mul3A_22 : i32
    "tpu.region"() ({
      %run_scoped3A_100 = tpu.sem_alloc : memref<!tpu.dma_semaphore, #tpu.memory_space<semaphore_mem>>
      %dma_start3A_101 = arith.constant 0 : i32
      %dma_start3A_102 = tpu.memref_slice %arg10[%mul3A_23, %dma_start3A_101] : memref<10240x128xf32, #tpu.memory_space<vmem_shared>> -> memref<128x128xf32, #tpu.memory_space<vmem_shared>>
      %dma_start3A_103 = arith.constant 0 : i32
      %dma_start3A_104 = tpu.memref_slice %arg10[%mul3A_23, %dma_start3A_103] : memref<10240x128xf32, #tpu.memory_space<vmem_shared>> -> memref<128x128xf32, #tpu.memory_space<vmem_shared>>
      tpu.enqueue_dma source(%arg8 : memref<128x128xf32, #tpu.memory_space<vmem>>) target(%dma_start3A_104 : memref<128x128xf32, #tpu.memory_space<vmem_shared>>) target_semaphore(%run_scoped3A_100 : memref<!tpu.dma_semaphore, #tpu.memory_space<semaphore_mem>>)
      %dma_wait3A_105 = arith.constant 0 : i32
      %dma_wait3A_106 = tpu.memref_slice %arg10[%mul3A_23, %dma_wait3A_105] : memref<10240x128xf32, #tpu.memory_space<vmem_shared>> -> memref<128x128xf32, #tpu.memory_space<vmem_shared>>
      %dma_wait3A_107 = arith.constant 0 : i32
      %dma_wait3A_108 = tpu.memref_slice %arg10[%mul3A_23, %dma_wait3A_107] : memref<10240x128xf32, #tpu.memory_space<vmem_shared>> -> memref<128x128xf32, #tpu.memory_space<vmem_shared>>
      tpu.wait_dma2 semaphore(%run_scoped3A_100 : memref<!tpu.dma_semaphore, #tpu.memory_space<semaphore_mem>>) src(%arg8 : memref<128x128xf32, #tpu.memory_space<vmem>>) dst(%dma_wait3A_108 : memref<128x128xf32, #tpu.memory_space<vmem_shared>>)
      tpu.yield
    }) : () -> ()
    %mul3A_24 = arith.constant 5 : i32
    %mul3A_25 = arith.muli %arg1, %mul3A_24 : i32
    %add3A_26 = arith.constant 3 : i32
    %add3A_27 = arith.addi %mul3A_25, %add3A_26 : i32
    %mul3A_28 = arith.constant 128 : i32
    %mul3A_29 = arith.muli %add3A_27, %mul3A_28 : i32
    "tpu.region"() ({
      %run_scoped3A_100 = tpu.sem_alloc : memref<!tpu.dma_semaphore, #tpu.memory_space<semaphore_mem>>
      %dma_start3A_101 = arith.constant 0 : i32
      %dma_start3A_102 = tpu.memref_slice %arg10[%mul3A_29, %dma_start3A_101] : memref<10240x128xf32, #tpu.memory_space<vmem_shared>> -> memref<128x128xf32, #tpu.memory_space<vmem_shared>>
      %dma_start3A_103 = arith.constant 0 : i32
      %dma_start3A_104 = tpu.memref_slice %arg10[%mul3A_29, %dma_start3A_103] : memref<10240x128xf32, #tpu.memory_space<vmem_shared>> -> memref<128x128xf32, #tpu.memory_space<vmem_shared>>
      tpu.enqueue_dma source(%arg8 : memref<128x128xf32, #tpu.memory_space<vmem>>) target(%dma_start3A_104 : memref<128x128xf32, #tpu.memory_space<vmem_shared>>) target_semaphore(%run_scoped3A_100 : memref<!tpu.dma_semaphore, #tpu.memory_space<semaphore_mem>>)
      %dma_wait3A_105 = arith.constant 0 : i32
      %dma_wait3A_106 = tpu.memref_slice %arg10[%mul3A_29, %dma_wait3A_105] : memref<10240x128xf32, #tpu.memory_space<vmem_shared>> -> memref<128x128xf32, #tpu.memory_space<vmem_shared>>
      %dma_wait3A_107 = arith.constant 0 : i32
      %dma_wait3A_108 = tpu.memref_slice %arg10[%mul3A_29, %dma_wait3A_107] : memref<10240x128xf32, #tpu.memory_space<vmem_shared>> -> memref<128x128xf32, #tpu.memory_space<vmem_shared>>
      tpu.wait_dma2 semaphore(%run_scoped3A_100 : memref<!tpu.dma_semaphore, #tpu.memory_space<semaphore_mem>>) src(%arg8 : memref<128x128xf32, #tpu.memory_space<vmem>>) dst(%dma_wait3A_108 : memref<128x128xf32, #tpu.memory_space<vmem_shared>>)
      tpu.yield
    }) : () -> ()
    %mul3A_30 = arith.constant 5 : i32
    %mul3A_31 = arith.muli %arg1, %mul3A_30 : i32
    %add3A_32 = arith.constant 4 : i32
    %add3A_33 = arith.addi %mul3A_31, %add3A_32 : i32
    %mul3A_34 = arith.constant 128 : i32
    %mul3A_35 = arith.muli %add3A_33, %mul3A_34 : i32
    "tpu.region"() ({
      %run_scoped3A_100 = tpu.sem_alloc : memref<!tpu.dma_semaphore, #tpu.memory_space<semaphore_mem>>
      %dma_start3A_101 = arith.constant 0 : i32
      %dma_start3A_102 = tpu.memref_slice %arg10[%mul3A_35, %dma_start3A_101] : memref<10240x128xf32, #tpu.memory_space<vmem_shared>> -> memref<128x128xf32, #tpu.memory_space<vmem_shared>>
      %dma_start3A_103 = arith.constant 0 : i32
      %dma_start3A_104 = tpu.memref_slice %arg10[%mul3A_35, %dma_start3A_103] : memref<10240x128xf32, #tpu.memory_space<vmem_shared>> -> memref<128x128xf32, #tpu.memory_space<vmem_shared>>
      tpu.enqueue_dma source(%arg8 : memref<128x128xf32, #tpu.memory_space<vmem>>) target(%dma_start3A_104 : memref<128x128xf32, #tpu.memory_space<vmem_shared>>) target_semaphore(%run_scoped3A_100 : memref<!tpu.dma_semaphore, #tpu.memory_space<semaphore_mem>>)
      %dma_wait3A_105 = arith.constant 0 : i32
      %dma_wait3A_106 = tpu.memref_slice %arg10[%mul3A_35, %dma_wait3A_105] : memref<10240x128xf32, #tpu.memory_space<vmem_shared>> -> memref<128x128xf32, #tpu.memory_space<vmem_shared>>
      %dma_wait3A_107 = arith.constant 0 : i32
      %dma_wait3A_108 = tpu.memref_slice %arg10[%mul3A_35, %dma_wait3A_107] : memref<10240x128xf32, #tpu.memory_space<vmem_shared>> -> memref<128x128xf32, #tpu.memory_space<vmem_shared>>
      tpu.wait_dma2 semaphore(%run_scoped3A_100 : memref<!tpu.dma_semaphore, #tpu.memory_space<semaphore_mem>>) src(%arg8 : memref<128x128xf32, #tpu.memory_space<vmem>>) dst(%dma_wait3A_108 : memref<128x128xf32, #tpu.memory_space<vmem_shared>>)
      tpu.yield
    }) : () -> ()
    %barrier3A = arith.constant 0 : index
    tpu.barrier barrier_id(%barrier3A)
    %run_scoped3A = arith.constant 0 : i32
    "tpu.region"() ({
      %run_scoped3A_100 = tpu.sem_alloc : memref<!tpu.dma_semaphore, #tpu.memory_space<semaphore_mem>>
      %dma_start3A_101 = arith.constant 0 : i32
      %dma_start3A_102 = arith.constant 0 : i32
      %dma_start3A_103 = tpu.memref_slice %arg3[%run_scoped3A, %add3A, %dma_start3A_101, %dma_start3A_102] : memref<2x32x80x128xi32, #tpu.memory_space<hbm>> -> memref<1x1x40x128xi32, #tpu.memory_space<hbm>>
      %dma_start3A_104 = tpu.memref_squeeze %dma_start3A_103 : memref<1x1x40x128xi32, #tpu.memory_space<hbm>> -> memref<40x128xi32, #tpu.memory_space<hbm>>
      %dma_start3A_105 = arith.constant 0 : i32
      %dma_start3A_106 = arith.constant 0 : i32
      %dma_start3A_107 = tpu.memref_slice %arg3[%run_scoped3A, %add3A, %dma_start3A_105, %dma_start3A_106] : memref<2x32x80x128xi32, #tpu.memory_space<hbm>> -> memref<1x1x40x128xi32, #tpu.memory_space<hbm>>
      %dma_start3A_108 = tpu.memref_squeeze %dma_start3A_107 : memref<1x1x40x128xi32, #tpu.memory_space<hbm>> -> memref<40x128xi32, #tpu.memory_space<hbm>>
      tpu.enqueue_dma source(%dma_start3A_108 : memref<40x128xi32, #tpu.memory_space<hbm>>) target(%arg6 : memref<40x128xi32, #tpu.memory_space<vmem>>) target_semaphore(%run_scoped3A_100 : memref<!tpu.dma_semaphore, #tpu.memory_space<semaphore_mem>>)
      %dma_wait3A_109 = arith.constant 0 : i32
      %dma_wait3A_110 = arith.constant 0 : i32
      %dma_wait3A_111 = tpu.memref_slice %arg3[%run_scoped3A, %add3A, %dma_wait3A_109, %dma_wait3A_110] : memref<2x32x80x128xi32, #tpu.memory_space<hbm>> -> memref<1x1x40x128xi32, #tpu.memory_space<hbm>>
      %dma_wait3A_112 = tpu.memref_squeeze %dma_wait3A_111 : memref<1x1x40x128xi32, #tpu.memory_space<hbm>> -> memref<40x128xi32, #tpu.memory_space<hbm>>
      %dma_wait3A_113 = arith.constant 0 : i32
      %dma_wait3A_114 = arith.constant 0 : i32
      %dma_wait3A_115 = tpu.memref_slice %arg3[%run_scoped3A, %add3A, %dma_wait3A_113, %dma_wait3A_114] : memref<2x32x80x128xi32, #tpu.memory_space<hbm>> -> memref<1x1x40x128xi32, #tpu.memory_space<hbm>>
      %dma_wait3A_116 = tpu.memref_squeeze %dma_wait3A_115 : memref<1x1x40x128xi32, #tpu.memory_space<hbm>> -> memref<40x128xi32, #tpu.memory_space<hbm>>
      tpu.wait_dma2 semaphore(%run_scoped3A_100 : memref<!tpu.dma_semaphore, #tpu.memory_space<semaphore_mem>>) src(%dma_wait3A_116 : memref<40x128xi32, #tpu.memory_space<hbm>>) dst(%arg6 : memref<40x128xi32, #tpu.memory_space<vmem>>)
      tpu.yield
    }) : () -> ()
    %run_scoped3A_36 = arith.constant 1 : i32
    "tpu.region"() ({
      %run_scoped3A_100 = tpu.sem_alloc : memref<!tpu.dma_semaphore, #tpu.memory_space<semaphore_mem>>
      %dma_start3A_101 = arith.constant 0 : i32
      %dma_start3A_102 = arith.constant 0 : i32
      %dma_start3A_103 = tpu.memref_slice %arg3[%run_scoped3A_36, %add3A, %dma_start3A_101, %dma_start3A_102] : memref<2x32x80x128xi32, #tpu.memory_space<hbm>> -> memref<1x1x40x128xi32, #tpu.memory_space<hbm>>
      %dma_start3A_104 = tpu.memref_squeeze %dma_start3A_103 : memref<1x1x40x128xi32, #tpu.memory_space<hbm>> -> memref<40x128xi32, #tpu.memory_space<hbm>>
      %dma_start3A_105 = arith.constant 0 : i32
      %dma_start3A_106 = arith.constant 0 : i32
      %dma_start3A_107 = tpu.memref_slice %arg3[%run_scoped3A_36, %add3A, %dma_start3A_105, %dma_start3A_106] : memref<2x32x80x128xi32, #tpu.memory_space<hbm>> -> memref<1x1x40x128xi32, #tpu.memory_space<hbm>>
      %dma_start3A_108 = tpu.memref_squeeze %dma_start3A_107 : memref<1x1x40x128xi32, #tpu.memory_space<hbm>> -> memref<40x128xi32, #tpu.memory_space<hbm>>
      tpu.enqueue_dma source(%dma_start3A_108 : memref<40x128xi32, #tpu.memory_space<hbm>>) target(%arg7 : memref<40x128xi32, #tpu.memory_space<vmem>>) target_semaphore(%run_scoped3A_100 : memref<!tpu.dma_semaphore, #tpu.memory_space<semaphore_mem>>)
      %dma_wait3A_109 = arith.constant 0 : i32
      %dma_wait3A_110 = arith.constant 0 : i32
      %dma_wait3A_111 = tpu.memref_slice %arg3[%run_scoped3A_36, %add3A, %dma_wait3A_109, %dma_wait3A_110] : memref<2x32x80x128xi32, #tpu.memory_space<hbm>> -> memref<1x1x40x128xi32, #tpu.memory_space<hbm>>
      %dma_wait3A_112 = tpu.memref_squeeze %dma_wait3A_111 : memref<1x1x40x128xi32, #tpu.memory_space<hbm>> -> memref<40x128xi32, #tpu.memory_space<hbm>>
      %dma_wait3A_113 = arith.constant 0 : i32
      %dma_wait3A_114 = arith.constant 0 : i32
      %dma_wait3A_115 = tpu.memref_slice %arg3[%run_scoped3A_36, %add3A, %dma_wait3A_113, %dma_wait3A_114] : memref<2x32x80x128xi32, #tpu.memory_space<hbm>> -> memref<1x1x40x128xi32, #tpu.memory_space<hbm>>
      %dma_wait3A_116 = tpu.memref_squeeze %dma_wait3A_115 : memref<1x1x40x128xi32, #tpu.memory_space<hbm>> -> memref<40x128xi32, #tpu.memory_space<hbm>>
      tpu.wait_dma2 semaphore(%run_scoped3A_100 : memref<!tpu.dma_semaphore, #tpu.memory_space<semaphore_mem>>) src(%dma_wait3A_116 : memref<40x128xi32, #tpu.memory_space<hbm>>) dst(%arg7 : memref<40x128xi32, #tpu.memory_space<vmem>>)
      tpu.yield
    }) : () -> ()
    %dma_start3A = arith.constant 0 : i32
    %dma_start3A_37 = arith.constant 0 : i32
    %dma_start3A_38 = tpu.memref_slice %arg6[%dma_start3A, %dma_start3A_37] : memref<40x128xi32, #tpu.memory_space<vmem>> -> memref<1x128xi32, #tpu.memory_space<vmem>>
    %dma_start3A_39 = tpu.memref_squeeze %dma_start3A_38 : memref<1x128xi32, #tpu.memory_space<vmem>> -> memref<128xi32, #tpu.memory_space<vmem>>
    %dma_start3A_40 = arith.constant 0 : i32
    %dma_start3A_41 = arith.constant 0 : i32
    %dma_start3A_42 = tpu.memref_slice %arg2[%dma_start3A_40, %dma_start3A_41] : memref<10000x128xf32, #tpu.memory_space<hbm>> -> memref<10000x128xf32, #tpu.memory_space<hbm>>
    tpu.enqueue_indirect_dma source(%dma_start3A_42 : memref<10000x128xf32, #tpu.memory_space<hbm>>) target(%arg8 : memref<128x128xf32, #tpu.memory_space<vmem>>) offsets(%dma_start3A_39 : memref<128xi32, #tpu.memory_space<vmem>>) semaphore(%arg11 : memref<!tpu.dma_semaphore, #tpu.memory_space<semaphore_mem>>)
    %scan3A_43 = arith.constant 0 : i32
    %scan3A_44 = arith.constant 0 : i32
    %scan3A_45 = arith.constant 20 : i32
    %scan3A_46 = arith.addi %scan3A_44, %scan3A_45 : i32
    %scan3A_47 = arith.constant 1 : i32
    scf.for %scan3A_100 = %scan3A_44 to %scan3A_46 step %scan3A_47  : i32 {
      %mul3A_101 = arith.constant 2 : i32
      %mul3A_102 = arith.muli %mul3A_101, %scan3A_100 : i32
      %add3A_103 = arith.constant 1 : i32
      %add3A_104 = arith.addi %mul3A_102, %add3A_103 : i32
      %dma_start3A_105 = arith.constant 0 : i32
      %dma_start3A_106 = tpu.memref_slice %arg6[%add3A_104, %dma_start3A_105] : memref<40x128xi32, #tpu.memory_space<vmem>> -> memref<1x128xi32, #tpu.memory_space<vmem>>
      %dma_start3A_107 = tpu.memref_squeeze %dma_start3A_106 : memref<1x128xi32, #tpu.memory_space<vmem>> -> memref<128xi32, #tpu.memory_space<vmem>>
      %dma_start3A_108 = arith.constant 0 : i32
      %dma_start3A_109 = arith.constant 0 : i32
      %dma_start3A_110 = tpu.memref_slice %arg2[%dma_start3A_108, %dma_start3A_109] : memref<10000x128xf32, #tpu.memory_space<hbm>> -> memref<10000x128xf32, #tpu.memory_space<hbm>>
      tpu.enqueue_indirect_dma source(%dma_start3A_110 : memref<10000x128xf32, #tpu.memory_space<hbm>>) target(%arg9 : memref<128x128xf32, #tpu.memory_space<vmem>>) offsets(%dma_start3A_107 : memref<128xi32, #tpu.memory_space<vmem>>) semaphore(%arg12 : memref<!tpu.dma_semaphore, #tpu.memory_space<semaphore_mem>>)
      %dma_wait3A_111 = arith.constant 0 : i32
      %dma_wait3A_112 = arith.constant 0 : i32
      %dma_wait3A_113 = tpu.memref_slice %arg6[%dma_wait3A_111, %dma_wait3A_112] : memref<40x128xi32, #tpu.memory_space<vmem>> -> memref<1x128xi32, #tpu.memory_space<vmem>>
      %dma_wait3A_114 = tpu.memref_squeeze %dma_wait3A_113 : memref<1x128xi32, #tpu.memory_space<vmem>> -> memref<128xi32, #tpu.memory_space<vmem>>
      %dma_wait3A_115 = arith.constant 0 : i32
      %dma_wait3A_116 = arith.constant 0 : i32
      %dma_wait3A_117 = tpu.memref_slice %arg2[%dma_wait3A_115, %dma_wait3A_116] : memref<10000x128xf32, #tpu.memory_space<hbm>> -> memref<10000x128xf32, #tpu.memory_space<hbm>>
      tpu.wait_indirect_dma semaphore(%arg11 : memref<!tpu.dma_semaphore, #tpu.memory_space<semaphore_mem>>) src(%dma_wait3A_117 : memref<10000x128xf32, #tpu.memory_space<hbm>>) dst(%arg8 : memref<128x128xf32, #tpu.memory_space<vmem>>)
      "tpu.region"() ({
        %run_scoped3A_138 = tpu.sem_alloc : memref<!tpu.dma_semaphore, #tpu.memory_space<semaphore_mem>>
        %dma_start3A_139 = arith.constant 0 : i32
        %dma_start3A_140 = tpu.memref_slice %arg7[%mul3A_102, %dma_start3A_139] : memref<40x128xi32, #tpu.memory_space<vmem>> -> memref<1x128xi32, #tpu.memory_space<vmem>>
        %dma_start3A_141 = tpu.memref_squeeze %dma_start3A_140 : memref<1x128xi32, #tpu.memory_space<vmem>> -> memref<128xi32, #tpu.memory_space<vmem>>
        %dma_start3A_142 = arith.constant 0 : i32
        %dma_start3A_143 = arith.constant 0 : i32
        %dma_start3A_144 = tpu.memref_slice %arg10[%dma_start3A_142, %dma_start3A_143] : memref<10240x128xf32, #tpu.memory_space<vmem_shared>> -> memref<10240x128xf32, #tpu.memory_space<vmem_shared>>
        tpu.enqueue_indirect_dma source(%arg8 : memref<128x128xf32, #tpu.memory_space<vmem>>) target(%dma_start3A_144 : memref<10240x128xf32, #tpu.memory_space<vmem_shared>>) offsets(%dma_start3A_141 : memref<128xi32, #tpu.memory_space<vmem>>) semaphore(%run_scoped3A_138 : memref<!tpu.dma_semaphore, #tpu.memory_space<semaphore_mem>>) {add = true}
        %dma_wait3A_145 = arith.constant 0 : i32
        %dma_wait3A_146 = tpu.memref_slice %arg7[%mul3A_102, %dma_wait3A_145] : memref<40x128xi32, #tpu.memory_space<vmem>> -> memref<1x128xi32, #tpu.memory_space<vmem>>
        %dma_wait3A_147 = tpu.memref_squeeze %dma_wait3A_146 : memref<1x128xi32, #tpu.memory_space<vmem>> -> memref<128xi32, #tpu.memory_space<vmem>>
        %dma_wait3A_148 = arith.constant 0 : i32
        %dma_wait3A_149 = arith.constant 0 : i32
        %dma_wait3A_150 = tpu.memref_slice %arg10[%dma_wait3A_148, %dma_wait3A_149] : memref<10240x128xf32, #tpu.memory_space<vmem_shared>> -> memref<10240x128xf32, #tpu.memory_space<vmem_shared>>
        tpu.wait_indirect_dma semaphore(%run_scoped3A_138 : memref<!tpu.dma_semaphore, #tpu.memory_space<semaphore_mem>>) src(%arg8 : memref<128x128xf32, #tpu.memory_space<vmem>>) dst(%dma_wait3A_150 : memref<10240x128xf32, #tpu.memory_space<vmem_shared>>)
        tpu.yield
      }) : () -> ()
      %add3A_118 = arith.constant 2 : i32
      %add3A_119 = arith.addi %mul3A_102, %add3A_118 : i32
      %ge3A = arith.constant 40 : i32
      %ge3A_120 = arith.cmpi sge, %add3A_119, %ge3A : i32
      %add3A_121 = arith.constant 2 : i32
      %add3A_122 = arith.addi %mul3A_102, %add3A_121 : i32
      %jit3A = arith.constant 0 : i32
      %select_n3A = arith.select %ge3A_120, %jit3A, %add3A_122 : i32
      %dma_start3A_123 = arith.constant 0 : i32
      %dma_start3A_124 = tpu.memref_slice %arg6[%select_n3A, %dma_start3A_123] : memref<40x128xi32, #tpu.memory_space<vmem>> -> memref<1x128xi32, #tpu.memory_space<vmem>>
      %dma_start3A_125 = tpu.memref_squeeze %dma_start3A_124 : memref<1x128xi32, #tpu.memory_space<vmem>> -> memref<128xi32, #tpu.memory_space<vmem>>
      %dma_start3A_126 = arith.constant 0 : i32
      %dma_start3A_127 = arith.constant 0 : i32
      %dma_start3A_128 = tpu.memref_slice %arg2[%dma_start3A_126, %dma_start3A_127] : memref<10000x128xf32, #tpu.memory_space<hbm>> -> memref<10000x128xf32, #tpu.memory_space<hbm>>
      tpu.enqueue_indirect_dma source(%dma_start3A_128 : memref<10000x128xf32, #tpu.memory_space<hbm>>) target(%arg8 : memref<128x128xf32, #tpu.memory_space<vmem>>) offsets(%dma_start3A_125 : memref<128xi32, #tpu.memory_space<vmem>>) semaphore(%arg11 : memref<!tpu.dma_semaphore, #tpu.memory_space<semaphore_mem>>)
      %dma_wait3A_129 = arith.constant 0 : i32
      %dma_wait3A_130 = arith.constant 0 : i32
      %dma_wait3A_131 = tpu.memref_slice %arg6[%dma_wait3A_129, %dma_wait3A_130] : memref<40x128xi32, #tpu.memory_space<vmem>> -> memref<1x128xi32, #tpu.memory_space<vmem>>
      %dma_wait3A_132 = tpu.memref_squeeze %dma_wait3A_131 : memref<1x128xi32, #tpu.memory_space<vmem>> -> memref<128xi32, #tpu.memory_space<vmem>>
      %dma_wait3A_133 = arith.constant 0 : i32
      %dma_wait3A_134 = arith.constant 0 : i32
      %dma_wait3A_135 = tpu.memref_slice %arg2[%dma_wait3A_133, %dma_wait3A_134] : memref<10000x128xf32, #tpu.memory_space<hbm>> -> memref<10000x128xf32, #tpu.memory_space<hbm>>
      tpu.wait_indirect_dma semaphore(%arg12 : memref<!tpu.dma_semaphore, #tpu.memory_space<semaphore_mem>>) src(%dma_wait3A_135 : memref<10000x128xf32, #tpu.memory_space<hbm>>) dst(%arg9 : memref<128x128xf32, #tpu.memory_space<vmem>>)
      %add3A_136 = arith.constant 1 : i32
      %add3A_137 = arith.addi %mul3A_102, %add3A_136 : i32
      "tpu.region"() ({
        %run_scoped3A_138 = tpu.sem_alloc : memref<!tpu.dma_semaphore, #tpu.memory_space<semaphore_mem>>
        %dma_start3A_139 = arith.constant 0 : i32
        %dma_start3A_140 = tpu.memref_slice %arg7[%add3A_137, %dma_start3A_139] : memref<40x128xi32, #tpu.memory_space<vmem>> -> memref<1x128xi32, #tpu.memory_space<vmem>>
        %dma_start3A_141 = tpu.memref_squeeze %dma_start3A_140 : memref<1x128xi32, #tpu.memory_space<vmem>> -> memref<128xi32, #tpu.memory_space<vmem>>
        %dma_start3A_142 = arith.constant 0 : i32
        %dma_start3A_143 = arith.constant 0 : i32
        %dma_start3A_144 = tpu.memref_slice %arg10[%dma_start3A_142, %dma_start3A_143] : memref<10240x128xf32, #tpu.memory_space<vmem_shared>> -> memref<10240x128xf32, #tpu.memory_space<vmem_shared>>
        tpu.enqueue_indirect_dma source(%arg9 : memref<128x128xf32, #tpu.memory_space<vmem>>) target(%dma_start3A_144 : memref<10240x128xf32, #tpu.memory_space<vmem_shared>>) offsets(%dma_start3A_141 : memref<128xi32, #tpu.memory_space<vmem>>) semaphore(%run_scoped3A_138 : memref<!tpu.dma_semaphore, #tpu.memory_space<semaphore_mem>>) {add = true}
        %dma_wait3A_145 = arith.constant 0 : i32
        %dma_wait3A_146 = tpu.memref_slice %arg7[%add3A_137, %dma_wait3A_145] : memref<40x128xi32, #tpu.memory_space<vmem>> -> memref<1x128xi32, #tpu.memory_space<vmem>>
        %dma_wait3A_147 = tpu.memref_squeeze %dma_wait3A_146 : memref<1x128xi32, #tpu.memory_space<vmem>> -> memref<128xi32, #tpu.memory_space<vmem>>
        %dma_wait3A_148 = arith.constant 0 : i32
        %dma_wait3A_149 = arith.constant 0 : i32
        %dma_wait3A_150 = tpu.memref_slice %arg10[%dma_wait3A_148, %dma_wait3A_149] : memref<10240x128xf32, #tpu.memory_space<vmem_shared>> -> memref<10240x128xf32, #tpu.memory_space<vmem_shared>>
        tpu.wait_indirect_dma semaphore(%run_scoped3A_138 : memref<!tpu.dma_semaphore, #tpu.memory_space<semaphore_mem>>) src(%arg9 : memref<128x128xf32, #tpu.memory_space<vmem>>) dst(%dma_wait3A_150 : memref<10240x128xf32, #tpu.memory_space<vmem_shared>>)
        tpu.yield
      }) : () -> ()
    }
    %scan3A_48 = arith.constant 20 : i32
    %dma_wait3A = arith.constant 0 : i32
    %dma_wait3A_49 = arith.constant 0 : i32
    %dma_wait3A_50 = tpu.memref_slice %arg6[%dma_wait3A, %dma_wait3A_49] : memref<40x128xi32, #tpu.memory_space<vmem>> -> memref<1x128xi32, #tpu.memory_space<vmem>>
    %dma_wait3A_51 = tpu.memref_squeeze %dma_wait3A_50 : memref<1x128xi32, #tpu.memory_space<vmem>> -> memref<128xi32, #tpu.memory_space<vmem>>
    %dma_wait3A_52 = arith.constant 0 : i32
    %dma_wait3A_53 = arith.constant 0 : i32
    %dma_wait3A_54 = tpu.memref_slice %arg2[%dma_wait3A_52, %dma_wait3A_53] : memref<10000x128xf32, #tpu.memory_space<hbm>> -> memref<10000x128xf32, #tpu.memory_space<hbm>>
    tpu.wait_indirect_dma semaphore(%arg11 : memref<!tpu.dma_semaphore, #tpu.memory_space<semaphore_mem>>) src(%dma_wait3A_54 : memref<10000x128xf32, #tpu.memory_space<hbm>>) dst(%arg8 : memref<128x128xf32, #tpu.memory_space<vmem>>)
    %run_scoped3A_55 = arith.constant 0 : i32
    "tpu.region"() ({
      %run_scoped3A_100 = tpu.sem_alloc : memref<!tpu.dma_semaphore, #tpu.memory_space<semaphore_mem>>
      %dma_start3A_101 = arith.constant 40 : i32
      %dma_start3A_102 = arith.constant 0 : i32
      %dma_start3A_103 = tpu.memref_slice %arg3[%run_scoped3A_55, %add3A, %dma_start3A_101, %dma_start3A_102] : memref<2x32x80x128xi32, #tpu.memory_space<hbm>> -> memref<1x1x40x128xi32, #tpu.memory_space<hbm>>
      %dma_start3A_104 = tpu.memref_squeeze %dma_start3A_103 : memref<1x1x40x128xi32, #tpu.memory_space<hbm>> -> memref<40x128xi32, #tpu.memory_space<hbm>>
      %dma_start3A_105 = arith.constant 40 : i32
      %dma_start3A_106 = arith.constant 0 : i32
      %dma_start3A_107 = tpu.memref_slice %arg3[%run_scoped3A_55, %add3A, %dma_start3A_105, %dma_start3A_106] : memref<2x32x80x128xi32, #tpu.memory_space<hbm>> -> memref<1x1x40x128xi32, #tpu.memory_space<hbm>>
      %dma_start3A_108 = tpu.memref_squeeze %dma_start3A_107 : memref<1x1x40x128xi32, #tpu.memory_space<hbm>> -> memref<40x128xi32, #tpu.memory_space<hbm>>
      tpu.enqueue_dma source(%dma_start3A_108 : memref<40x128xi32, #tpu.memory_space<hbm>>) target(%arg6 : memref<40x128xi32, #tpu.memory_space<vmem>>) target_semaphore(%run_scoped3A_100 : memref<!tpu.dma_semaphore, #tpu.memory_space<semaphore_mem>>)
      %dma_wait3A_109 = arith.constant 40 : i32
      %dma_wait3A_110 = arith.constant 0 : i32
      %dma_wait3A_111 = tpu.memref_slice %arg3[%run_scoped3A_55, %add3A, %dma_wait3A_109, %dma_wait3A_110] : memref<2x32x80x128xi32, #tpu.memory_space<hbm>> -> memref<1x1x40x128xi32, #tpu.memory_space<hbm>>
      %dma_wait3A_112 = tpu.memref_squeeze %dma_wait3A_111 : memref<1x1x40x128xi32, #tpu.memory_space<hbm>> -> memref<40x128xi32, #tpu.memory_space<hbm>>
      %dma_wait3A_113 = arith.constant 40 : i32
      %dma_wait3A_114 = arith.constant 0 : i32
      %dma_wait3A_115 = tpu.memref_slice %arg3[%run_scoped3A_55, %add3A, %dma_wait3A_113, %dma_wait3A_114] : memref<2x32x80x128xi32, #tpu.memory_space<hbm>> -> memref<1x1x40x128xi32, #tpu.memory_space<hbm>>
      %dma_wait3A_116 = tpu.memref_squeeze %dma_wait3A_115 : memref<1x1x40x128xi32, #tpu.memory_space<hbm>> -> memref<40x128xi32, #tpu.memory_space<hbm>>
      tpu.wait_dma2 semaphore(%run_scoped3A_100 : memref<!tpu.dma_semaphore, #tpu.memory_space<semaphore_mem>>) src(%dma_wait3A_116 : memref<40x128xi32, #tpu.memory_space<hbm>>) dst(%arg6 : memref<40x128xi32, #tpu.memory_space<vmem>>)
      tpu.yield
    }) : () -> ()
    %run_scoped3A_56 = arith.constant 1 : i32
    "tpu.region"() ({
      %run_scoped3A_100 = tpu.sem_alloc : memref<!tpu.dma_semaphore, #tpu.memory_space<semaphore_mem>>
      %dma_start3A_101 = arith.constant 40 : i32
      %dma_start3A_102 = arith.constant 0 : i32
      %dma_start3A_103 = tpu.memref_slice %arg3[%run_scoped3A_56, %add3A, %dma_start3A_101, %dma_start3A_102] : memref<2x32x80x128xi32, #tpu.memory_space<hbm>> -> memref<1x1x40x128xi32, #tpu.memory_space<hbm>>
      %dma_start3A_104 = tpu.memref_squeeze %dma_start3A_103 : memref<1x1x40x128xi32, #tpu.memory_space<hbm>> -> memref<40x128xi32, #tpu.memory_space<hbm>>
      %dma_start3A_105 = arith.constant 40 : i32
      %dma_start3A_106 = arith.constant 0 : i32
      %dma_start3A_107 = tpu.memref_slice %arg3[%run_scoped3A_56, %add3A, %dma_start3A_105, %dma_start3A_106] : memref<2x32x80x128xi32, #tpu.memory_space<hbm>> -> memref<1x1x40x128xi32, #tpu.memory_space<hbm>>
      %dma_start3A_108 = tpu.memref_squeeze %dma_start3A_107 : memref<1x1x40x128xi32, #tpu.memory_space<hbm>> -> memref<40x128xi32, #tpu.memory_space<hbm>>
      tpu.enqueue_dma source(%dma_start3A_108 : memref<40x128xi32, #tpu.memory_space<hbm>>) target(%arg7 : memref<40x128xi32, #tpu.memory_space<vmem>>) target_semaphore(%run_scoped3A_100 : memref<!tpu.dma_semaphore, #tpu.memory_space<semaphore_mem>>)
      %dma_wait3A_109 = arith.constant 40 : i32
      %dma_wait3A_110 = arith.constant 0 : i32
      %dma_wait3A_111 = tpu.memref_slice %arg3[%run_scoped3A_56, %add3A, %dma_wait3A_109, %dma_wait3A_110] : memref<2x32x80x128xi32, #tpu.memory_space<hbm>> -> memref<1x1x40x128xi32, #tpu.memory_space<hbm>>
      %dma_wait3A_112 = tpu.memref_squeeze %dma_wait3A_111 : memref<1x1x40x128xi32, #tpu.memory_space<hbm>> -> memref<40x128xi32, #tpu.memory_space<hbm>>
      %dma_wait3A_113 = arith.constant 40 : i32
      %dma_wait3A_114 = arith.constant 0 : i32
      %dma_wait3A_115 = tpu.memref_slice %arg3[%run_scoped3A_56, %add3A, %dma_wait3A_113, %dma_wait3A_114] : memref<2x32x80x128xi32, #tpu.memory_space<hbm>> -> memref<1x1x40x128xi32, #tpu.memory_space<hbm>>
      %dma_wait3A_116 = tpu.memref_squeeze %dma_wait3A_115 : memref<1x1x40x128xi32, #tpu.memory_space<hbm>> -> memref<40x128xi32, #tpu.memory_space<hbm>>
      tpu.wait_dma2 semaphore(%run_scoped3A_100 : memref<!tpu.dma_semaphore, #tpu.memory_space<semaphore_mem>>) src(%dma_wait3A_116 : memref<40x128xi32, #tpu.memory_space<hbm>>) dst(%arg7 : memref<40x128xi32, #tpu.memory_space<vmem>>)
      tpu.yield
    }) : () -> ()
    %dma_start3A_57 = arith.constant 0 : i32
    %dma_start3A_58 = arith.constant 0 : i32
    %dma_start3A_59 = tpu.memref_slice %arg6[%dma_start3A_57, %dma_start3A_58] : memref<40x128xi32, #tpu.memory_space<vmem>> -> memref<1x128xi32, #tpu.memory_space<vmem>>
    %dma_start3A_60 = tpu.memref_squeeze %dma_start3A_59 : memref<1x128xi32, #tpu.memory_space<vmem>> -> memref<128xi32, #tpu.memory_space<vmem>>
    %dma_start3A_61 = arith.constant 0 : i32
    %dma_start3A_62 = arith.constant 0 : i32
    %dma_start3A_63 = tpu.memref_slice %arg2[%dma_start3A_61, %dma_start3A_62] : memref<10000x128xf32, #tpu.memory_space<hbm>> -> memref<10000x128xf32, #tpu.memory_space<hbm>>
    tpu.enqueue_indirect_dma source(%dma_start3A_63 : memref<10000x128xf32, #tpu.memory_space<hbm>>) target(%arg8 : memref<128x128xf32, #tpu.memory_space<vmem>>) offsets(%dma_start3A_60 : memref<128xi32, #tpu.memory_space<vmem>>) semaphore(%arg11 : memref<!tpu.dma_semaphore, #tpu.memory_space<semaphore_mem>>)
    %scan3A_64 = arith.constant 0 : i32
    %scan3A_65 = arith.constant 0 : i32
    %scan3A_66 = arith.constant 20 : i32
    %scan3A_67 = arith.addi %scan3A_65, %scan3A_66 : i32
    %scan3A_68 = arith.constant 1 : i32
    scf.for %scan3A_100 = %scan3A_65 to %scan3A_67 step %scan3A_68  : i32 {
      %mul3A_101 = arith.constant 2 : i32
      %mul3A_102 = arith.muli %mul3A_101, %scan3A_100 : i32
      %add3A_103 = arith.constant 1 : i32
      %add3A_104 = arith.addi %mul3A_102, %add3A_103 : i32
      %dma_start3A_105 = arith.constant 0 : i32
      %dma_start3A_106 = tpu.memref_slice %arg6[%add3A_104, %dma_start3A_105] : memref<40x128xi32, #tpu.memory_space<vmem>> -> memref<1x128xi32, #tpu.memory_space<vmem>>
      %dma_start3A_107 = tpu.memref_squeeze %dma_start3A_106 : memref<1x128xi32, #tpu.memory_space<vmem>> -> memref<128xi32, #tpu.memory_space<vmem>>
      %dma_start3A_108 = arith.constant 0 : i32
      %dma_start3A_109 = arith.constant 0 : i32
      %dma_start3A_110 = tpu.memref_slice %arg2[%dma_start3A_108, %dma_start3A_109] : memref<10000x128xf32, #tpu.memory_space<hbm>> -> memref<10000x128xf32, #tpu.memory_space<hbm>>
      tpu.enqueue_indirect_dma source(%dma_start3A_110 : memref<10000x128xf32, #tpu.memory_space<hbm>>) target(%arg9 : memref<128x128xf32, #tpu.memory_space<vmem>>) offsets(%dma_start3A_107 : memref<128xi32, #tpu.memory_space<vmem>>) semaphore(%arg12 : memref<!tpu.dma_semaphore, #tpu.memory_space<semaphore_mem>>)
      %dma_wait3A_111 = arith.constant 0 : i32
      %dma_wait3A_112 = arith.constant 0 : i32
      %dma_wait3A_113 = tpu.memref_slice %arg6[%dma_wait3A_111, %dma_wait3A_112] : memref<40x128xi32, #tpu.memory_space<vmem>> -> memref<1x128xi32, #tpu.memory_space<vmem>>
      %dma_wait3A_114 = tpu.memref_squeeze %dma_wait3A_113 : memref<1x128xi32, #tpu.memory_space<vmem>> -> memref<128xi32, #tpu.memory_space<vmem>>
      %dma_wait3A_115 = arith.constant 0 : i32
      %dma_wait3A_116 = arith.constant 0 : i32
      %dma_wait3A_117 = tpu.memref_slice %arg2[%dma_wait3A_115, %dma_wait3A_116] : memref<10000x128xf32, #tpu.memory_space<hbm>> -> memref<10000x128xf32, #tpu.memory_space<hbm>>
      tpu.wait_indirect_dma semaphore(%arg11 : memref<!tpu.dma_semaphore, #tpu.memory_space<semaphore_mem>>) src(%dma_wait3A_117 : memref<10000x128xf32, #tpu.memory_space<hbm>>) dst(%arg8 : memref<128x128xf32, #tpu.memory_space<vmem>>)
      "tpu.region"() ({
        %run_scoped3A_138 = tpu.sem_alloc : memref<!tpu.dma_semaphore, #tpu.memory_space<semaphore_mem>>
        %dma_start3A_139 = arith.constant 0 : i32
        %dma_start3A_140 = tpu.memref_slice %arg7[%mul3A_102, %dma_start3A_139] : memref<40x128xi32, #tpu.memory_space<vmem>> -> memref<1x128xi32, #tpu.memory_space<vmem>>
        %dma_start3A_141 = tpu.memref_squeeze %dma_start3A_140 : memref<1x128xi32, #tpu.memory_space<vmem>> -> memref<128xi32, #tpu.memory_space<vmem>>
        %dma_start3A_142 = arith.constant 0 : i32
        %dma_start3A_143 = arith.constant 0 : i32
        %dma_start3A_144 = tpu.memref_slice %arg10[%dma_start3A_142, %dma_start3A_143] : memref<10240x128xf32, #tpu.memory_space<vmem_shared>> -> memref<10240x128xf32, #tpu.memory_space<vmem_shared>>
        tpu.enqueue_indirect_dma source(%arg8 : memref<128x128xf32, #tpu.memory_space<vmem>>) target(%dma_start3A_144 : memref<10240x128xf32, #tpu.memory_space<vmem_shared>>) offsets(%dma_start3A_141 : memref<128xi32, #tpu.memory_space<vmem>>) semaphore(%run_scoped3A_138 : memref<!tpu.dma_semaphore, #tpu.memory_space<semaphore_mem>>) {add = true}
        %dma_wait3A_145 = arith.constant 0 : i32
        %dma_wait3A_146 = tpu.memref_slice %arg7[%mul3A_102, %dma_wait3A_145] : memref<40x128xi32, #tpu.memory_space<vmem>> -> memref<1x128xi32, #tpu.memory_space<vmem>>
        %dma_wait3A_147 = tpu.memref_squeeze %dma_wait3A_146 : memref<1x128xi32, #tpu.memory_space<vmem>> -> memref<128xi32, #tpu.memory_space<vmem>>
        %dma_wait3A_148 = arith.constant 0 : i32
        %dma_wait3A_149 = arith.constant 0 : i32
        %dma_wait3A_150 = tpu.memref_slice %arg10[%dma_wait3A_148, %dma_wait3A_149] : memref<10240x128xf32, #tpu.memory_space<vmem_shared>> -> memref<10240x128xf32, #tpu.memory_space<vmem_shared>>
        tpu.wait_indirect_dma semaphore(%run_scoped3A_138 : memref<!tpu.dma_semaphore, #tpu.memory_space<semaphore_mem>>) src(%arg8 : memref<128x128xf32, #tpu.memory_space<vmem>>) dst(%dma_wait3A_150 : memref<10240x128xf32, #tpu.memory_space<vmem_shared>>)
        tpu.yield
      }) : () -> ()
      %add3A_118 = arith.constant 2 : i32
      %add3A_119 = arith.addi %mul3A_102, %add3A_118 : i32
      %ge3A = arith.constant 40 : i32
      %ge3A_120 = arith.cmpi sge, %add3A_119, %ge3A : i32
      %add3A_121 = arith.constant 2 : i32
      %add3A_122 = arith.addi %mul3A_102, %add3A_121 : i32
      %jit3A = arith.constant 0 : i32
      %select_n3A = arith.select %ge3A_120, %jit3A, %add3A_122 : i32
      %dma_start3A_123 = arith.constant 0 : i32
      %dma_start3A_124 = tpu.memref_slice %arg6[%select_n3A, %dma_start3A_123] : memref<40x128xi32, #tpu.memory_space<vmem>> -> memref<1x128xi32, #tpu.memory_space<vmem>>
      %dma_start3A_125 = tpu.memref_squeeze %dma_start3A_124 : memref<1x128xi32, #tpu.memory_space<vmem>> -> memref<128xi32, #tpu.memory_space<vmem>>
      %dma_start3A_126 = arith.constant 0 : i32
      %dma_start3A_127 = arith.constant 0 : i32
      %dma_start3A_128 = tpu.memref_slice %arg2[%dma_start3A_126, %dma_start3A_127] : memref<10000x128xf32, #tpu.memory_space<hbm>> -> memref<10000x128xf32, #tpu.memory_space<hbm>>
      tpu.enqueue_indirect_dma source(%dma_start3A_128 : memref<10000x128xf32, #tpu.memory_space<hbm>>) target(%arg8 : memref<128x128xf32, #tpu.memory_space<vmem>>) offsets(%dma_start3A_125 : memref<128xi32, #tpu.memory_space<vmem>>) semaphore(%arg11 : memref<!tpu.dma_semaphore, #tpu.memory_space<semaphore_mem>>)
      %dma_wait3A_129 = arith.constant 0 : i32
      %dma_wait3A_130 = arith.constant 0 : i32
      %dma_wait3A_131 = tpu.memref_slice %arg6[%dma_wait3A_129, %dma_wait3A_130] : memref<40x128xi32, #tpu.memory_space<vmem>> -> memref<1x128xi32, #tpu.memory_space<vmem>>
      %dma_wait3A_132 = tpu.memref_squeeze %dma_wait3A_131 : memref<1x128xi32, #tpu.memory_space<vmem>> -> memref<128xi32, #tpu.memory_space<vmem>>
      %dma_wait3A_133 = arith.constant 0 : i32
      %dma_wait3A_134 = arith.constant 0 : i32
      %dma_wait3A_135 = tpu.memref_slice %arg2[%dma_wait3A_133, %dma_wait3A_134] : memref<10000x128xf32, #tpu.memory_space<hbm>> -> memref<10000x128xf32, #tpu.memory_space<hbm>>
      tpu.wait_indirect_dma semaphore(%arg12 : memref<!tpu.dma_semaphore, #tpu.memory_space<semaphore_mem>>) src(%dma_wait3A_135 : memref<10000x128xf32, #tpu.memory_space<hbm>>) dst(%arg9 : memref<128x128xf32, #tpu.memory_space<vmem>>)
      %add3A_136 = arith.constant 1 : i32
      %add3A_137 = arith.addi %mul3A_102, %add3A_136 : i32
      "tpu.region"() ({
        %run_scoped3A_138 = tpu.sem_alloc : memref<!tpu.dma_semaphore, #tpu.memory_space<semaphore_mem>>
        %dma_start3A_139 = arith.constant 0 : i32
        %dma_start3A_140 = tpu.memref_slice %arg7[%add3A_137, %dma_start3A_139] : memref<40x128xi32, #tpu.memory_space<vmem>> -> memref<1x128xi32, #tpu.memory_space<vmem>>
        %dma_start3A_141 = tpu.memref_squeeze %dma_start3A_140 : memref<1x128xi32, #tpu.memory_space<vmem>> -> memref<128xi32, #tpu.memory_space<vmem>>
        %dma_start3A_142 = arith.constant 0 : i32
        %dma_start3A_143 = arith.constant 0 : i32
        %dma_start3A_144 = tpu.memref_slice %arg10[%dma_start3A_142, %dma_start3A_143] : memref<10240x128xf32, #tpu.memory_space<vmem_shared>> -> memref<10240x128xf32, #tpu.memory_space<vmem_shared>>
        tpu.enqueue_indirect_dma source(%arg9 : memref<128x128xf32, #tpu.memory_space<vmem>>) target(%dma_start3A_144 : memref<10240x128xf32, #tpu.memory_space<vmem_shared>>) offsets(%dma_start3A_141 : memref<128xi32, #tpu.memory_space<vmem>>) semaphore(%run_scoped3A_138 : memref<!tpu.dma_semaphore, #tpu.memory_space<semaphore_mem>>) {add = true}
        %dma_wait3A_145 = arith.constant 0 : i32
        %dma_wait3A_146 = tpu.memref_slice %arg7[%add3A_137, %dma_wait3A_145] : memref<40x128xi32, #tpu.memory_space<vmem>> -> memref<1x128xi32, #tpu.memory_space<vmem>>
        %dma_wait3A_147 = tpu.memref_squeeze %dma_wait3A_146 : memref<1x128xi32, #tpu.memory_space<vmem>> -> memref<128xi32, #tpu.memory_space<vmem>>
        %dma_wait3A_148 = arith.constant 0 : i32
        %dma_wait3A_149 = arith.constant 0 : i32
        %dma_wait3A_150 = tpu.memref_slice %arg10[%dma_wait3A_148, %dma_wait3A_149] : memref<10240x128xf32, #tpu.memory_space<vmem_shared>> -> memref<10240x128xf32, #tpu.memory_space<vmem_shared>>
        tpu.wait_indirect_dma semaphore(%run_scoped3A_138 : memref<!tpu.dma_semaphore, #tpu.memory_space<semaphore_mem>>) src(%arg9 : memref<128x128xf32, #tpu.memory_space<vmem>>) dst(%dma_wait3A_150 : memref<10240x128xf32, #tpu.memory_space<vmem_shared>>)
        tpu.yield
      }) : () -> ()
    }
    %scan3A_69 = arith.constant 20 : i32
    %dma_wait3A_70 = arith.constant 0 : i32
    %dma_wait3A_71 = arith.constant 0 : i32
    %dma_wait3A_72 = tpu.memref_slice %arg6[%dma_wait3A_70, %dma_wait3A_71] : memref<40x128xi32, #tpu.memory_space<vmem>> -> memref<1x128xi32, #tpu.memory_space<vmem>>
    %dma_wait3A_73 = tpu.memref_squeeze %dma_wait3A_72 : memref<1x128xi32, #tpu.memory_space<vmem>> -> memref<128xi32, #tpu.memory_space<vmem>>
    %dma_wait3A_74 = arith.constant 0 : i32
    %dma_wait3A_75 = arith.constant 0 : i32
    %dma_wait3A_76 = tpu.memref_slice %arg2[%dma_wait3A_74, %dma_wait3A_75] : memref<10000x128xf32, #tpu.memory_space<hbm>> -> memref<10000x128xf32, #tpu.memory_space<hbm>>
    tpu.wait_indirect_dma semaphore(%arg11 : memref<!tpu.dma_semaphore, #tpu.memory_space<semaphore_mem>>) src(%dma_wait3A_76 : memref<10000x128xf32, #tpu.memory_space<hbm>>) dst(%arg8 : memref<128x128xf32, #tpu.memory_space<vmem>>)
    %barrier3A_77 = arith.constant 0 : index
    tpu.barrier barrier_id(%barrier3A_77)
    %eq3A = arith.constant 0 : i32
    %eq3A_78 = arith.cmpi eq, %arg0, %eq3A : i32
    %convert_element_type3A = arith.extui %eq3A_78 : i1 to i32
    %cond3A = arith.constant 0 : i32
    %cond3A_79 = arith.cmpi ne, %convert_element_type3A, %cond3A : i32
    scf.if %cond3A_79 {
      %mul3A_100 = arith.constant 624 : i32
      %mul3A_101 = arith.muli %arg1, %mul3A_100 : i32
      %mul3A_102 = arith.constant 624 : i32
      %mul3A_103 = arith.muli %arg1, %mul3A_102 : i32
      "tpu.region"() ({
        %run_scoped3A_104 = tpu.sem_alloc : memref<!tpu.dma_semaphore, #tpu.memory_space<semaphore_mem>>
        %dma_start3A_105 = arith.constant 0 : i32
        %dma_start3A_106 = tpu.memref_slice %arg4[%mul3A_103, %dma_start3A_105] : memref<10000x128xf32, #tpu.memory_space<hbm>> -> memref<624x128xf32, #tpu.memory_space<hbm>>
        %dma_start3A_107 = arith.constant 0 : i32
        %dma_start3A_108 = tpu.memref_slice %arg10[%mul3A_101, %dma_start3A_107] : memref<10240x128xf32, #tpu.memory_space<vmem_shared>> -> memref<624x128xf32, #tpu.memory_space<vmem_shared>>
        tpu.enqueue_dma source(%dma_start3A_108 : memref<624x128xf32, #tpu.memory_space<vmem_shared>>) target(%dma_start3A_106 : memref<624x128xf32, #tpu.memory_space<hbm>>) target_semaphore(%run_scoped3A_104 : memref<!tpu.dma_semaphore, #tpu.memory_space<semaphore_mem>>)
        %dma_wait3A_109 = arith.constant 0 : i32
        %dma_wait3A_110 = tpu.memref_slice %arg4[%mul3A_103, %dma_wait3A_109] : memref<10000x128xf32, #tpu.memory_space<hbm>> -> memref<624x128xf32, #tpu.memory_space<hbm>>
        %dma_wait3A_111 = arith.constant 0 : i32
        %dma_wait3A_112 = tpu.memref_slice %arg10[%mul3A_101, %dma_wait3A_111] : memref<10240x128xf32, #tpu.memory_space<vmem_shared>> -> memref<624x128xf32, #tpu.memory_space<vmem_shared>>
        tpu.wait_dma2 semaphore(%run_scoped3A_104 : memref<!tpu.dma_semaphore, #tpu.memory_space<semaphore_mem>>) src(%dma_wait3A_112 : memref<624x128xf32, #tpu.memory_space<vmem_shared>>) dst(%dma_wait3A_110 : memref<624x128xf32, #tpu.memory_space<hbm>>)
        tpu.yield
      }) : () -> ()
    } else {
    }
    %eq3A_80 = arith.constant 1 : i32
    %eq3A_81 = arith.cmpi eq, %arg0, %eq3A_80 : i32
    %convert_element_type3A_82 = arith.extui %eq3A_81 : i1 to i32
    %cond3A_83 = arith.constant 0 : i32
    %cond3A_84 = arith.cmpi ne, %convert_element_type3A_82, %cond3A_83 : i32
    scf.if %cond3A_84 {
      %mul3A_100 = arith.constant 624 : i32
      %mul3A_101 = arith.muli %arg1, %mul3A_100 : i32
      %mul3A_102 = arith.constant 624 : i32
      %mul3A_103 = arith.muli %arg1, %mul3A_102 : i32
      "tpu.region"() ({
        %run_scoped3A_104 = tpu.sem_alloc : memref<!tpu.dma_semaphore, #tpu.memory_space<semaphore_mem>>
        %dma_start3A_105 = arith.constant 0 : i32
        %dma_start3A_106 = tpu.memref_slice %arg5[%mul3A_103, %dma_start3A_105] : memref<10000x128xf32, #tpu.memory_space<hbm>> -> memref<624x128xf32, #tpu.memory_space<hbm>>
        %dma_start3A_107 = arith.constant 0 : i32
        %dma_start3A_108 = tpu.memref_slice %arg10[%mul3A_101, %dma_start3A_107] : memref<10240x128xf32, #tpu.memory_space<vmem_shared>> -> memref<624x128xf32, #tpu.memory_space<vmem_shared>>
        tpu.enqueue_dma source(%dma_start3A_108 : memref<624x128xf32, #tpu.memory_space<vmem_shared>>) target(%dma_start3A_106 : memref<624x128xf32, #tpu.memory_space<hbm>>) target_semaphore(%run_scoped3A_104 : memref<!tpu.dma_semaphore, #tpu.memory_space<semaphore_mem>>)
        %dma_wait3A_109 = arith.constant 0 : i32
        %dma_wait3A_110 = tpu.memref_slice %arg5[%mul3A_103, %dma_wait3A_109] : memref<10000x128xf32, #tpu.memory_space<hbm>> -> memref<624x128xf32, #tpu.memory_space<hbm>>
        %dma_wait3A_111 = arith.constant 0 : i32
        %dma_wait3A_112 = tpu.memref_slice %arg10[%mul3A_101, %dma_wait3A_111] : memref<10240x128xf32, #tpu.memory_space<vmem_shared>> -> memref<624x128xf32, #tpu.memory_space<vmem_shared>>
        tpu.wait_dma2 semaphore(%run_scoped3A_104 : memref<!tpu.dma_semaphore, #tpu.memory_space<semaphore_mem>>) src(%dma_wait3A_112 : memref<624x128xf32, #tpu.memory_space<vmem_shared>>) dst(%dma_wait3A_110 : memref<624x128xf32, #tpu.memory_space<hbm>>)
        tpu.yield
      }) : () -> ()
    } else {
    }
    %eq3A_85 = arith.constant 0 : i32
    %eq3A_86 = arith.cmpi eq, %arg0, %eq3A_85 : i32
    %eq3A_87 = arith.constant 15 : i32
    %eq3A_88 = arith.cmpi eq, %arg1, %eq3A_87 : i32
    %and3A = arith.andi %eq3A_86, %eq3A_88 : i1
    %convert_element_type3A_89 = arith.extui %and3A : i1 to i32
    %cond3A_90 = arith.constant 0 : i32
    %cond3A_91 = arith.cmpi ne, %convert_element_type3A_89, %cond3A_90 : i32
    scf.if %cond3A_91 {
      "tpu.region"() ({
        %run_scoped3A_100 = tpu.sem_alloc : memref<!tpu.dma_semaphore, #tpu.memory_space<semaphore_mem>>
        %dma_start3A_101 = arith.constant 9984 : i32
        %dma_start3A_102 = arith.constant 0 : i32
        %dma_start3A_103 = tpu.memref_slice %arg4[%dma_start3A_101, %dma_start3A_102] : memref<10000x128xf32, #tpu.memory_space<hbm>> -> memref<16x128xf32, #tpu.memory_space<hbm>>
        %dma_start3A_104 = arith.constant 9984 : i32
        %dma_start3A_105 = arith.constant 0 : i32
        %dma_start3A_106 = tpu.memref_slice %arg10[%dma_start3A_104, %dma_start3A_105] : memref<10240x128xf32, #tpu.memory_space<vmem_shared>> -> memref<16x128xf32, #tpu.memory_space<vmem_shared>>
        tpu.enqueue_dma source(%dma_start3A_106 : memref<16x128xf32, #tpu.memory_space<vmem_shared>>) target(%dma_start3A_103 : memref<16x128xf32, #tpu.memory_space<hbm>>) target_semaphore(%run_scoped3A_100 : memref<!tpu.dma_semaphore, #tpu.memory_space<semaphore_mem>>)
        %dma_wait3A_107 = arith.constant 9984 : i32
        %dma_wait3A_108 = arith.constant 0 : i32
        %dma_wait3A_109 = tpu.memref_slice %arg4[%dma_wait3A_107, %dma_wait3A_108] : memref<10000x128xf32, #tpu.memory_space<hbm>> -> memref<16x128xf32, #tpu.memory_space<hbm>>
        %dma_wait3A_110 = arith.constant 9984 : i32
        %dma_wait3A_111 = arith.constant 0 : i32
        %dma_wait3A_112 = tpu.memref_slice %arg10[%dma_wait3A_110, %dma_wait3A_111] : memref<10240x128xf32, #tpu.memory_space<vmem_shared>> -> memref<16x128xf32, #tpu.memory_space<vmem_shared>>
        tpu.wait_dma2 semaphore(%run_scoped3A_100 : memref<!tpu.dma_semaphore, #tpu.memory_space<semaphore_mem>>) src(%dma_wait3A_112 : memref<16x128xf32, #tpu.memory_space<vmem_shared>>) dst(%dma_wait3A_109 : memref<16x128xf32, #tpu.memory_space<hbm>>)
        tpu.yield
      }) : () -> ()
    } else {
    }
    %eq3A_92 = arith.constant 1 : i32
    %eq3A_93 = arith.cmpi eq, %arg0, %eq3A_92 : i32
    %eq3A_94 = arith.constant 15 : i32
    %eq3A_95 = arith.cmpi eq, %arg1, %eq3A_94 : i32
    %and3A_96 = arith.andi %eq3A_93, %eq3A_95 : i1
    %convert_element_type3A_97 = arith.extui %and3A_96 : i1 to i32
    %cond3A_98 = arith.constant 0 : i32
    %cond3A_99 = arith.cmpi ne, %convert_element_type3A_97, %cond3A_98 : i32
    scf.if %cond3A_99 {
      "tpu.region"() ({
        %run_scoped3A_100 = tpu.sem_alloc : memref<!tpu.dma_semaphore, #tpu.memory_space<semaphore_mem>>
        %dma_start3A_101 = arith.constant 9984 : i32
        %dma_start3A_102 = arith.constant 0 : i32
        %dma_start3A_103 = tpu.memref_slice %arg5[%dma_start3A_101, %dma_start3A_102] : memref<10000x128xf32, #tpu.memory_space<hbm>> -> memref<16x128xf32, #tpu.memory_space<hbm>>
        %dma_start3A_104 = arith.constant 9984 : i32
        %dma_start3A_105 = arith.constant 0 : i32
        %dma_start3A_106 = tpu.memref_slice %arg10[%dma_start3A_104, %dma_start3A_105] : memref<10240x128xf32, #tpu.memory_space<vmem_shared>> -> memref<16x128xf32, #tpu.memory_space<vmem_shared>>
        tpu.enqueue_dma source(%dma_start3A_106 : memref<16x128xf32, #tpu.memory_space<vmem_shared>>) target(%dma_start3A_103 : memref<16x128xf32, #tpu.memory_space<hbm>>) target_semaphore(%run_scoped3A_100 : memref<!tpu.dma_semaphore, #tpu.memory_space<semaphore_mem>>)
        %dma_wait3A_107 = arith.constant 9984 : i32
        %dma_wait3A_108 = arith.constant 0 : i32
        %dma_wait3A_109 = tpu.memref_slice %arg5[%dma_wait3A_107, %dma_wait3A_108] : memref<10000x128xf32, #tpu.memory_space<hbm>> -> memref<16x128xf32, #tpu.memory_space<hbm>>
        %dma_wait3A_110 = arith.constant 9984 : i32
        %dma_wait3A_111 = arith.constant 0 : i32
        %dma_wait3A_112 = tpu.memref_slice %arg10[%dma_wait3A_110, %dma_wait3A_111] : memref<10240x128xf32, #tpu.memory_space<vmem_shared>> -> memref<16x128xf32, #tpu.memory_space<vmem_shared>>
        tpu.wait_dma2 semaphore(%run_scoped3A_100 : memref<!tpu.dma_semaphore, #tpu.memory_space<semaphore_mem>>) src(%dma_wait3A_112 : memref<16x128xf32, #tpu.memory_space<vmem_shared>>) dst(%dma_wait3A_109 : memref<16x128xf32, #tpu.memory_space<hbm>>)
        tpu.yield
      }) : () -> ()
    } else {
    }
    return
  }
}

#map = affine_map<(d0, d1) -> (0, 0)>
#map1 = affine_map<(d0, d1) -> (0, 0, 0, 0)>
module attributes {stable_mosaic.version = 14 : i64} {
  func.func @k(%arg0: i32, %arg1: i32, %arg2: memref<10000x128xf32, #tpu.memory_space<hbm>>, %arg3: memref<2x32x80x128xi32, #tpu.memory_space<hbm>>, %arg4: memref<10000x128xf32, #tpu.memory_space<hbm>>, %arg5: memref<10000x128xf32, #tpu.memory_space<hbm>>, %arg6: memref<40x128xi32, #tpu.memory_space<vmem>>, %arg7: memref<40x128xi32, #tpu.memory_space<vmem>>, %arg8: memref<128x128xf32, #tpu.memory_space<vmem>>, %arg9: memref<128x128xf32, #tpu.memory_space<vmem>>, %arg10: memref<10240x128xf32, #tpu.memory_space<vmem_shared>>, %arg11: memref<!tpu.dma_semaphore, #tpu.memory_space<semaphore_mem>>, %arg12: memref<!tpu.dma_semaphore, #tpu.memory_space<semaphore_mem>>) attributes {dimension_semantics = [#tpu.dimension_semantics<core_parallel>, #tpu.dimension_semantics<subcore_parallel>], iteration_bounds = array<i64: 2, 16>, scalar_prefetch = 0 : i64, scratch_operands = 7 : i64, tpu.core_type = #tpu.core_type<sc_vector_subcore>, window_params = [{transform_indices = #map}, {transform_indices = #map1}, {transform_indices = #map}, {transform_indices = #map}]} {
    %mul3A = arith.constant 2 : i32
    %mul3A_0 = arith.muli %arg1, %mul3A : i32
    %add3A = arith.addi %mul3A_0, %arg0 : i32
    %scan3A = arith.constant 0 : i32
    %scan3A_1 = arith.constant 0 : i32
    %scan3A_2 = arith.constant 128 : i32
    %scan3A_3 = arith.addi %scan3A_1, %scan3A_2 : i32
    %scan3A_4 = arith.constant 1 : i32
    scf.for %scan3A_100 = %scan3A_1 to %scan3A_3 step %scan3A_4  : i32 {
      %broadcast_in_dim3A = arith.constant 0.000000e+00 : f32
      %broadcast_in_dim3A_101 = vector.broadcast %broadcast_in_dim3A : f32 to vector<16xf32>
      %swap3A = arith.index_cast %scan3A_100 : i32 to index
      %swap3A_102 = arith.constant 0 : index
      %swap3A_103 = tpu.vector_load %arg8[%swap3A, %swap3A_102] {strides = array<i32>} : memref<128x128xf32, #tpu.memory_space<vmem>>, vector<1x16xf32>,
      %swap3A_104 = vector.shape_cast %swap3A_103 : vector<1x16xf32> to vector<16xf32>
      %swap3A_105 = vector.shape_cast %broadcast_in_dim3A_101 : vector<16xf32> to vector<1x16xf32>
      tpu.vector_store %arg8[%swap3A, %swap3A_102], %swap3A_105 {strides = array<i32>} : memref<128x128xf32, #tpu.memory_space<vmem>>, vector<1x16xf32>,
      %broadcast_in_dim3A_106 = arith.constant 0.000000e+00 : f32
      %broadcast_in_dim3A_107 = vector.broadcast %broadcast_in_dim3A_106 : f32 to vector<16xf32>
      %swap3A_108 = arith.index_cast %scan3A_100 : i32 to index
      %swap3A_109 = arith.constant 16 : index
      %swap3A_110 = tpu.vector_load %arg8[%swap3A_108, %swap3A_109] {strides = array<i32>} : memref<128x128xf32, #tpu.memory_space<vmem>>, vector<1x16xf32>,
      %swap3A_111 = vector.shape_cast %swap3A_110 : vector<1x16xf32> to vector<16xf32>
      %swap3A_112 = vector.shape_cast %broadcast_in_dim3A_107 : vector<16xf32> to vector<1x16xf32>
      tpu.vector_store %arg8[%swap3A_108, %swap3A_109], %swap3A_112 {strides = array<i32>} : memref<128x128xf32, #tpu.memory_space<vmem>>, vector<1x16xf32>,
      %broadcast_in_dim3A_113 = arith.constant 0.000000e+00 : f32
      %broadcast_in_dim3A_114 = vector.broadcast %broadcast_in_dim3A_113 : f32 to vector<16xf32>
      %swap3A_115 = arith.index_cast %scan3A_100 : i32 to index
      %swap3A_116 = arith.constant 32 : index
      %swap3A_117 = tpu.vector_load %arg8[%swap3A_115, %swap3A_116] {strides = array<i32>} : memref<128x128xf32, #tpu.memory_space<vmem>>, vector<1x16xf32>,
      %swap3A_118 = vector.shape_cast %swap3A_117 : vector<1x16xf32> to vector<16xf32>
      %swap3A_119 = vector.shape_cast %broadcast_in_dim3A_114 : vector<16xf32> to vector<1x16xf32>
      tpu.vector_store %arg8[%swap3A_115, %swap3A_116], %swap3A_119 {strides = array<i32>} : memref<128x128xf32, #tpu.memory_space<vmem>>, vector<1x16xf32>,
      %broadcast_in_dim3A_120 = arith.constant 0.000000e+00 : f32
      %broadcast_in_dim3A_121 = vector.broadcast %broadcast_in_dim3A_120 : f32 to vector<16xf32>
      %swap3A_122 = arith.index_cast %scan3A_100 : i32 to index
      %swap3A_123 = arith.constant 48 : index
      %swap3A_124 = tpu.vector_load %arg8[%swap3A_122, %swap3A_123] {strides = array<i32>} : memref<128x128xf32, #tpu.memory_space<vmem>>, vector<1x16xf32>,
      %swap3A_125 = vector.shape_cast %swap3A_124 : vector<1x16xf32> to vector<16xf32>
      %swap3A_126 = vector.shape_cast %broadcast_in_dim3A_121 : vector<16xf32> to vector<1x16xf32>
      tpu.vector_store %arg8[%swap3A_122, %swap3A_123], %swap3A_126 {strides = array<i32>} : memref<128x128xf32, #tpu.memory_space<vmem>>, vector<1x16xf32>,
      %broadcast_in_dim3A_127 = arith.constant 0.000000e+00 : f32
      %broadcast_in_dim3A_128 = vector.broadcast %broadcast_in_dim3A_127 : f32 to vector<16xf32>
      %swap3A_129 = arith.index_cast %scan3A_100 : i32 to index
      %swap3A_130 = arith.constant 64 : index
      %swap3A_131 = tpu.vector_load %arg8[%swap3A_129, %swap3A_130] {strides = array<i32>} : memref<128x128xf32, #tpu.memory_space<vmem>>, vector<1x16xf32>,
      %swap3A_132 = vector.shape_cast %swap3A_131 : vector<1x16xf32> to vector<16xf32>
      %swap3A_133 = vector.shape_cast %broadcast_in_dim3A_128 : vector<16xf32> to vector<1x16xf32>
      tpu.vector_store %arg8[%swap3A_129, %swap3A_130], %swap3A_133 {strides = array<i32>} : memref<128x128xf32, #tpu.memory_space<vmem>>, vector<1x16xf32>,
      %broadcast_in_dim3A_134 = arith.constant 0.000000e+00 : f32
      %broadcast_in_dim3A_135 = vector.broadcast %broadcast_in_dim3A_134 : f32 to vector<16xf32>
      %swap3A_136 = arith.index_cast %scan3A_100 : i32 to index
      %swap3A_137 = arith.constant 80 : index
      %swap3A_138 = tpu.vector_load %arg8[%swap3A_136, %swap3A_137] {strides = array<i32>} : memref<128x128xf32, #tpu.memory_space<vmem>>, vector<1x16xf32>,
      %swap3A_139 = vector.shape_cast %swap3A_138 : vector<1x16xf32> to vector<16xf32>
      %swap3A_140 = vector.shape_cast %broadcast_in_dim3A_135 : vector<16xf32> to vector<1x16xf32>
      tpu.vector_store %arg8[%swap3A_136, %swap3A_137], %swap3A_140 {strides = array<i32>} : memref<128x128xf32, #tpu.memory_space<vmem>>, vector<1x16xf32>,
      %broadcast_in_dim3A_141 = arith.constant 0.000000e+00 : f32
      %broadcast_in_dim3A_142 = vector.broadcast %broadcast_in_dim3A_141 : f32 to vector<16xf32>
      %swap3A_143 = arith.index_cast %scan3A_100 : i32 to index
      %swap3A_144 = arith.constant 96 : index
      %swap3A_145 = tpu.vector_load %arg8[%swap3A_143, %swap3A_144] {strides = array<i32>} : memref<128x128xf32, #tpu.memory_space<vmem>>, vector<1x16xf32>,
      %swap3A_146 = vector.shape_cast %swap3A_145 : vector<1x16xf32> to vector<16xf32>
      %swap3A_147 = vector.shape_cast %broadcast_in_dim3A_142 : vector<16xf32> to vector<1x16xf32>
      tpu.vector_store %arg8[%swap3A_143, %swap3A_144], %swap3A_147 {strides = array<i32>} : memref<128x128xf32, #tpu.memory_space<vmem>>, vector<1x16xf32>,
      %broadcast_in_dim3A_148 = arith.constant 0.000000e+00 : f32
      %broadcast_in_dim3A_149 = vector.broadcast %broadcast_in_dim3A_148 : f32 to vector<16xf32>
      %swap3A_150 = arith.index_cast %scan3A_100 : i32 to index
      %swap3A_151 = arith.constant 112 : index
      %swap3A_152 = tpu.vector_load %arg8[%swap3A_150, %swap3A_151] {strides = array<i32>} : memref<128x128xf32, #tpu.memory_space<vmem>>, vector<1x16xf32>,
      %swap3A_153 = vector.shape_cast %swap3A_152 : vector<1x16xf32> to vector<16xf32>
      %swap3A_154 = vector.shape_cast %broadcast_in_dim3A_149 : vector<16xf32> to vector<1x16xf32>
      tpu.vector_store %arg8[%swap3A_150, %swap3A_151], %swap3A_154 {strides = array<i32>} : memref<128x128xf32, #tpu.memory_space<vmem>>, vector<1x16xf32>,
    }
    %scan3A_5 = arith.constant 128 : i32
    %mul3A_6 = arith.constant 5 : i32
    %mul3A_7 = arith.muli %arg1, %mul3A_6 : i32
    %add3A_8 = arith.constant 0 : i32
    %add3A_9 = arith.addi %mul3A_7, %add3A_8 : i32
    %mul3A_10 = arith.constant 128 : i32
    %mul3A_11 = arith.muli %add3A_9, %mul3A_10 : i32
    "tpu.region"() ({
      %run_scoped3A_100 = tpu.sem_alloc : memref<!tpu.dma_semaphore, #tpu.memory_space<semaphore_mem>>
      %dma_start3A_101 = arith.constant 0 : i32
      %dma_start3A_102 = tpu.memref_slice %arg10[%mul3A_11, %dma_start3A_101] : memref<10240x128xf32, #tpu.memory_space<vmem_shared>> -> memref<128x128xf32, #tpu.memory_space<vmem_shared>>
      %dma_start3A_103 = arith.constant 0 : i32
      %dma_start3A_104 = tpu.memref_slice %arg10[%mul3A_11, %dma_start3A_103] : memref<10240x128xf32, #tpu.memory_space<vmem_shared>> -> memref<128x128xf32, #tpu.memory_space<vmem_shared>>
      tpu.enqueue_dma source(%arg8 : memref<128x128xf32, #tpu.memory_space<vmem>>) target(%dma_start3A_104 : memref<128x128xf32, #tpu.memory_space<vmem_shared>>) target_semaphore(%run_scoped3A_100 : memref<!tpu.dma_semaphore, #tpu.memory_space<semaphore_mem>>)
      %dma_wait3A_105 = arith.constant 0 : i32
      %dma_wait3A_106 = tpu.memref_slice %arg10[%mul3A_11, %dma_wait3A_105] : memref<10240x128xf32, #tpu.memory_space<vmem_shared>> -> memref<128x128xf32, #tpu.memory_space<vmem_shared>>
      %dma_wait3A_107 = arith.constant 0 : i32
      %dma_wait3A_108 = tpu.memref_slice %arg10[%mul3A_11, %dma_wait3A_107] : memref<10240x128xf32, #tpu.memory_space<vmem_shared>> -> memref<128x128xf32, #tpu.memory_space<vmem_shared>>
      tpu.wait_dma2 semaphore(%run_scoped3A_100 : memref<!tpu.dma_semaphore, #tpu.memory_space<semaphore_mem>>) src(%arg8 : memref<128x128xf32, #tpu.memory_space<vmem>>) dst(%dma_wait3A_108 : memref<128x128xf32, #tpu.memory_space<vmem_shared>>)
      tpu.yield
    }) : () -> ()
    %mul3A_12 = arith.constant 5 : i32
    %mul3A_13 = arith.muli %arg1, %mul3A_12 : i32
    %add3A_14 = arith.constant 1 : i32
    %add3A_15 = arith.addi %mul3A_13, %add3A_14 : i32
    %mul3A_16 = arith.constant 128 : i32
    %mul3A_17 = arith.muli %add3A_15, %mul3A_16 : i32
    "tpu.region"() ({
      %run_scoped3A_100 = tpu.sem_alloc : memref<!tpu.dma_semaphore, #tpu.memory_space<semaphore_mem>>
      %dma_start3A_101 = arith.constant 0 : i32
      %dma_start3A_102 = tpu.memref_slice %arg10[%mul3A_17, %dma_start3A_101] : memref<10240x128xf32, #tpu.memory_space<vmem_shared>> -> memref<128x128xf32, #tpu.memory_space<vmem_shared>>
      %dma_start3A_103 = arith.constant 0 : i32
      %dma_start3A_104 = tpu.memref_slice %arg10[%mul3A_17, %dma_start3A_103] : memref<10240x128xf32, #tpu.memory_space<vmem_shared>> -> memref<128x128xf32, #tpu.memory_space<vmem_shared>>
      tpu.enqueue_dma source(%arg8 : memref<128x128xf32, #tpu.memory_space<vmem>>) target(%dma_start3A_104 : memref<128x128xf32, #tpu.memory_space<vmem_shared>>) target_semaphore(%run_scoped3A_100 : memref<!tpu.dma_semaphore, #tpu.memory_space<semaphore_mem>>)
      %dma_wait3A_105 = arith.constant 0 : i32
      %dma_wait3A_106 = tpu.memref_slice %arg10[%mul3A_17, %dma_wait3A_105] : memref<10240x128xf32, #tpu.memory_space<vmem_shared>> -> memref<128x128xf32, #tpu.memory_space<vmem_shared>>
      %dma_wait3A_107 = arith.constant 0 : i32
      %dma_wait3A_108 = tpu.memref_slice %arg10[%mul3A_17, %dma_wait3A_107] : memref<10240x128xf32, #tpu.memory_space<vmem_shared>> -> memref<128x128xf32, #tpu.memory_space<vmem_shared>>
      tpu.wait_dma2 semaphore(%run_scoped3A_100 : memref<!tpu.dma_semaphore, #tpu.memory_space<semaphore_mem>>) src(%arg8 : memref<128x128xf32, #tpu.memory_space<vmem>>) dst(%dma_wait3A_108 : memref<128x128xf32, #tpu.memory_space<vmem_shared>>)
      tpu.yield
    }) : () -> ()
    %mul3A_18 = arith.constant 5 : i32
    %mul3A_19 = arith.muli %arg1, %mul3A_18 : i32
    %add3A_20 = arith.constant 2 : i32
    %add3A_21 = arith.addi %mul3A_19, %add3A_20 : i32
    %mul3A_22 = arith.constant 128 : i32
    %mul3A_23 = arith.muli %add3A_21, %mul3A_22 : i32
    "tpu.region"() ({
      %run_scoped3A_100 = tpu.sem_alloc : memref<!tpu.dma_semaphore, #tpu.memory_space<semaphore_mem>>
      %dma_start3A_101 = arith.constant 0 : i32
      %dma_start3A_102 = tpu.memref_slice %arg10[%mul3A_23, %dma_start3A_101] : memref<10240x128xf32, #tpu.memory_space<vmem_shared>> -> memref<128x128xf32, #tpu.memory_space<vmem_shared>>
      %dma_start3A_103 = arith.constant 0 : i32
      %dma_start3A_104 = tpu.memref_slice %arg10[%mul3A_23, %dma_start3A_103] : memref<10240x128xf32, #tpu.memory_space<vmem_shared>> -> memref<128x128xf32, #tpu.memory_space<vmem_shared>>
      tpu.enqueue_dma source(%arg8 : memref<128x128xf32, #tpu.memory_space<vmem>>) target(%dma_start3A_104 : memref<128x128xf32, #tpu.memory_space<vmem_shared>>) target_semaphore(%run_scoped3A_100 : memref<!tpu.dma_semaphore, #tpu.memory_space<semaphore_mem>>)
      %dma_wait3A_105 = arith.constant 0 : i32
      %dma_wait3A_106 = tpu.memref_slice %arg10[%mul3A_23, %dma_wait3A_105] : memref<10240x128xf32, #tpu.memory_space<vmem_shared>> -> memref<128x128xf32, #tpu.memory_space<vmem_shared>>
      %dma_wait3A_107 = arith.constant 0 : i32
      %dma_wait3A_108 = tpu.memref_slice %arg10[%mul3A_23, %dma_wait3A_107] : memref<10240x128xf32, #tpu.memory_space<vmem_shared>> -> memref<128x128xf32, #tpu.memory_space<vmem_shared>>
      tpu.wait_dma2 semaphore(%run_scoped3A_100 : memref<!tpu.dma_semaphore, #tpu.memory_space<semaphore_mem>>) src(%arg8 : memref<128x128xf32, #tpu.memory_space<vmem>>) dst(%dma_wait3A_108 : memref<128x128xf32, #tpu.memory_space<vmem_shared>>)
      tpu.yield
    }) : () -> ()
    %mul3A_24 = arith.constant 5 : i32
    %mul3A_25 = arith.muli %arg1, %mul3A_24 : i32
    %add3A_26 = arith.constant 3 : i32
    %add3A_27 = arith.addi %mul3A_25, %add3A_26 : i32
    %mul3A_28 = arith.constant 128 : i32
    %mul3A_29 = arith.muli %add3A_27, %mul3A_28 : i32
    "tpu.region"() ({
      %run_scoped3A_100 = tpu.sem_alloc : memref<!tpu.dma_semaphore, #tpu.memory_space<semaphore_mem>>
      %dma_start3A_101 = arith.constant 0 : i32
      %dma_start3A_102 = tpu.memref_slice %arg10[%mul3A_29, %dma_start3A_101] : memref<10240x128xf32, #tpu.memory_space<vmem_shared>> -> memref<128x128xf32, #tpu.memory_space<vmem_shared>>
      %dma_start3A_103 = arith.constant 0 : i32
      %dma_start3A_104 = tpu.memref_slice %arg10[%mul3A_29, %dma_start3A_103] : memref<10240x128xf32, #tpu.memory_space<vmem_shared>> -> memref<128x128xf32, #tpu.memory_space<vmem_shared>>
      tpu.enqueue_dma source(%arg8 : memref<128x128xf32, #tpu.memory_space<vmem>>) target(%dma_start3A_104 : memref<128x128xf32, #tpu.memory_space<vmem_shared>>) target_semaphore(%run_scoped3A_100 : memref<!tpu.dma_semaphore, #tpu.memory_space<semaphore_mem>>)
      %dma_wait3A_105 = arith.constant 0 : i32
      %dma_wait3A_106 = tpu.memref_slice %arg10[%mul3A_29, %dma_wait3A_105] : memref<10240x128xf32, #tpu.memory_space<vmem_shared>> -> memref<128x128xf32, #tpu.memory_space<vmem_shared>>
      %dma_wait3A_107 = arith.constant 0 : i32
      %dma_wait3A_108 = tpu.memref_slice %arg10[%mul3A_29, %dma_wait3A_107] : memref<10240x128xf32, #tpu.memory_space<vmem_shared>> -> memref<128x128xf32, #tpu.memory_space<vmem_shared>>
      tpu.wait_dma2 semaphore(%run_scoped3A_100 : memref<!tpu.dma_semaphore, #tpu.memory_space<semaphore_mem>>) src(%arg8 : memref<128x128xf32, #tpu.memory_space<vmem>>) dst(%dma_wait3A_108 : memref<128x128xf32, #tpu.memory_space<vmem_shared>>)
      tpu.yield
    }) : () -> ()
    %mul3A_30 = arith.constant 5 : i32
    %mul3A_31 = arith.muli %arg1, %mul3A_30 : i32
    %add3A_32 = arith.constant 4 : i32
    %add3A_33 = arith.addi %mul3A_31, %add3A_32 : i32
    %mul3A_34 = arith.constant 128 : i32
    %mul3A_35 = arith.muli %add3A_33, %mul3A_34 : i32
    "tpu.region"() ({
      %run_scoped3A_100 = tpu.sem_alloc : memref<!tpu.dma_semaphore, #tpu.memory_space<semaphore_mem>>
      %dma_start3A_101 = arith.constant 0 : i32
      %dma_start3A_102 = tpu.memref_slice %arg10[%mul3A_35, %dma_start3A_101] : memref<10240x128xf32, #tpu.memory_space<vmem_shared>> -> memref<128x128xf32, #tpu.memory_space<vmem_shared>>
      %dma_start3A_103 = arith.constant 0 : i32
      %dma_start3A_104 = tpu.memref_slice %arg10[%mul3A_35, %dma_start3A_103] : memref<10240x128xf32, #tpu.memory_space<vmem_shared>> -> memref<128x128xf32, #tpu.memory_space<vmem_shared>>
      tpu.enqueue_dma source(%arg8 : memref<128x128xf32, #tpu.memory_space<vmem>>) target(%dma_start3A_104 : memref<128x128xf32, #tpu.memory_space<vmem_shared>>) target_semaphore(%run_scoped3A_100 : memref<!tpu.dma_semaphore, #tpu.memory_space<semaphore_mem>>)
      %dma_wait3A_105 = arith.constant 0 : i32
      %dma_wait3A_106 = tpu.memref_slice %arg10[%mul3A_35, %dma_wait3A_105] : memref<10240x128xf32, #tpu.memory_space<vmem_shared>> -> memref<128x128xf32, #tpu.memory_space<vmem_shared>>
      %dma_wait3A_107 = arith.constant 0 : i32
      %dma_wait3A_108 = tpu.memref_slice %arg10[%mul3A_35, %dma_wait3A_107] : memref<10240x128xf32, #tpu.memory_space<vmem_shared>> -> memref<128x128xf32, #tpu.memory_space<vmem_shared>>
      tpu.wait_dma2 semaphore(%run_scoped3A_100 : memref<!tpu.dma_semaphore, #tpu.memory_space<semaphore_mem>>) src(%arg8 : memref<128x128xf32, #tpu.memory_space<vmem>>) dst(%dma_wait3A_108 : memref<128x128xf32, #tpu.memory_space<vmem_shared>>)
      tpu.yield
    }) : () -> ()
    %barrier3A = arith.constant 0 : index
    tpu.barrier barrier_id(%barrier3A)
    %run_scoped3A = arith.constant 0 : i32
    "tpu.region"() ({
      %run_scoped3A_100 = tpu.sem_alloc : memref<!tpu.dma_semaphore, #tpu.memory_space<semaphore_mem>>
      %dma_start3A_101 = arith.constant 0 : i32
      %dma_start3A_102 = arith.constant 0 : i32
      %dma_start3A_103 = tpu.memref_slice %arg3[%run_scoped3A, %add3A, %dma_start3A_101, %dma_start3A_102] : memref<2x32x80x128xi32, #tpu.memory_space<hbm>> -> memref<1x1x40x128xi32, #tpu.memory_space<hbm>>
      %dma_start3A_104 = tpu.memref_squeeze %dma_start3A_103 : memref<1x1x40x128xi32, #tpu.memory_space<hbm>> -> memref<40x128xi32, #tpu.memory_space<hbm>>
      %dma_start3A_105 = arith.constant 0 : i32
      %dma_start3A_106 = arith.constant 0 : i32
      %dma_start3A_107 = tpu.memref_slice %arg3[%run_scoped3A, %add3A, %dma_start3A_105, %dma_start3A_106] : memref<2x32x80x128xi32, #tpu.memory_space<hbm>> -> memref<1x1x40x128xi32, #tpu.memory_space<hbm>>
      %dma_start3A_108 = tpu.memref_squeeze %dma_start3A_107 : memref<1x1x40x128xi32, #tpu.memory_space<hbm>> -> memref<40x128xi32, #tpu.memory_space<hbm>>
      tpu.enqueue_dma source(%dma_start3A_108 : memref<40x128xi32, #tpu.memory_space<hbm>>) target(%arg6 : memref<40x128xi32, #tpu.memory_space<vmem>>) target_semaphore(%run_scoped3A_100 : memref<!tpu.dma_semaphore, #tpu.memory_space<semaphore_mem>>)
      %dma_wait3A_109 = arith.constant 0 : i32
      %dma_wait3A_110 = arith.constant 0 : i32
      %dma_wait3A_111 = tpu.memref_slice %arg3[%run_scoped3A, %add3A, %dma_wait3A_109, %dma_wait3A_110] : memref<2x32x80x128xi32, #tpu.memory_space<hbm>> -> memref<1x1x40x128xi32, #tpu.memory_space<hbm>>
      %dma_wait3A_112 = tpu.memref_squeeze %dma_wait3A_111 : memref<1x1x40x128xi32, #tpu.memory_space<hbm>> -> memref<40x128xi32, #tpu.memory_space<hbm>>
      %dma_wait3A_113 = arith.constant 0 : i32
      %dma_wait3A_114 = arith.constant 0 : i32
      %dma_wait3A_115 = tpu.memref_slice %arg3[%run_scoped3A, %add3A, %dma_wait3A_113, %dma_wait3A_114] : memref<2x32x80x128xi32, #tpu.memory_space<hbm>> -> memref<1x1x40x128xi32, #tpu.memory_space<hbm>>
      %dma_wait3A_116 = tpu.memref_squeeze %dma_wait3A_115 : memref<1x1x40x128xi32, #tpu.memory_space<hbm>> -> memref<40x128xi32, #tpu.memory_space<hbm>>
      tpu.wait_dma2 semaphore(%run_scoped3A_100 : memref<!tpu.dma_semaphore, #tpu.memory_space<semaphore_mem>>) src(%dma_wait3A_116 : memref<40x128xi32, #tpu.memory_space<hbm>>) dst(%arg6 : memref<40x128xi32, #tpu.memory_space<vmem>>)
      tpu.yield
    }) : () -> ()
    %run_scoped3A_36 = arith.constant 1 : i32
    "tpu.region"() ({
      %run_scoped3A_100 = tpu.sem_alloc : memref<!tpu.dma_semaphore, #tpu.memory_space<semaphore_mem>>
      %dma_start3A_101 = arith.constant 0 : i32
      %dma_start3A_102 = arith.constant 0 : i32
      %dma_start3A_103 = tpu.memref_slice %arg3[%run_scoped3A_36, %add3A, %dma_start3A_101, %dma_start3A_102] : memref<2x32x80x128xi32, #tpu.memory_space<hbm>> -> memref<1x1x40x128xi32, #tpu.memory_space<hbm>>
      %dma_start3A_104 = tpu.memref_squeeze %dma_start3A_103 : memref<1x1x40x128xi32, #tpu.memory_space<hbm>> -> memref<40x128xi32, #tpu.memory_space<hbm>>
      %dma_start3A_105 = arith.constant 0 : i32
      %dma_start3A_106 = arith.constant 0 : i32
      %dma_start3A_107 = tpu.memref_slice %arg3[%run_scoped3A_36, %add3A, %dma_start3A_105, %dma_start3A_106] : memref<2x32x80x128xi32, #tpu.memory_space<hbm>> -> memref<1x1x40x128xi32, #tpu.memory_space<hbm>>
      %dma_start3A_108 = tpu.memref_squeeze %dma_start3A_107 : memref<1x1x40x128xi32, #tpu.memory_space<hbm>> -> memref<40x128xi32, #tpu.memory_space<hbm>>
      tpu.enqueue_dma source(%dma_start3A_108 : memref<40x128xi32, #tpu.memory_space<hbm>>) target(%arg7 : memref<40x128xi32, #tpu.memory_space<vmem>>) target_semaphore(%run_scoped3A_100 : memref<!tpu.dma_semaphore, #tpu.memory_space<semaphore_mem>>)
      %dma_wait3A_109 = arith.constant 0 : i32
      %dma_wait3A_110 = arith.constant 0 : i32
      %dma_wait3A_111 = tpu.memref_slice %arg3[%run_scoped3A_36, %add3A, %dma_wait3A_109, %dma_wait3A_110] : memref<2x32x80x128xi32, #tpu.memory_space<hbm>> -> memref<1x1x40x128xi32, #tpu.memory_space<hbm>>
      %dma_wait3A_112 = tpu.memref_squeeze %dma_wait3A_111 : memref<1x1x40x128xi32, #tpu.memory_space<hbm>> -> memref<40x128xi32, #tpu.memory_space<hbm>>
      %dma_wait3A_113 = arith.constant 0 : i32
      %dma_wait3A_114 = arith.constant 0 : i32
      %dma_wait3A_115 = tpu.memref_slice %arg3[%run_scoped3A_36, %add3A, %dma_wait3A_113, %dma_wait3A_114] : memref<2x32x80x128xi32, #tpu.memory_space<hbm>> -> memref<1x1x40x128xi32, #tpu.memory_space<hbm>>
      %dma_wait3A_116 = tpu.memref_squeeze %dma_wait3A_115 : memref<1x1x40x128xi32, #tpu.memory_space<hbm>> -> memref<40x128xi32, #tpu.memory_space<hbm>>
      tpu.wait_dma2 semaphore(%run_scoped3A_100 : memref<!tpu.dma_semaphore, #tpu.memory_space<semaphore_mem>>) src(%dma_wait3A_116 : memref<40x128xi32, #tpu.memory_space<hbm>>) dst(%arg7 : memref<40x128xi32, #tpu.memory_space<vmem>>)
      tpu.yield
    }) : () -> ()
    %dma_start3A = arith.constant 0 : i32
    %dma_start3A_37 = arith.constant 0 : i32
    %dma_start3A_38 = tpu.memref_slice %arg6[%dma_start3A, %dma_start3A_37] : memref<40x128xi32, #tpu.memory_space<vmem>> -> memref<1x128xi32, #tpu.memory_space<vmem>>
    %dma_start3A_39 = tpu.memref_squeeze %dma_start3A_38 : memref<1x128xi32, #tpu.memory_space<vmem>> -> memref<128xi32, #tpu.memory_space<vmem>>
    %dma_start3A_40 = arith.constant 0 : i32
    %dma_start3A_41 = arith.constant 0 : i32
    %dma_start3A_42 = tpu.memref_slice %arg2[%dma_start3A_40, %dma_start3A_41] : memref<10000x128xf32, #tpu.memory_space<hbm>> -> memref<10000x128xf32, #tpu.memory_space<hbm>>
    tpu.enqueue_indirect_dma source(%dma_start3A_42 : memref<10000x128xf32, #tpu.memory_space<hbm>>) target(%arg8 : memref<128x128xf32, #tpu.memory_space<vmem>>) offsets(%dma_start3A_39 : memref<128xi32, #tpu.memory_space<vmem>>) semaphore(%arg11 : memref<!tpu.dma_semaphore, #tpu.memory_space<semaphore_mem>>)
    %scan3A_43 = arith.constant 0 : i32
    %scan3A_44 = arith.constant 0 : i32
    %scan3A_45 = arith.constant 20 : i32
    %scan3A_46 = arith.addi %scan3A_44, %scan3A_45 : i32
    %scan3A_47 = arith.constant 1 : i32
    scf.for %scan3A_100 = %scan3A_44 to %scan3A_46 step %scan3A_47  : i32 {
      %mul3A_101 = arith.constant 2 : i32
      %mul3A_102 = arith.muli %mul3A_101, %scan3A_100 : i32
      %add3A_103 = arith.constant 1 : i32
      %add3A_104 = arith.addi %mul3A_102, %add3A_103 : i32
      %dma_start3A_105 = arith.constant 0 : i32
      %dma_start3A_106 = tpu.memref_slice %arg6[%add3A_104, %dma_start3A_105] : memref<40x128xi32, #tpu.memory_space<vmem>> -> memref<1x128xi32, #tpu.memory_space<vmem>>
      %dma_start3A_107 = tpu.memref_squeeze %dma_start3A_106 : memref<1x128xi32, #tpu.memory_space<vmem>> -> memref<128xi32, #tpu.memory_space<vmem>>
      %dma_start3A_108 = arith.constant 0 : i32
      %dma_start3A_109 = arith.constant 0 : i32
      %dma_start3A_110 = tpu.memref_slice %arg2[%dma_start3A_108, %dma_start3A_109] : memref<10000x128xf32, #tpu.memory_space<hbm>> -> memref<10000x128xf32, #tpu.memory_space<hbm>>
      tpu.enqueue_indirect_dma source(%dma_start3A_110 : memref<10000x128xf32, #tpu.memory_space<hbm>>) target(%arg9 : memref<128x128xf32, #tpu.memory_space<vmem>>) offsets(%dma_start3A_107 : memref<128xi32, #tpu.memory_space<vmem>>) semaphore(%arg12 : memref<!tpu.dma_semaphore, #tpu.memory_space<semaphore_mem>>)
      %dma_wait3A_111 = arith.constant 0 : i32
      %dma_wait3A_112 = arith.constant 0 : i32
      %dma_wait3A_113 = tpu.memref_slice %arg6[%dma_wait3A_111, %dma_wait3A_112] : memref<40x128xi32, #tpu.memory_space<vmem>> -> memref<1x128xi32, #tpu.memory_space<vmem>>
      %dma_wait3A_114 = tpu.memref_squeeze %dma_wait3A_113 : memref<1x128xi32, #tpu.memory_space<vmem>> -> memref<128xi32, #tpu.memory_space<vmem>>
      %dma_wait3A_115 = arith.constant 0 : i32
      %dma_wait3A_116 = arith.constant 0 : i32
      %dma_wait3A_117 = tpu.memref_slice %arg2[%dma_wait3A_115, %dma_wait3A_116] : memref<10000x128xf32, #tpu.memory_space<hbm>> -> memref<10000x128xf32, #tpu.memory_space<hbm>>
      tpu.wait_indirect_dma semaphore(%arg11 : memref<!tpu.dma_semaphore, #tpu.memory_space<semaphore_mem>>) src(%dma_wait3A_117 : memref<10000x128xf32, #tpu.memory_space<hbm>>) dst(%arg8 : memref<128x128xf32, #tpu.memory_space<vmem>>)
      "tpu.region"() ({
        %run_scoped3A_138 = tpu.sem_alloc : memref<!tpu.dma_semaphore, #tpu.memory_space<semaphore_mem>>
        %dma_start3A_139 = arith.constant 0 : i32
        %dma_start3A_140 = tpu.memref_slice %arg7[%mul3A_102, %dma_start3A_139] : memref<40x128xi32, #tpu.memory_space<vmem>> -> memref<1x128xi32, #tpu.memory_space<vmem>>
        %dma_start3A_141 = tpu.memref_squeeze %dma_start3A_140 : memref<1x128xi32, #tpu.memory_space<vmem>> -> memref<128xi32, #tpu.memory_space<vmem>>
        %dma_start3A_142 = arith.constant 0 : i32
        %dma_start3A_143 = arith.constant 0 : i32
        %dma_start3A_144 = tpu.memref_slice %arg10[%dma_start3A_142, %dma_start3A_143] : memref<10240x128xf32, #tpu.memory_space<vmem_shared>> -> memref<10240x128xf32, #tpu.memory_space<vmem_shared>>
        tpu.enqueue_indirect_dma source(%arg8 : memref<128x128xf32, #tpu.memory_space<vmem>>) target(%dma_start3A_144 : memref<10240x128xf32, #tpu.memory_space<vmem_shared>>) offsets(%dma_start3A_141 : memref<128xi32, #tpu.memory_space<vmem>>) semaphore(%run_scoped3A_138 : memref<!tpu.dma_semaphore, #tpu.memory_space<semaphore_mem>>) {add = true}
        %dma_wait3A_145 = arith.constant 0 : i32
        %dma_wait3A_146 = tpu.memref_slice %arg7[%mul3A_102, %dma_wait3A_145] : memref<40x128xi32, #tpu.memory_space<vmem>> -> memref<1x128xi32, #tpu.memory_space<vmem>>
        %dma_wait3A_147 = tpu.memref_squeeze %dma_wait3A_146 : memref<1x128xi32, #tpu.memory_space<vmem>> -> memref<128xi32, #tpu.memory_space<vmem>>
        %dma_wait3A_148 = arith.constant 0 : i32
        %dma_wait3A_149 = arith.constant 0 : i32
        %dma_wait3A_150 = tpu.memref_slice %arg10[%dma_wait3A_148, %dma_wait3A_149] : memref<10240x128xf32, #tpu.memory_space<vmem_shared>> -> memref<10240x128xf32, #tpu.memory_space<vmem_shared>>
        tpu.wait_indirect_dma semaphore(%run_scoped3A_138 : memref<!tpu.dma_semaphore, #tpu.memory_space<semaphore_mem>>) src(%arg8 : memref<128x128xf32, #tpu.memory_space<vmem>>) dst(%dma_wait3A_150 : memref<10240x128xf32, #tpu.memory_space<vmem_shared>>)
        tpu.yield
      }) : () -> ()
      %add3A_118 = arith.constant 2 : i32
      %add3A_119 = arith.addi %mul3A_102, %add3A_118 : i32
      %ge3A = arith.constant 40 : i32
      %ge3A_120 = arith.cmpi sge, %add3A_119, %ge3A : i32
      %add3A_121 = arith.constant 2 : i32
      %add3A_122 = arith.addi %mul3A_102, %add3A_121 : i32
      %jit3A = arith.constant 0 : i32
      %select_n3A = arith.select %ge3A_120, %jit3A, %add3A_122 : i32
      %dma_start3A_123 = arith.constant 0 : i32
      %dma_start3A_124 = tpu.memref_slice %arg6[%select_n3A, %dma_start3A_123] : memref<40x128xi32, #tpu.memory_space<vmem>> -> memref<1x128xi32, #tpu.memory_space<vmem>>
      %dma_start3A_125 = tpu.memref_squeeze %dma_start3A_124 : memref<1x128xi32, #tpu.memory_space<vmem>> -> memref<128xi32, #tpu.memory_space<vmem>>
      %dma_start3A_126 = arith.constant 0 : i32
      %dma_start3A_127 = arith.constant 0 : i32
      %dma_start3A_128 = tpu.memref_slice %arg2[%dma_start3A_126, %dma_start3A_127] : memref<10000x128xf32, #tpu.memory_space<hbm>> -> memref<10000x128xf32, #tpu.memory_space<hbm>>
      tpu.enqueue_indirect_dma source(%dma_start3A_128 : memref<10000x128xf32, #tpu.memory_space<hbm>>) target(%arg8 : memref<128x128xf32, #tpu.memory_space<vmem>>) offsets(%dma_start3A_125 : memref<128xi32, #tpu.memory_space<vmem>>) semaphore(%arg11 : memref<!tpu.dma_semaphore, #tpu.memory_space<semaphore_mem>>)
      %dma_wait3A_129 = arith.constant 0 : i32
      %dma_wait3A_130 = arith.constant 0 : i32
      %dma_wait3A_131 = tpu.memref_slice %arg6[%dma_wait3A_129, %dma_wait3A_130] : memref<40x128xi32, #tpu.memory_space<vmem>> -> memref<1x128xi32, #tpu.memory_space<vmem>>
      %dma_wait3A_132 = tpu.memref_squeeze %dma_wait3A_131 : memref<1x128xi32, #tpu.memory_space<vmem>> -> memref<128xi32, #tpu.memory_space<vmem>>
      %dma_wait3A_133 = arith.constant 0 : i32
      %dma_wait3A_134 = arith.constant 0 : i32
      %dma_wait3A_135 = tpu.memref_slice %arg2[%dma_wait3A_133, %dma_wait3A_134] : memref<10000x128xf32, #tpu.memory_space<hbm>> -> memref<10000x128xf32, #tpu.memory_space<hbm>>
      tpu.wait_indirect_dma semaphore(%arg12 : memref<!tpu.dma_semaphore, #tpu.memory_space<semaphore_mem>>) src(%dma_wait3A_135 : memref<10000x128xf32, #tpu.memory_space<hbm>>) dst(%arg9 : memref<128x128xf32, #tpu.memory_space<vmem>>)
      %add3A_136 = arith.constant 1 : i32
      %add3A_137 = arith.addi %mul3A_102, %add3A_136 : i32
      "tpu.region"() ({
        %run_scoped3A_138 = tpu.sem_alloc : memref<!tpu.dma_semaphore, #tpu.memory_space<semaphore_mem>>
        %dma_start3A_139 = arith.constant 0 : i32
        %dma_start3A_140 = tpu.memref_slice %arg7[%add3A_137, %dma_start3A_139] : memref<40x128xi32, #tpu.memory_space<vmem>> -> memref<1x128xi32, #tpu.memory_space<vmem>>
        %dma_start3A_141 = tpu.memref_squeeze %dma_start3A_140 : memref<1x128xi32, #tpu.memory_space<vmem>> -> memref<128xi32, #tpu.memory_space<vmem>>
        %dma_start3A_142 = arith.constant 0 : i32
        %dma_start3A_143 = arith.constant 0 : i32
        %dma_start3A_144 = tpu.memref_slice %arg10[%dma_start3A_142, %dma_start3A_143] : memref<10240x128xf32, #tpu.memory_space<vmem_shared>> -> memref<10240x128xf32, #tpu.memory_space<vmem_shared>>
        tpu.enqueue_indirect_dma source(%arg9 : memref<128x128xf32, #tpu.memory_space<vmem>>) target(%dma_start3A_144 : memref<10240x128xf32, #tpu.memory_space<vmem_shared>>) offsets(%dma_start3A_141 : memref<128xi32, #tpu.memory_space<vmem>>) semaphore(%run_scoped3A_138 : memref<!tpu.dma_semaphore, #tpu.memory_space<semaphore_mem>>) {add = true}
        %dma_wait3A_145 = arith.constant 0 : i32
        %dma_wait3A_146 = tpu.memref_slice %arg7[%add3A_137, %dma_wait3A_145] : memref<40x128xi32, #tpu.memory_space<vmem>> -> memref<1x128xi32, #tpu.memory_space<vmem>>
        %dma_wait3A_147 = tpu.memref_squeeze %dma_wait3A_146 : memref<1x128xi32, #tpu.memory_space<vmem>> -> memref<128xi32, #tpu.memory_space<vmem>>
        %dma_wait3A_148 = arith.constant 0 : i32
        %dma_wait3A_149 = arith.constant 0 : i32
        %dma_wait3A_150 = tpu.memref_slice %arg10[%dma_wait3A_148, %dma_wait3A_149] : memref<10240x128xf32, #tpu.memory_space<vmem_shared>> -> memref<10240x128xf32, #tpu.memory_space<vmem_shared>>
        tpu.wait_indirect_dma semaphore(%run_scoped3A_138 : memref<!tpu.dma_semaphore, #tpu.memory_space<semaphore_mem>>) src(%arg9 : memref<128x128xf32, #tpu.memory_space<vmem>>) dst(%dma_wait3A_150 : memref<10240x128xf32, #tpu.memory_space<vmem_shared>>)
        tpu.yield
      }) : () -> ()
    }
    %scan3A_48 = arith.constant 20 : i32
    %dma_wait3A = arith.constant 0 : i32
    %dma_wait3A_49 = arith.constant 0 : i32
    %dma_wait3A_50 = tpu.memref_slice %arg6[%dma_wait3A, %dma_wait3A_49] : memref<40x128xi32, #tpu.memory_space<vmem>> -> memref<1x128xi32, #tpu.memory_space<vmem>>
    %dma_wait3A_51 = tpu.memref_squeeze %dma_wait3A_50 : memref<1x128xi32, #tpu.memory_space<vmem>> -> memref<128xi32, #tpu.memory_space<vmem>>
    %dma_wait3A_52 = arith.constant 0 : i32
    %dma_wait3A_53 = arith.constant 0 : i32
    %dma_wait3A_54 = tpu.memref_slice %arg2[%dma_wait3A_52, %dma_wait3A_53] : memref<10000x128xf32, #tpu.memory_space<hbm>> -> memref<10000x128xf32, #tpu.memory_space<hbm>>
    tpu.wait_indirect_dma semaphore(%arg11 : memref<!tpu.dma_semaphore, #tpu.memory_space<semaphore_mem>>) src(%dma_wait3A_54 : memref<10000x128xf32, #tpu.memory_space<hbm>>) dst(%arg8 : memref<128x128xf32, #tpu.memory_space<vmem>>)
    %run_scoped3A_55 = arith.constant 0 : i32
    "tpu.region"() ({
      %run_scoped3A_100 = tpu.sem_alloc : memref<!tpu.dma_semaphore, #tpu.memory_space<semaphore_mem>>
      %dma_start3A_101 = arith.constant 40 : i32
      %dma_start3A_102 = arith.constant 0 : i32
      %dma_start3A_103 = tpu.memref_slice %arg3[%run_scoped3A_55, %add3A, %dma_start3A_101, %dma_start3A_102] : memref<2x32x80x128xi32, #tpu.memory_space<hbm>> -> memref<1x1x40x128xi32, #tpu.memory_space<hbm>>
      %dma_start3A_104 = tpu.memref_squeeze %dma_start3A_103 : memref<1x1x40x128xi32, #tpu.memory_space<hbm>> -> memref<40x128xi32, #tpu.memory_space<hbm>>
      %dma_start3A_105 = arith.constant 40 : i32
      %dma_start3A_106 = arith.constant 0 : i32
      %dma_start3A_107 = tpu.memref_slice %arg3[%run_scoped3A_55, %add3A, %dma_start3A_105, %dma_start3A_106] : memref<2x32x80x128xi32, #tpu.memory_space<hbm>> -> memref<1x1x40x128xi32, #tpu.memory_space<hbm>>
      %dma_start3A_108 = tpu.memref_squeeze %dma_start3A_107 : memref<1x1x40x128xi32, #tpu.memory_space<hbm>> -> memref<40x128xi32, #tpu.memory_space<hbm>>
      tpu.enqueue_dma source(%dma_start3A_108 : memref<40x128xi32, #tpu.memory_space<hbm>>) target(%arg6 : memref<40x128xi32, #tpu.memory_space<vmem>>) target_semaphore(%run_scoped3A_100 : memref<!tpu.dma_semaphore, #tpu.memory_space<semaphore_mem>>)
      %dma_wait3A_109 = arith.constant 40 : i32
      %dma_wait3A_110 = arith.constant 0 : i32
      %dma_wait3A_111 = tpu.memref_slice %arg3[%run_scoped3A_55, %add3A, %dma_wait3A_109, %dma_wait3A_110] : memref<2x32x80x128xi32, #tpu.memory_space<hbm>> -> memref<1x1x40x128xi32, #tpu.memory_space<hbm>>
      %dma_wait3A_112 = tpu.memref_squeeze %dma_wait3A_111 : memref<1x1x40x128xi32, #tpu.memory_space<hbm>> -> memref<40x128xi32, #tpu.memory_space<hbm>>
      %dma_wait3A_113 = arith.constant 40 : i32
      %dma_wait3A_114 = arith.constant 0 : i32
      %dma_wait3A_115 = tpu.memref_slice %arg3[%run_scoped3A_55, %add3A, %dma_wait3A_113, %dma_wait3A_114] : memref<2x32x80x128xi32, #tpu.memory_space<hbm>> -> memref<1x1x40x128xi32, #tpu.memory_space<hbm>>
      %dma_wait3A_116 = tpu.memref_squeeze %dma_wait3A_115 : memref<1x1x40x128xi32, #tpu.memory_space<hbm>> -> memref<40x128xi32, #tpu.memory_space<hbm>>
      tpu.wait_dma2 semaphore(%run_scoped3A_100 : memref<!tpu.dma_semaphore, #tpu.memory_space<semaphore_mem>>) src(%dma_wait3A_116 : memref<40x128xi32, #tpu.memory_space<hbm>>) dst(%arg6 : memref<40x128xi32, #tpu.memory_space<vmem>>)
      tpu.yield
    }) : () -> ()
    %run_scoped3A_56 = arith.constant 1 : i32
    "tpu.region"() ({
      %run_scoped3A_100 = tpu.sem_alloc : memref<!tpu.dma_semaphore, #tpu.memory_space<semaphore_mem>>
      %dma_start3A_101 = arith.constant 40 : i32
      %dma_start3A_102 = arith.constant 0 : i32
      %dma_start3A_103 = tpu.memref_slice %arg3[%run_scoped3A_56, %add3A, %dma_start3A_101, %dma_start3A_102] : memref<2x32x80x128xi32, #tpu.memory_space<hbm>> -> memref<1x1x40x128xi32, #tpu.memory_space<hbm>>
      %dma_start3A_104 = tpu.memref_squeeze %dma_start3A_103 : memref<1x1x40x128xi32, #tpu.memory_space<hbm>> -> memref<40x128xi32, #tpu.memory_space<hbm>>
      %dma_start3A_105 = arith.constant 40 : i32
      %dma_start3A_106 = arith.constant 0 : i32
      %dma_start3A_107 = tpu.memref_slice %arg3[%run_scoped3A_56, %add3A, %dma_start3A_105, %dma_start3A_106] : memref<2x32x80x128xi32, #tpu.memory_space<hbm>> -> memref<1x1x40x128xi32, #tpu.memory_space<hbm>>
      %dma_start3A_108 = tpu.memref_squeeze %dma_start3A_107 : memref<1x1x40x128xi32, #tpu.memory_space<hbm>> -> memref<40x128xi32, #tpu.memory_space<hbm>>
      tpu.enqueue_dma source(%dma_start3A_108 : memref<40x128xi32, #tpu.memory_space<hbm>>) target(%arg7 : memref<40x128xi32, #tpu.memory_space<vmem>>) target_semaphore(%run_scoped3A_100 : memref<!tpu.dma_semaphore, #tpu.memory_space<semaphore_mem>>)
      %dma_wait3A_109 = arith.constant 40 : i32
      %dma_wait3A_110 = arith.constant 0 : i32
      %dma_wait3A_111 = tpu.memref_slice %arg3[%run_scoped3A_56, %add3A, %dma_wait3A_109, %dma_wait3A_110] : memref<2x32x80x128xi32, #tpu.memory_space<hbm>> -> memref<1x1x40x128xi32, #tpu.memory_space<hbm>>
      %dma_wait3A_112 = tpu.memref_squeeze %dma_wait3A_111 : memref<1x1x40x128xi32, #tpu.memory_space<hbm>> -> memref<40x128xi32, #tpu.memory_space<hbm>>
      %dma_wait3A_113 = arith.constant 40 : i32
      %dma_wait3A_114 = arith.constant 0 : i32
      %dma_wait3A_115 = tpu.memref_slice %arg3[%run_scoped3A_56, %add3A, %dma_wait3A_113, %dma_wait3A_114] : memref<2x32x80x128xi32, #tpu.memory_space<hbm>> -> memref<1x1x40x128xi32, #tpu.memory_space<hbm>>
      %dma_wait3A_116 = tpu.memref_squeeze %dma_wait3A_115 : memref<1x1x40x128xi32, #tpu.memory_space<hbm>> -> memref<40x128xi32, #tpu.memory_space<hbm>>
      tpu.wait_dma2 semaphore(%run_scoped3A_100 : memref<!tpu.dma_semaphore, #tpu.memory_space<semaphore_mem>>) src(%dma_wait3A_116 : memref<40x128xi32, #tpu.memory_space<hbm>>) dst(%arg7 : memref<40x128xi32, #tpu.memory_space<vmem>>)
      tpu.yield
    }) : () -> ()
    %dma_start3A_57 = arith.constant 0 : i32
    %dma_start3A_58 = arith.constant 0 : i32
    %dma_start3A_59 = tpu.memref_slice %arg6[%dma_start3A_57, %dma_start3A_58] : memref<40x128xi32, #tpu.memory_space<vmem>> -> memref<1x128xi32, #tpu.memory_space<vmem>>
    %dma_start3A_60 = tpu.memref_squeeze %dma_start3A_59 : memref<1x128xi32, #tpu.memory_space<vmem>> -> memref<128xi32, #tpu.memory_space<vmem>>
    %dma_start3A_61 = arith.constant 0 : i32
    %dma_start3A_62 = arith.constant 0 : i32
    %dma_start3A_63 = tpu.memref_slice %arg2[%dma_start3A_61, %dma_start3A_62] : memref<10000x128xf32, #tpu.memory_space<hbm>> -> memref<10000x128xf32, #tpu.memory_space<hbm>>
    tpu.enqueue_indirect_dma source(%dma_start3A_63 : memref<10000x128xf32, #tpu.memory_space<hbm>>) target(%arg8 : memref<128x128xf32, #tpu.memory_space<vmem>>) offsets(%dma_start3A_60 : memref<128xi32, #tpu.memory_space<vmem>>) semaphore(%arg11 : memref<!tpu.dma_semaphore, #tpu.memory_space<semaphore_mem>>)
    %scan3A_64 = arith.constant 0 : i32
    %scan3A_65 = arith.constant 0 : i32
    %scan3A_66 = arith.constant 20 : i32
    %scan3A_67 = arith.addi %scan3A_65, %scan3A_66 : i32
    %scan3A_68 = arith.constant 1 : i32
    scf.for %scan3A_100 = %scan3A_65 to %scan3A_67 step %scan3A_68  : i32 {
      %mul3A_101 = arith.constant 2 : i32
      %mul3A_102 = arith.muli %mul3A_101, %scan3A_100 : i32
      %add3A_103 = arith.constant 1 : i32
      %add3A_104 = arith.addi %mul3A_102, %add3A_103 : i32
      %dma_start3A_105 = arith.constant 0 : i32
      %dma_start3A_106 = tpu.memref_slice %arg6[%add3A_104, %dma_start3A_105] : memref<40x128xi32, #tpu.memory_space<vmem>> -> memref<1x128xi32, #tpu.memory_space<vmem>>
      %dma_start3A_107 = tpu.memref_squeeze %dma_start3A_106 : memref<1x128xi32, #tpu.memory_space<vmem>> -> memref<128xi32, #tpu.memory_space<vmem>>
      %dma_start3A_108 = arith.constant 0 : i32
      %dma_start3A_109 = arith.constant 0 : i32
      %dma_start3A_110 = tpu.memref_slice %arg2[%dma_start3A_108, %dma_start3A_109] : memref<10000x128xf32, #tpu.memory_space<hbm>> -> memref<10000x128xf32, #tpu.memory_space<hbm>>
      tpu.enqueue_indirect_dma source(%dma_start3A_110 : memref<10000x128xf32, #tpu.memory_space<hbm>>) target(%arg9 : memref<128x128xf32, #tpu.memory_space<vmem>>) offsets(%dma_start3A_107 : memref<128xi32, #tpu.memory_space<vmem>>) semaphore(%arg12 : memref<!tpu.dma_semaphore, #tpu.memory_space<semaphore_mem>>)
      %dma_wait3A_111 = arith.constant 0 : i32
      %dma_wait3A_112 = arith.constant 0 : i32
      %dma_wait3A_113 = tpu.memref_slice %arg6[%dma_wait3A_111, %dma_wait3A_112] : memref<40x128xi32, #tpu.memory_space<vmem>> -> memref<1x128xi32, #tpu.memory_space<vmem>>
      %dma_wait3A_114 = tpu.memref_squeeze %dma_wait3A_113 : memref<1x128xi32, #tpu.memory_space<vmem>> -> memref<128xi32, #tpu.memory_space<vmem>>
      %dma_wait3A_115 = arith.constant 0 : i32
      %dma_wait3A_116 = arith.constant 0 : i32
      %dma_wait3A_117 = tpu.memref_slice %arg2[%dma_wait3A_115, %dma_wait3A_116] : memref<10000x128xf32, #tpu.memory_space<hbm>> -> memref<10000x128xf32, #tpu.memory_space<hbm>>
      tpu.wait_indirect_dma semaphore(%arg11 : memref<!tpu.dma_semaphore, #tpu.memory_space<semaphore_mem>>) src(%dma_wait3A_117 : memref<10000x128xf32, #tpu.memory_space<hbm>>) dst(%arg8 : memref<128x128xf32, #tpu.memory_space<vmem>>)
      "tpu.region"() ({
        %run_scoped3A_138 = tpu.sem_alloc : memref<!tpu.dma_semaphore, #tpu.memory_space<semaphore_mem>>
        %dma_start3A_139 = arith.constant 0 : i32
        %dma_start3A_140 = tpu.memref_slice %arg7[%mul3A_102, %dma_start3A_139] : memref<40x128xi32, #tpu.memory_space<vmem>> -> memref<1x128xi32, #tpu.memory_space<vmem>>
        %dma_start3A_141 = tpu.memref_squeeze %dma_start3A_140 : memref<1x128xi32, #tpu.memory_space<vmem>> -> memref<128xi32, #tpu.memory_space<vmem>>
        %dma_start3A_142 = arith.constant 0 : i32
        %dma_start3A_143 = arith.constant 0 : i32
        %dma_start3A_144 = tpu.memref_slice %arg10[%dma_start3A_142, %dma_start3A_143] : memref<10240x128xf32, #tpu.memory_space<vmem_shared>> -> memref<10240x128xf32, #tpu.memory_space<vmem_shared>>
        tpu.enqueue_indirect_dma source(%arg8 : memref<128x128xf32, #tpu.memory_space<vmem>>) target(%dma_start3A_144 : memref<10240x128xf32, #tpu.memory_space<vmem_shared>>) offsets(%dma_start3A_141 : memref<128xi32, #tpu.memory_space<vmem>>) semaphore(%run_scoped3A_138 : memref<!tpu.dma_semaphore, #tpu.memory_space<semaphore_mem>>) {add = true}
        %dma_wait3A_145 = arith.constant 0 : i32
        %dma_wait3A_146 = tpu.memref_slice %arg7[%mul3A_102, %dma_wait3A_145] : memref<40x128xi32, #tpu.memory_space<vmem>> -> memref<1x128xi32, #tpu.memory_space<vmem>>
        %dma_wait3A_147 = tpu.memref_squeeze %dma_wait3A_146 : memref<1x128xi32, #tpu.memory_space<vmem>> -> memref<128xi32, #tpu.memory_space<vmem>>
        %dma_wait3A_148 = arith.constant 0 : i32
        %dma_wait3A_149 = arith.constant 0 : i32
        %dma_wait3A_150 = tpu.memref_slice %arg10[%dma_wait3A_148, %dma_wait3A_149] : memref<10240x128xf32, #tpu.memory_space<vmem_shared>> -> memref<10240x128xf32, #tpu.memory_space<vmem_shared>>
        tpu.wait_indirect_dma semaphore(%run_scoped3A_138 : memref<!tpu.dma_semaphore, #tpu.memory_space<semaphore_mem>>) src(%arg8 : memref<128x128xf32, #tpu.memory_space<vmem>>) dst(%dma_wait3A_150 : memref<10240x128xf32, #tpu.memory_space<vmem_shared>>)
        tpu.yield
      }) : () -> ()
      %add3A_118 = arith.constant 2 : i32
      %add3A_119 = arith.addi %mul3A_102, %add3A_118 : i32
      %ge3A = arith.constant 40 : i32
      %ge3A_120 = arith.cmpi sge, %add3A_119, %ge3A : i32
      %add3A_121 = arith.constant 2 : i32
      %add3A_122 = arith.addi %mul3A_102, %add3A_121 : i32
      %jit3A = arith.constant 0 : i32
      %select_n3A = arith.select %ge3A_120, %jit3A, %add3A_122 : i32
      %dma_start3A_123 = arith.constant 0 : i32
      %dma_start3A_124 = tpu.memref_slice %arg6[%select_n3A, %dma_start3A_123] : memref<40x128xi32, #tpu.memory_space<vmem>> -> memref<1x128xi32, #tpu.memory_space<vmem>>
      %dma_start3A_125 = tpu.memref_squeeze %dma_start3A_124 : memref<1x128xi32, #tpu.memory_space<vmem>> -> memref<128xi32, #tpu.memory_space<vmem>>
      %dma_start3A_126 = arith.constant 0 : i32
      %dma_start3A_127 = arith.constant 0 : i32
      %dma_start3A_128 = tpu.memref_slice %arg2[%dma_start3A_126, %dma_start3A_127] : memref<10000x128xf32, #tpu.memory_space<hbm>> -> memref<10000x128xf32, #tpu.memory_space<hbm>>
      tpu.enqueue_indirect_dma source(%dma_start3A_128 : memref<10000x128xf32, #tpu.memory_space<hbm>>) target(%arg8 : memref<128x128xf32, #tpu.memory_space<vmem>>) offsets(%dma_start3A_125 : memref<128xi32, #tpu.memory_space<vmem>>) semaphore(%arg11 : memref<!tpu.dma_semaphore, #tpu.memory_space<semaphore_mem>>)
      %dma_wait3A_129 = arith.constant 0 : i32
      %dma_wait3A_130 = arith.constant 0 : i32
      %dma_wait3A_131 = tpu.memref_slice %arg6[%dma_wait3A_129, %dma_wait3A_130] : memref<40x128xi32, #tpu.memory_space<vmem>> -> memref<1x128xi32, #tpu.memory_space<vmem>>
      %dma_wait3A_132 = tpu.memref_squeeze %dma_wait3A_131 : memref<1x128xi32, #tpu.memory_space<vmem>> -> memref<128xi32, #tpu.memory_space<vmem>>
      %dma_wait3A_133 = arith.constant 0 : i32
      %dma_wait3A_134 = arith.constant 0 : i32
      %dma_wait3A_135 = tpu.memref_slice %arg2[%dma_wait3A_133, %dma_wait3A_134] : memref<10000x128xf32, #tpu.memory_space<hbm>> -> memref<10000x128xf32, #tpu.memory_space<hbm>>
      tpu.wait_indirect_dma semaphore(%arg12 : memref<!tpu.dma_semaphore, #tpu.memory_space<semaphore_mem>>) src(%dma_wait3A_135 : memref<10000x128xf32, #tpu.memory_space<hbm>>) dst(%arg9 : memref<128x128xf32, #tpu.memory_space<vmem>>)
      %add3A_136 = arith.constant 1 : i32
      %add3A_137 = arith.addi %mul3A_102, %add3A_136 : i32
      "tpu.region"() ({
        %run_scoped3A_138 = tpu.sem_alloc : memref<!tpu.dma_semaphore, #tpu.memory_space<semaphore_mem>>
        %dma_start3A_139 = arith.constant 0 : i32
        %dma_start3A_140 = tpu.memref_slice %arg7[%add3A_137, %dma_start3A_139] : memref<40x128xi32, #tpu.memory_space<vmem>> -> memref<1x128xi32, #tpu.memory_space<vmem>>
        %dma_start3A_141 = tpu.memref_squeeze %dma_start3A_140 : memref<1x128xi32, #tpu.memory_space<vmem>> -> memref<128xi32, #tpu.memory_space<vmem>>
        %dma_start3A_142 = arith.constant 0 : i32
        %dma_start3A_143 = arith.constant 0 : i32
        %dma_start3A_144 = tpu.memref_slice %arg10[%dma_start3A_142, %dma_start3A_143] : memref<10240x128xf32, #tpu.memory_space<vmem_shared>> -> memref<10240x128xf32, #tpu.memory_space<vmem_shared>>
        tpu.enqueue_indirect_dma source(%arg9 : memref<128x128xf32, #tpu.memory_space<vmem>>) target(%dma_start3A_144 : memref<10240x128xf32, #tpu.memory_space<vmem_shared>>) offsets(%dma_start3A_141 : memref<128xi32, #tpu.memory_space<vmem>>) semaphore(%run_scoped3A_138 : memref<!tpu.dma_semaphore, #tpu.memory_space<semaphore_mem>>) {add = true}
        %dma_wait3A_145 = arith.constant 0 : i32
        %dma_wait3A_146 = tpu.memref_slice %arg7[%add3A_137, %dma_wait3A_145] : memref<40x128xi32, #tpu.memory_space<vmem>> -> memref<1x128xi32, #tpu.memory_space<vmem>>
        %dma_wait3A_147 = tpu.memref_squeeze %dma_wait3A_146 : memref<1x128xi32, #tpu.memory_space<vmem>> -> memref<128xi32, #tpu.memory_space<vmem>>
        %dma_wait3A_148 = arith.constant 0 : i32
        %dma_wait3A_149 = arith.constant 0 : i32
        %dma_wait3A_150 = tpu.memref_slice %arg10[%dma_wait3A_148, %dma_wait3A_149] : memref<10240x128xf32, #tpu.memory_space<vmem_shared>> -> memref<10240x128xf32, #tpu.memory_space<vmem_shared>>
        tpu.wait_indirect_dma semaphore(%run_scoped3A_138 : memref<!tpu.dma_semaphore, #tpu.memory_space<semaphore_mem>>) src(%arg9 : memref<128x128xf32, #tpu.memory_space<vmem>>) dst(%dma_wait3A_150 : memref<10240x128xf32, #tpu.memory_space<vmem_shared>>)
        tpu.yield
      }) : () -> ()
    }
    %scan3A_69 = arith.constant 20 : i32
    %dma_wait3A_70 = arith.constant 0 : i32
    %dma_wait3A_71 = arith.constant 0 : i32
    %dma_wait3A_72 = tpu.memref_slice %arg6[%dma_wait3A_70, %dma_wait3A_71] : memref<40x128xi32, #tpu.memory_space<vmem>> -> memref<1x128xi32, #tpu.memory_space<vmem>>
    %dma_wait3A_73 = tpu.memref_squeeze %dma_wait3A_72 : memref<1x128xi32, #tpu.memory_space<vmem>> -> memref<128xi32, #tpu.memory_space<vmem>>
    %dma_wait3A_74 = arith.constant 0 : i32
    %dma_wait3A_75 = arith.constant 0 : i32
    %dma_wait3A_76 = tpu.memref_slice %arg2[%dma_wait3A_74, %dma_wait3A_75] : memref<10000x128xf32, #tpu.memory_space<hbm>> -> memref<10000x128xf32, #tpu.memory_space<hbm>>
    tpu.wait_indirect_dma semaphore(%arg11 : memref<!tpu.dma_semaphore, #tpu.memory_space<semaphore_mem>>) src(%dma_wait3A_76 : memref<10000x128xf32, #tpu.memory_space<hbm>>) dst(%arg8 : memref<128x128xf32, #tpu.memory_space<vmem>>)
    %barrier3A_77 = arith.constant 0 : index
    tpu.barrier barrier_id(%barrier3A_77)
    %eq3A = arith.constant 0 : i32
    %eq3A_78 = arith.cmpi eq, %arg0, %eq3A : i32
    %convert_element_type3A = arith.extui %eq3A_78 : i1 to i32
    %cond3A = arith.constant 0 : i32
    %cond3A_79 = arith.cmpi ne, %convert_element_type3A, %cond3A : i32
    scf.if %cond3A_79 {
      %mul3A_100 = arith.constant 624 : i32
      %mul3A_101 = arith.muli %arg1, %mul3A_100 : i32
      %mul3A_102 = arith.constant 624 : i32
      %mul3A_103 = arith.muli %arg1, %mul3A_102 : i32
      "tpu.region"() ({
        %run_scoped3A_104 = tpu.sem_alloc : memref<!tpu.dma_semaphore, #tpu.memory_space<semaphore_mem>>
        %dma_start3A_105 = arith.constant 0 : i32
        %dma_start3A_106 = tpu.memref_slice %arg4[%mul3A_103, %dma_start3A_105] : memref<10000x128xf32, #tpu.memory_space<hbm>> -> memref<624x128xf32, #tpu.memory_space<hbm>>
        %dma_start3A_107 = arith.constant 0 : i32
        %dma_start3A_108 = tpu.memref_slice %arg10[%mul3A_101, %dma_start3A_107] : memref<10240x128xf32, #tpu.memory_space<vmem_shared>> -> memref<624x128xf32, #tpu.memory_space<vmem_shared>>
        tpu.enqueue_dma source(%dma_start3A_108 : memref<624x128xf32, #tpu.memory_space<vmem_shared>>) target(%dma_start3A_106 : memref<624x128xf32, #tpu.memory_space<hbm>>) target_semaphore(%run_scoped3A_104 : memref<!tpu.dma_semaphore, #tpu.memory_space<semaphore_mem>>)
        %dma_wait3A_109 = arith.constant 0 : i32
        %dma_wait3A_110 = tpu.memref_slice %arg4[%mul3A_103, %dma_wait3A_109] : memref<10000x128xf32, #tpu.memory_space<hbm>> -> memref<624x128xf32, #tpu.memory_space<hbm>>
        %dma_wait3A_111 = arith.constant 0 : i32
        %dma_wait3A_112 = tpu.memref_slice %arg10[%mul3A_101, %dma_wait3A_111] : memref<10240x128xf32, #tpu.memory_space<vmem_shared>> -> memref<624x128xf32, #tpu.memory_space<vmem_shared>>
        tpu.wait_dma2 semaphore(%run_scoped3A_104 : memref<!tpu.dma_semaphore, #tpu.memory_space<semaphore_mem>>) src(%dma_wait3A_112 : memref<624x128xf32, #tpu.memory_space<vmem_shared>>) dst(%dma_wait3A_110 : memref<624x128xf32, #tpu.memory_space<hbm>>)
        tpu.yield
      }) : () -> ()
    } else {
    }
    %eq3A_80 = arith.constant 1 : i32
    %eq3A_81 = arith.cmpi eq, %arg0, %eq3A_80 : i32
    %convert_element_type3A_82 = arith.extui %eq3A_81 : i1 to i32
    %cond3A_83 = arith.constant 0 : i32
    %cond3A_84 = arith.cmpi ne, %convert_element_type3A_82, %cond3A_83 : i32
    scf.if %cond3A_84 {
      %mul3A_100 = arith.constant 624 : i32
      %mul3A_101 = arith.muli %arg1, %mul3A_100 : i32
      %mul3A_102 = arith.constant 624 : i32
      %mul3A_103 = arith.muli %arg1, %mul3A_102 : i32
      "tpu.region"() ({
        %run_scoped3A_104 = tpu.sem_alloc : memref<!tpu.dma_semaphore, #tpu.memory_space<semaphore_mem>>
        %dma_start3A_105 = arith.constant 0 : i32
        %dma_start3A_106 = tpu.memref_slice %arg5[%mul3A_103, %dma_start3A_105] : memref<10000x128xf32, #tpu.memory_space<hbm>> -> memref<624x128xf32, #tpu.memory_space<hbm>>
        %dma_start3A_107 = arith.constant 0 : i32
        %dma_start3A_108 = tpu.memref_slice %arg10[%mul3A_101, %dma_start3A_107] : memref<10240x128xf32, #tpu.memory_space<vmem_shared>> -> memref<624x128xf32, #tpu.memory_space<vmem_shared>>
        tpu.enqueue_dma source(%dma_start3A_108 : memref<624x128xf32, #tpu.memory_space<vmem_shared>>) target(%dma_start3A_106 : memref<624x128xf32, #tpu.memory_space<hbm>>) target_semaphore(%run_scoped3A_104 : memref<!tpu.dma_semaphore, #tpu.memory_space<semaphore_mem>>)
        %dma_wait3A_109 = arith.constant 0 : i32
        %dma_wait3A_110 = tpu.memref_slice %arg5[%mul3A_103, %dma_wait3A_109] : memref<10000x128xf32, #tpu.memory_space<hbm>> -> memref<624x128xf32, #tpu.memory_space<hbm>>
        %dma_wait3A_111 = arith.constant 0 : i32
        %dma_wait3A_112 = tpu.memref_slice %arg10[%mul3A_101, %dma_wait3A_111] : memref<10240x128xf32, #tpu.memory_space<vmem_shared>> -> memref<624x128xf32, #tpu.memory_space<vmem_shared>>
        tpu.wait_dma2 semaphore(%run_scoped3A_104 : memref<!tpu.dma_semaphore, #tpu.memory_space<semaphore_mem>>) src(%dma_wait3A_112 : memref<624x128xf32, #tpu.memory_space<vmem_shared>>) dst(%dma_wait3A_110 : memref<624x128xf32, #tpu.memory_space<hbm>>)
        tpu.yield
      }) : () -> ()
    } else {
    }
    %eq3A_85 = arith.constant 0 : i32
    %eq3A_86 = arith.cmpi eq, %arg0, %eq3A_85 : i32
    %eq3A_87 = arith.constant 15 : i32
    %eq3A_88 = arith.cmpi eq, %arg1, %eq3A_87 : i32
    %and3A = arith.andi %eq3A_86, %eq3A_88 : i1
    %convert_element_type3A_89 = arith.extui %and3A : i1 to i32
    %cond3A_90 = arith.constant 0 : i32
    %cond3A_91 = arith.cmpi ne, %convert_element_type3A_89, %cond3A_90 : i32
    scf.if %cond3A_91 {
      "tpu.region"() ({
        %run_scoped3A_100 = tpu.sem_alloc : memref<!tpu.dma_semaphore, #tpu.memory_space<semaphore_mem>>
        %dma_start3A_101 = arith.constant 9984 : i32
        %dma_start3A_102 = arith.constant 0 : i32
        %dma_start3A_103 = tpu.memref_slice %arg4[%dma_start3A_101, %dma_start3A_102] : memref<10000x128xf32, #tpu.memory_space<hbm>> -> memref<16x128xf32, #tpu.memory_space<hbm>>
        %dma_start3A_104 = arith.constant 9984 : i32
        %dma_start3A_105 = arith.constant 0 : i32
        %dma_start3A_106 = tpu.memref_slice %arg10[%dma_start3A_104, %dma_start3A_105] : memref<10240x128xf32, #tpu.memory_space<vmem_shared>> -> memref<16x128xf32, #tpu.memory_space<vmem_shared>>
        tpu.enqueue_dma source(%dma_start3A_106 : memref<16x128xf32, #tpu.memory_space<vmem_shared>>) target(%dma_start3A_103 : memref<16x128xf32, #tpu.memory_space<hbm>>) target_semaphore(%run_scoped3A_100 : memref<!tpu.dma_semaphore, #tpu.memory_space<semaphore_mem>>)
        %dma_wait3A_107 = arith.constant 9984 : i32
        %dma_wait3A_108 = arith.constant 0 : i32
        %dma_wait3A_109 = tpu.memref_slice %arg4[%dma_wait3A_107, %dma_wait3A_108] : memref<10000x128xf32, #tpu.memory_space<hbm>> -> memref<16x128xf32, #tpu.memory_space<hbm>>
        %dma_wait3A_110 = arith.constant 9984 : i32
        %dma_wait3A_111 = arith.constant 0 : i32
        %dma_wait3A_112 = tpu.memref_slice %arg10[%dma_wait3A_110, %dma_wait3A_111] : memref<10240x128xf32, #tpu.memory_space<vmem_shared>> -> memref<16x128xf32, #tpu.memory_space<vmem_shared>>
        tpu.wait_dma2 semaphore(%run_scoped3A_100 : memref<!tpu.dma_semaphore, #tpu.memory_space<semaphore_mem>>) src(%dma_wait3A_112 : memref<16x128xf32, #tpu.memory_space<vmem_shared>>) dst(%dma_wait3A_109 : memref<16x128xf32, #tpu.memory_space<hbm>>)
        tpu.yield
      }) : () -> ()
    } else {
    }
    %eq3A_92 = arith.constant 1 : i32
    %eq3A_93 = arith.cmpi eq, %arg0, %eq3A_92 : i32
    %eq3A_94 = arith.constant 15 : i32
    %eq3A_95 = arith.cmpi eq, %arg1, %eq3A_94 : i32
    %and3A_96 = arith.andi %eq3A_93, %eq3A_95 : i1
    %convert_element_type3A_97 = arith.extui %and3A_96 : i1 to i32
    %cond3A_98 = arith.constant 0 : i32
    %cond3A_99 = arith.cmpi ne, %convert_element_type3A_97, %cond3A_98 : i32
    scf.if %cond3A_99 {
      "tpu.region"() ({
        %run_scoped3A_100 = tpu.sem_alloc : memref<!tpu.dma_semaphore, #tpu.memory_space<semaphore_mem>>
        %dma_start3A_101 = arith.constant 9984 : i32
        %dma_start3A_102 = arith.constant 0 : i32
        %dma_start3A_103 = tpu.memref_slice %arg5[%dma_start3A_101, %dma_start3A_102] : memref<10000x128xf32, #tpu.memory_space<hbm>> -> memref<16x128xf32, #tpu.memory_space<hbm>>
        %dma_start3A_104 = arith.constant 9984 : i32
        %dma_start3A_105 = arith.constant 0 : i32
        %dma_start3A_106 = tpu.memref_slice %arg10[%dma_start3A_104, %dma_start3A_105] : memref<10240x128xf32, #tpu.memory_space<vmem_shared>> -> memref<16x128xf32, #tpu.memory_space<vmem_shared>>
        tpu.enqueue_dma source(%dma_start3A_106 : memref<16x128xf32, #tpu.memory_space<vmem_shared>>) target(%dma_start3A_103 : memref<16x128xf32, #tpu.memory_space<hbm>>) target_semaphore(%run_scoped3A_100 : memref<!tpu.dma_semaphore, #tpu.memory_space<semaphore_mem>>)
        %dma_wait3A_107 = arith.constant 9984 : i32
        %dma_wait3A_108 = arith.constant 0 : i32
        %dma_wait3A_109 = tpu.memref_slice %arg5[%dma_wait3A_107, %dma_wait3A_108] : memref<10000x128xf32, #tpu.memory_space<hbm>> -> memref<16x128xf32, #tpu.memory_space<hbm>>
        %dma_wait3A_110 = arith.constant 9984 : i32
        %dma_wait3A_111 = arith.constant 0 : i32
        %dma_wait3A_112 = tpu.memref_slice %arg10[%dma_wait3A_110, %dma_wait3A_111] : memref<10240x128xf32, #tpu.memory_space<vmem_shared>> -> memref<16x128xf32, #tpu.memory_space<vmem_shared>>
        tpu.wait_dma2 semaphore(%run_scoped3A_100 : memref<!tpu.dma_semaphore, #tpu.memory_space<semaphore_mem>>) src(%dma_wait3A_112 : memref<16x128xf32, #tpu.memory_space<vmem_shared>>) dst(%dma_wait3A_109 : memref<16x128xf32, #tpu.memory_space<hbm>>)
        tpu.yield
      }) : () -> ()
    } else {
    }
    return
  }
}

#map = affine_map<(d0, d1) -> (0, 0)>
module attributes {stable_mosaic.version = 14 : i64} {
  func.func @k(%arg0: i32, %arg1: i32, %arg2: memref<10000x128xf32, #tpu.memory_space<hbm>>, %arg3: memref<10000x128xf32, #tpu.memory_space<hbm>>, %arg4: memref<10000x128xf32, #tpu.memory_space<hbm>>, %arg5: memref<200x128xf32, #tpu.memory_space<hbm>>, %arg6: memref<8x128xi32, #tpu.memory_space<hbm>>, %arg7: memref<8x128xi32, #tpu.memory_space<hbm>>, %arg8: memref<1024x128xf32, #tpu.memory_space<hbm>>, %arg9: memref<1024x128xf32, #tpu.memory_space<hbm>>, %arg10: memref<1024x128xf32, #tpu.memory_space<hbm>>, %arg11: memref<1024x128xf32, #tpu.memory_space<hbm>>, %arg12: memref<1x128xi32, #tpu.memory_space<vmem>>, %arg13: memref<128x128xf32, #tpu.memory_space<vmem>>, %arg14: memref<!tpu.dma_semaphore, #tpu.memory_space<semaphore_mem>>) attributes {dimension_semantics = [#tpu.dimension_semantics<core_parallel>, #tpu.dimension_semantics<subcore_parallel>], iteration_bounds = array<i64: 2, 16>, scalar_prefetch = 0 : i64, scratch_operands = 3 : i64, tpu.core_type = #tpu.core_type<sc_vector_subcore>, window_params = [{transform_indices = #map}, {transform_indices = #map}, {transform_indices = #map}, {transform_indices = #map}, {transform_indices = #map}, {transform_indices = #map}, {transform_indices = #map}, {transform_indices = #map}, {transform_indices = #map}, {transform_indices = #map}]} {
    %mul3A = arith.constant 2 : i32
    %mul3A_0 = arith.muli %arg1, %mul3A : i32
    %add3A = arith.addi %mul3A_0, %arg0 : i32
    %jit3A = arith.constant 8 : i32
    %div3A = arith.divsi %add3A, %jit3A : i32
    %sign3A = arith.constant 0 : i32
    %sign3A_1 = arith.cmpi sgt, %add3A, %sign3A : i32
    %sign3A_2 = arith.extui %sign3A_1 : i1 to i32
    %sign3A_3 = arith.constant 0 : i32
    %sign3A_4 = arith.cmpi slt, %add3A, %sign3A_3 : i32
    %sign3A_5 = arith.extui %sign3A_4 : i1 to i32
    %sign3A_6 = arith.subi %sign3A_2, %sign3A_5 : i32
    %sign3A_7 = arith.constant 0 : i32
    %sign3A_8 = arith.cmpi sgt, %jit3A, %sign3A_7 : i32
    %sign3A_9 = arith.extui %sign3A_8 : i1 to i32
    %sign3A_10 = arith.constant 0 : i32
    %sign3A_11 = arith.cmpi slt, %jit3A, %sign3A_10 : i32
    %sign3A_12 = arith.extui %sign3A_11 : i1 to i32
    %sign3A_13 = arith.subi %sign3A_9, %sign3A_12 : i32
    %ne3A = arith.cmpi ne, %sign3A_6, %sign3A_13 : i32
    %rem3A = arith.remsi %add3A, %jit3A : i32
    %ne3A_14 = arith.constant 0 : i32
    %ne3A_15 = arith.cmpi ne, %rem3A, %ne3A_14 : i32
    %and3A = arith.andi %ne3A, %ne3A_15 : i1
    %sub3A = arith.constant 1 : i32
    %sub3A_16 = arith.subi %div3A, %sub3A : i32
    %select_n3A = arith.select %and3A, %sub3A_16, %div3A : i32
    %jit3A_17 = arith.constant 8 : i32
    %eq3A = arith.constant 0 : i32
    %eq3A_18 = arith.cmpi eq, %jit3A_17, %eq3A : i32
    %jit3A_19 = arith.constant 1 : i32
    %select_n3A_20 = arith.select %eq3A_18, %jit3A_19, %jit3A_17 : i32
    %rem3A_21 = arith.remsi %add3A, %select_n3A_20 : i32
    %ne3A_22 = arith.constant 0 : i32
    %ne3A_23 = arith.cmpi ne, %rem3A_21, %ne3A_22 : i32
    %lt3A = arith.constant 0 : i32
    %lt3A_24 = arith.cmpi slt, %rem3A_21, %lt3A : i32
    %lt3A_25 = arith.constant 0 : i32
    %lt3A_26 = arith.cmpi slt, %select_n3A_20, %lt3A_25 : i32
    %ne3A_27 = arith.xori %lt3A_24, %lt3A_26 : i1
    %and3A_28 = arith.andi %ne3A_27, %ne3A_23 : i1
    %add3A_29 = arith.addi %rem3A_21, %select_n3A_20 : i32
    %select_n3A_30 = arith.select %and3A_28, %add3A_29, %rem3A_21 : i32
    %eq3A_31 = arith.constant 3 : i32
    %eq3A_32 = arith.cmpi eq, %select_n3A, %eq3A_31 : i32
    %convert_element_type3A = arith.extui %eq3A_32 : i1 to i32
    %cond3A = arith.constant 0 : i32
    %cond3A_33 = arith.cmpi ne, %convert_element_type3A, %cond3A : i32
    scf.if %cond3A_33 {
      "tpu.region"() ({
        %run_scoped3A = tpu.sem_alloc : memref<!tpu.dma_semaphore, #tpu.memory_space<semaphore_mem>>
        %dma_start3A = arith.constant 0 : i32
        %dma_start3A_59 = tpu.memref_slice %arg7[%select_n3A_30, %dma_start3A] : memref<8x128xi32, #tpu.memory_space<hbm>> -> memref<1x128xi32, #tpu.memory_space<hbm>>
        %dma_start3A_60 = arith.constant 0 : i32
        %dma_start3A_61 = tpu.memref_slice %arg7[%select_n3A_30, %dma_start3A_60] : memref<8x128xi32, #tpu.memory_space<hbm>> -> memref<1x128xi32, #tpu.memory_space<hbm>>
        tpu.enqueue_dma source(%dma_start3A_61 : memref<1x128xi32, #tpu.memory_space<hbm>>) target(%arg12 : memref<1x128xi32, #tpu.memory_space<vmem>>) target_semaphore(%run_scoped3A : memref<!tpu.dma_semaphore, #tpu.memory_space<semaphore_mem>>)
        %dma_wait3A = arith.constant 0 : i32
        %dma_wait3A_62 = tpu.memref_slice %arg7[%select_n3A_30, %dma_wait3A] : memref<8x128xi32, #tpu.memory_space<hbm>> -> memref<1x128xi32, #tpu.memory_space<hbm>>
        %dma_wait3A_63 = arith.constant 0 : i32
        %dma_wait3A_64 = tpu.memref_slice %arg7[%select_n3A_30, %dma_wait3A_63] : memref<8x128xi32, #tpu.memory_space<hbm>> -> memref<1x128xi32, #tpu.memory_space<hbm>>
        tpu.wait_dma2 semaphore(%run_scoped3A : memref<!tpu.dma_semaphore, #tpu.memory_space<semaphore_mem>>) src(%dma_wait3A_64 : memref<1x128xi32, #tpu.memory_space<hbm>>) dst(%arg12 : memref<1x128xi32, #tpu.memory_space<vmem>>)
        tpu.yield
      }) : () -> ()
    } else {
    }
    %lt3A_34 = arith.constant 3 : i32
    %lt3A_35 = arith.cmpi slt, %select_n3A, %lt3A_34 : i32
    %convert_element_type3A_36 = arith.extui %lt3A_35 : i1 to i32
    %cond3A_37 = arith.constant 0 : i32
    %cond3A_38 = arith.cmpi ne, %convert_element_type3A_36, %cond3A_37 : i32
    scf.if %cond3A_38 {
      "tpu.region"() ({
        %run_scoped3A = tpu.sem_alloc : memref<!tpu.dma_semaphore, #tpu.memory_space<semaphore_mem>>
        %dma_start3A = arith.constant 0 : i32
        %dma_start3A_59 = tpu.memref_slice %arg6[%select_n3A_30, %dma_start3A] : memref<8x128xi32, #tpu.memory_space<hbm>> -> memref<1x128xi32, #tpu.memory_space<hbm>>
        %dma_start3A_60 = arith.constant 0 : i32
        %dma_start3A_61 = tpu.memref_slice %arg6[%select_n3A_30, %dma_start3A_60] : memref<8x128xi32, #tpu.memory_space<hbm>> -> memref<1x128xi32, #tpu.memory_space<hbm>>
        tpu.enqueue_dma source(%dma_start3A_61 : memref<1x128xi32, #tpu.memory_space<hbm>>) target(%arg12 : memref<1x128xi32, #tpu.memory_space<vmem>>) target_semaphore(%run_scoped3A : memref<!tpu.dma_semaphore, #tpu.memory_space<semaphore_mem>>)
        %dma_wait3A = arith.constant 0 : i32
        %dma_wait3A_62 = tpu.memref_slice %arg6[%select_n3A_30, %dma_wait3A] : memref<8x128xi32, #tpu.memory_space<hbm>> -> memref<1x128xi32, #tpu.memory_space<hbm>>
        %dma_wait3A_63 = arith.constant 0 : i32
        %dma_wait3A_64 = tpu.memref_slice %arg6[%select_n3A_30, %dma_wait3A_63] : memref<8x128xi32, #tpu.memory_space<hbm>> -> memref<1x128xi32, #tpu.memory_space<hbm>>
        tpu.wait_dma2 semaphore(%run_scoped3A : memref<!tpu.dma_semaphore, #tpu.memory_space<semaphore_mem>>) src(%dma_wait3A_64 : memref<1x128xi32, #tpu.memory_space<hbm>>) dst(%arg12 : memref<1x128xi32, #tpu.memory_space<vmem>>)
        tpu.yield
      }) : () -> ()
    } else {
    }
    %eq3A_39 = arith.constant 0 : i32
    %eq3A_40 = arith.cmpi eq, %select_n3A, %eq3A_39 : i32
    %convert_element_type3A_41 = arith.extui %eq3A_40 : i1 to i32
    %cond3A_42 = arith.constant 0 : i32
    %cond3A_43 = arith.cmpi ne, %convert_element_type3A_41, %cond3A_42 : i32
    scf.if %cond3A_43 {
      %dma_start3A = arith.constant 0 : i32
      %dma_start3A_59 = arith.constant 0 : i32
      %dma_start3A_60 = tpu.memref_slice %arg12[%dma_start3A, %dma_start3A_59] : memref<1x128xi32, #tpu.memory_space<vmem>> -> memref<1x128xi32, #tpu.memory_space<vmem>>
      %dma_start3A_61 = tpu.memref_squeeze %dma_start3A_60 : memref<1x128xi32, #tpu.memory_space<vmem>> -> memref<128xi32, #tpu.memory_space<vmem>>
      %dma_start3A_62 = arith.constant 0 : i32
      %dma_start3A_63 = arith.constant 0 : i32
      %dma_start3A_64 = tpu.memref_slice %arg2[%dma_start3A_62, %dma_start3A_63] : memref<10000x128xf32, #tpu.memory_space<hbm>> -> memref<10000x128xf32, #tpu.memory_space<hbm>>
      tpu.enqueue_indirect_dma source(%dma_start3A_64 : memref<10000x128xf32, #tpu.memory_space<hbm>>) target(%arg13 : memref<128x128xf32, #tpu.memory_space<vmem>>) offsets(%dma_start3A_61 : memref<128xi32, #tpu.memory_space<vmem>>) semaphore(%arg14 : memref<!tpu.dma_semaphore, #tpu.memory_space<semaphore_mem>>)
      %dma_wait3A = arith.constant 0 : i32
      %dma_wait3A_65 = arith.constant 0 : i32
      %dma_wait3A_66 = tpu.memref_slice %arg12[%dma_wait3A, %dma_wait3A_65] : memref<1x128xi32, #tpu.memory_space<vmem>> -> memref<1x128xi32, #tpu.memory_space<vmem>>
      %dma_wait3A_67 = tpu.memref_squeeze %dma_wait3A_66 : memref<1x128xi32, #tpu.memory_space<vmem>> -> memref<128xi32, #tpu.memory_space<vmem>>
      %dma_wait3A_68 = arith.constant 0 : i32
      %dma_wait3A_69 = arith.constant 0 : i32
      %dma_wait3A_70 = tpu.memref_slice %arg2[%dma_wait3A_68, %dma_wait3A_69] : memref<10000x128xf32, #tpu.memory_space<hbm>> -> memref<10000x128xf32, #tpu.memory_space<hbm>>
      tpu.wait_indirect_dma semaphore(%arg14 : memref<!tpu.dma_semaphore, #tpu.memory_space<semaphore_mem>>) src(%dma_wait3A_70 : memref<10000x128xf32, #tpu.memory_space<hbm>>) dst(%arg13 : memref<128x128xf32, #tpu.memory_space<vmem>>)
      %mul3A_71 = arith.constant 128 : i32
      %mul3A_72 = arith.muli %select_n3A_30, %mul3A_71 : i32
      "tpu.region"() ({
        %run_scoped3A = tpu.sem_alloc : memref<!tpu.dma_semaphore, #tpu.memory_space<semaphore_mem>>
        %dma_start3A_73 = arith.constant 0 : i32
        %dma_start3A_74 = tpu.memref_slice %arg8[%mul3A_72, %dma_start3A_73] : memref<1024x128xf32, #tpu.memory_space<hbm>> -> memref<128x128xf32, #tpu.memory_space<hbm>>
        %dma_start3A_75 = arith.constant 0 : i32
        %dma_start3A_76 = tpu.memref_slice %arg8[%mul3A_72, %dma_start3A_75] : memref<1024x128xf32, #tpu.memory_space<hbm>> -> memref<128x128xf32, #tpu.memory_space<hbm>>
        tpu.enqueue_dma source(%arg13 : memref<128x128xf32, #tpu.memory_space<vmem>>) target(%dma_start3A_76 : memref<128x128xf32, #tpu.memory_space<hbm>>) target_semaphore(%run_scoped3A : memref<!tpu.dma_semaphore, #tpu.memory_space<semaphore_mem>>)
        %dma_wait3A_77 = arith.constant 0 : i32
        %dma_wait3A_78 = tpu.memref_slice %arg8[%mul3A_72, %dma_wait3A_77] : memref<1024x128xf32, #tpu.memory_space<hbm>> -> memref<128x128xf32, #tpu.memory_space<hbm>>
        %dma_wait3A_79 = arith.constant 0 : i32
        %dma_wait3A_80 = tpu.memref_slice %arg8[%mul3A_72, %dma_wait3A_79] : memref<1024x128xf32, #tpu.memory_space<hbm>> -> memref<128x128xf32, #tpu.memory_space<hbm>>
        tpu.wait_dma2 semaphore(%run_scoped3A : memref<!tpu.dma_semaphore, #tpu.memory_space<semaphore_mem>>) src(%arg13 : memref<128x128xf32, #tpu.memory_space<vmem>>) dst(%dma_wait3A_80 : memref<128x128xf32, #tpu.memory_space<hbm>>)
        tpu.yield
      }) : () -> ()
    } else {
    }
    %eq3A_44 = arith.constant 1 : i32
    %eq3A_45 = arith.cmpi eq, %select_n3A, %eq3A_44 : i32
    %convert_element_type3A_46 = arith.extui %eq3A_45 : i1 to i32
    %cond3A_47 = arith.constant 0 : i32
    %cond3A_48 = arith.cmpi ne, %convert_element_type3A_46, %cond3A_47 : i32
    scf.if %cond3A_48 {
      %dma_start3A = arith.constant 0 : i32
      %dma_start3A_59 = arith.constant 0 : i32
      %dma_start3A_60 = tpu.memref_slice %arg12[%dma_start3A, %dma_start3A_59] : memref<1x128xi32, #tpu.memory_space<vmem>> -> memref<1x128xi32, #tpu.memory_space<vmem>>
      %dma_start3A_61 = tpu.memref_squeeze %dma_start3A_60 : memref<1x128xi32, #tpu.memory_space<vmem>> -> memref<128xi32, #tpu.memory_space<vmem>>
      %dma_start3A_62 = arith.constant 0 : i32
      %dma_start3A_63 = arith.constant 0 : i32
      %dma_start3A_64 = tpu.memref_slice %arg3[%dma_start3A_62, %dma_start3A_63] : memref<10000x128xf32, #tpu.memory_space<hbm>> -> memref<10000x128xf32, #tpu.memory_space<hbm>>
      tpu.enqueue_indirect_dma source(%dma_start3A_64 : memref<10000x128xf32, #tpu.memory_space<hbm>>) target(%arg13 : memref<128x128xf32, #tpu.memory_space<vmem>>) offsets(%dma_start3A_61 : memref<128xi32, #tpu.memory_space<vmem>>) semaphore(%arg14 : memref<!tpu.dma_semaphore, #tpu.memory_space<semaphore_mem>>)
      %dma_wait3A = arith.constant 0 : i32
      %dma_wait3A_65 = arith.constant 0 : i32
      %dma_wait3A_66 = tpu.memref_slice %arg12[%dma_wait3A, %dma_wait3A_65] : memref<1x128xi32, #tpu.memory_space<vmem>> -> memref<1x128xi32, #tpu.memory_space<vmem>>
      %dma_wait3A_67 = tpu.memref_squeeze %dma_wait3A_66 : memref<1x128xi32, #tpu.memory_space<vmem>> -> memref<128xi32, #tpu.memory_space<vmem>>
      %dma_wait3A_68 = arith.constant 0 : i32
      %dma_wait3A_69 = arith.constant 0 : i32
      %dma_wait3A_70 = tpu.memref_slice %arg3[%dma_wait3A_68, %dma_wait3A_69] : memref<10000x128xf32, #tpu.memory_space<hbm>> -> memref<10000x128xf32, #tpu.memory_space<hbm>>
      tpu.wait_indirect_dma semaphore(%arg14 : memref<!tpu.dma_semaphore, #tpu.memory_space<semaphore_mem>>) src(%dma_wait3A_70 : memref<10000x128xf32, #tpu.memory_space<hbm>>) dst(%arg13 : memref<128x128xf32, #tpu.memory_space<vmem>>)
      %mul3A_71 = arith.constant 128 : i32
      %mul3A_72 = arith.muli %select_n3A_30, %mul3A_71 : i32
      "tpu.region"() ({
        %run_scoped3A = tpu.sem_alloc : memref<!tpu.dma_semaphore, #tpu.memory_space<semaphore_mem>>
        %dma_start3A_73 = arith.constant 0 : i32
        %dma_start3A_74 = tpu.memref_slice %arg9[%mul3A_72, %dma_start3A_73] : memref<1024x128xf32, #tpu.memory_space<hbm>> -> memref<128x128xf32, #tpu.memory_space<hbm>>
        %dma_start3A_75 = arith.constant 0 : i32
        %dma_start3A_76 = tpu.memref_slice %arg9[%mul3A_72, %dma_start3A_75] : memref<1024x128xf32, #tpu.memory_space<hbm>> -> memref<128x128xf32, #tpu.memory_space<hbm>>
        tpu.enqueue_dma source(%arg13 : memref<128x128xf32, #tpu.memory_space<vmem>>) target(%dma_start3A_76 : memref<128x128xf32, #tpu.memory_space<hbm>>) target_semaphore(%run_scoped3A : memref<!tpu.dma_semaphore, #tpu.memory_space<semaphore_mem>>)
        %dma_wait3A_77 = arith.constant 0 : i32
        %dma_wait3A_78 = tpu.memref_slice %arg9[%mul3A_72, %dma_wait3A_77] : memref<1024x128xf32, #tpu.memory_space<hbm>> -> memref<128x128xf32, #tpu.memory_space<hbm>>
        %dma_wait3A_79 = arith.constant 0 : i32
        %dma_wait3A_80 = tpu.memref_slice %arg9[%mul3A_72, %dma_wait3A_79] : memref<1024x128xf32, #tpu.memory_space<hbm>> -> memref<128x128xf32, #tpu.memory_space<hbm>>
        tpu.wait_dma2 semaphore(%run_scoped3A : memref<!tpu.dma_semaphore, #tpu.memory_space<semaphore_mem>>) src(%arg13 : memref<128x128xf32, #tpu.memory_space<vmem>>) dst(%dma_wait3A_80 : memref<128x128xf32, #tpu.memory_space<hbm>>)
        tpu.yield
      }) : () -> ()
    } else {
    }
    %eq3A_49 = arith.constant 2 : i32
    %eq3A_50 = arith.cmpi eq, %select_n3A, %eq3A_49 : i32
    %convert_element_type3A_51 = arith.extui %eq3A_50 : i1 to i32
    %cond3A_52 = arith.constant 0 : i32
    %cond3A_53 = arith.cmpi ne, %convert_element_type3A_51, %cond3A_52 : i32
    scf.if %cond3A_53 {
      %dma_start3A = arith.constant 0 : i32
      %dma_start3A_59 = arith.constant 0 : i32
      %dma_start3A_60 = tpu.memref_slice %arg12[%dma_start3A, %dma_start3A_59] : memref<1x128xi32, #tpu.memory_space<vmem>> -> memref<1x128xi32, #tpu.memory_space<vmem>>
      %dma_start3A_61 = tpu.memref_squeeze %dma_start3A_60 : memref<1x128xi32, #tpu.memory_space<vmem>> -> memref<128xi32, #tpu.memory_space<vmem>>
      %dma_start3A_62 = arith.constant 0 : i32
      %dma_start3A_63 = arith.constant 0 : i32
      %dma_start3A_64 = tpu.memref_slice %arg4[%dma_start3A_62, %dma_start3A_63] : memref<10000x128xf32, #tpu.memory_space<hbm>> -> memref<10000x128xf32, #tpu.memory_space<hbm>>
      tpu.enqueue_indirect_dma source(%dma_start3A_64 : memref<10000x128xf32, #tpu.memory_space<hbm>>) target(%arg13 : memref<128x128xf32, #tpu.memory_space<vmem>>) offsets(%dma_start3A_61 : memref<128xi32, #tpu.memory_space<vmem>>) semaphore(%arg14 : memref<!tpu.dma_semaphore, #tpu.memory_space<semaphore_mem>>)
      %dma_wait3A = arith.constant 0 : i32
      %dma_wait3A_65 = arith.constant 0 : i32
      %dma_wait3A_66 = tpu.memref_slice %arg12[%dma_wait3A, %dma_wait3A_65] : memref<1x128xi32, #tpu.memory_space<vmem>> -> memref<1x128xi32, #tpu.memory_space<vmem>>
      %dma_wait3A_67 = tpu.memref_squeeze %dma_wait3A_66 : memref<1x128xi32, #tpu.memory_space<vmem>> -> memref<128xi32, #tpu.memory_space<vmem>>
      %dma_wait3A_68 = arith.constant 0 : i32
      %dma_wait3A_69 = arith.constant 0 : i32
      %dma_wait3A_70 = tpu.memref_slice %arg4[%dma_wait3A_68, %dma_wait3A_69] : memref<10000x128xf32, #tpu.memory_space<hbm>> -> memref<10000x128xf32, #tpu.memory_space<hbm>>
      tpu.wait_indirect_dma semaphore(%arg14 : memref<!tpu.dma_semaphore, #tpu.memory_space<semaphore_mem>>) src(%dma_wait3A_70 : memref<10000x128xf32, #tpu.memory_space<hbm>>) dst(%arg13 : memref<128x128xf32, #tpu.memory_space<vmem>>)
      %mul3A_71 = arith.constant 128 : i32
      %mul3A_72 = arith.muli %select_n3A_30, %mul3A_71 : i32
      "tpu.region"() ({
        %run_scoped3A = tpu.sem_alloc : memref<!tpu.dma_semaphore, #tpu.memory_space<semaphore_mem>>
        %dma_start3A_73 = arith.constant 0 : i32
        %dma_start3A_74 = tpu.memref_slice %arg10[%mul3A_72, %dma_start3A_73] : memref<1024x128xf32, #tpu.memory_space<hbm>> -> memref<128x128xf32, #tpu.memory_space<hbm>>
        %dma_start3A_75 = arith.constant 0 : i32
        %dma_start3A_76 = tpu.memref_slice %arg10[%mul3A_72, %dma_start3A_75] : memref<1024x128xf32, #tpu.memory_space<hbm>> -> memref<128x128xf32, #tpu.memory_space<hbm>>
        tpu.enqueue_dma source(%arg13 : memref<128x128xf32, #tpu.memory_space<vmem>>) target(%dma_start3A_76 : memref<128x128xf32, #tpu.memory_space<hbm>>) target_semaphore(%run_scoped3A : memref<!tpu.dma_semaphore, #tpu.memory_space<semaphore_mem>>)
        %dma_wait3A_77 = arith.constant 0 : i32
        %dma_wait3A_78 = tpu.memref_slice %arg10[%mul3A_72, %dma_wait3A_77] : memref<1024x128xf32, #tpu.memory_space<hbm>> -> memref<128x128xf32, #tpu.memory_space<hbm>>
        %dma_wait3A_79 = arith.constant 0 : i32
        %dma_wait3A_80 = tpu.memref_slice %arg10[%mul3A_72, %dma_wait3A_79] : memref<1024x128xf32, #tpu.memory_space<hbm>> -> memref<128x128xf32, #tpu.memory_space<hbm>>
        tpu.wait_dma2 semaphore(%run_scoped3A : memref<!tpu.dma_semaphore, #tpu.memory_space<semaphore_mem>>) src(%arg13 : memref<128x128xf32, #tpu.memory_space<vmem>>) dst(%dma_wait3A_80 : memref<128x128xf32, #tpu.memory_space<hbm>>)
        tpu.yield
      }) : () -> ()
    } else {
    }
    %eq3A_54 = arith.constant 3 : i32
    %eq3A_55 = arith.cmpi eq, %select_n3A, %eq3A_54 : i32
    %convert_element_type3A_56 = arith.extui %eq3A_55 : i1 to i32
    %cond3A_57 = arith.constant 0 : i32
    %cond3A_58 = arith.cmpi ne, %convert_element_type3A_56, %cond3A_57 : i32
    scf.if %cond3A_58 {
      %dma_start3A = arith.constant 0 : i32
      %dma_start3A_59 = arith.constant 0 : i32
      %dma_start3A_60 = tpu.memref_slice %arg12[%dma_start3A, %dma_start3A_59] : memref<1x128xi32, #tpu.memory_space<vmem>> -> memref<1x128xi32, #tpu.memory_space<vmem>>
      %dma_start3A_61 = tpu.memref_squeeze %dma_start3A_60 : memref<1x128xi32, #tpu.memory_space<vmem>> -> memref<128xi32, #tpu.memory_space<vmem>>
      %dma_start3A_62 = arith.constant 0 : i32
      %dma_start3A_63 = arith.constant 0 : i32
      %dma_start3A_64 = tpu.memref_slice %arg5[%dma_start3A_62, %dma_start3A_63] : memref<200x128xf32, #tpu.memory_space<hbm>> -> memref<200x128xf32, #tpu.memory_space<hbm>>
      tpu.enqueue_indirect_dma source(%dma_start3A_64 : memref<200x128xf32, #tpu.memory_space<hbm>>) target(%arg13 : memref<128x128xf32, #tpu.memory_space<vmem>>) offsets(%dma_start3A_61 : memref<128xi32, #tpu.memory_space<vmem>>) semaphore(%arg14 : memref<!tpu.dma_semaphore, #tpu.memory_space<semaphore_mem>>)
      %dma_wait3A = arith.constant 0 : i32
      %dma_wait3A_65 = arith.constant 0 : i32
      %dma_wait3A_66 = tpu.memref_slice %arg12[%dma_wait3A, %dma_wait3A_65] : memref<1x128xi32, #tpu.memory_space<vmem>> -> memref<1x128xi32, #tpu.memory_space<vmem>>
      %dma_wait3A_67 = tpu.memref_squeeze %dma_wait3A_66 : memref<1x128xi32, #tpu.memory_space<vmem>> -> memref<128xi32, #tpu.memory_space<vmem>>
      %dma_wait3A_68 = arith.constant 0 : i32
      %dma_wait3A_69 = arith.constant 0 : i32
      %dma_wait3A_70 = tpu.memref_slice %arg5[%dma_wait3A_68, %dma_wait3A_69] : memref<200x128xf32, #tpu.memory_space<hbm>> -> memref<200x128xf32, #tpu.memory_space<hbm>>
      tpu.wait_indirect_dma semaphore(%arg14 : memref<!tpu.dma_semaphore, #tpu.memory_space<semaphore_mem>>) src(%dma_wait3A_70 : memref<200x128xf32, #tpu.memory_space<hbm>>) dst(%arg13 : memref<128x128xf32, #tpu.memory_space<vmem>>)
      %mul3A_71 = arith.constant 128 : i32
      %mul3A_72 = arith.muli %select_n3A_30, %mul3A_71 : i32
      "tpu.region"() ({
        %run_scoped3A = tpu.sem_alloc : memref<!tpu.dma_semaphore, #tpu.memory_space<semaphore_mem>>
        %dma_start3A_73 = arith.constant 0 : i32
        %dma_start3A_74 = tpu.memref_slice %arg11[%mul3A_72, %dma_start3A_73] : memref<1024x128xf32, #tpu.memory_space<hbm>> -> memref<128x128xf32, #tpu.memory_space<hbm>>
        %dma_start3A_75 = arith.constant 0 : i32
        %dma_start3A_76 = tpu.memref_slice %arg11[%mul3A_72, %dma_start3A_75] : memref<1024x128xf32, #tpu.memory_space<hbm>> -> memref<128x128xf32, #tpu.memory_space<hbm>>
        tpu.enqueue_dma source(%arg13 : memref<128x128xf32, #tpu.memory_space<vmem>>) target(%dma_start3A_76 : memref<128x128xf32, #tpu.memory_space<hbm>>) target_semaphore(%run_scoped3A : memref<!tpu.dma_semaphore, #tpu.memory_space<semaphore_mem>>)
        %dma_wait3A_77 = arith.constant 0 : i32
        %dma_wait3A_78 = tpu.memref_slice %arg11[%mul3A_72, %dma_wait3A_77] : memref<1024x128xf32, #tpu.memory_space<hbm>> -> memref<128x128xf32, #tpu.memory_space<hbm>>
        %dma_wait3A_79 = arith.constant 0 : i32
        %dma_wait3A_80 = tpu.memref_slice %arg11[%mul3A_72, %dma_wait3A_79] : memref<1024x128xf32, #tpu.memory_space<hbm>> -> memref<128x128xf32, #tpu.memory_space<hbm>>
        tpu.wait_dma2 semaphore(%run_scoped3A : memref<!tpu.dma_semaphore, #tpu.memory_space<semaphore_mem>>) src(%arg13 : memref<128x128xf32, #tpu.memory_space<vmem>>) dst(%dma_wait3A_80 : memref<128x128xf32, #tpu.memory_space<hbm>>)
        tpu.yield
      }) : () -> ()
    } else {
    }
    return
  }
}

module attributes {stable_mosaic.version = 14 : i64} {
  func.func @body(%arg0: i32, %arg1: memref<1000x128xf32, #tpu.memory_space<vmem>>, %arg2: memref<128x128xf32, #tpu.memory_space<vmem>>, %arg3: memref<128x384xf32, #tpu.memory_space<vmem>>, %arg4: memref<1x384xf32, #tpu.memory_space<vmem>>, %arg5: memref<1000x128xf32, #tpu.memory_space<vmem>>, %arg6: memref<1000x384xf32, #tpu.memory_space<vmem>>) attributes {dimension_semantics = [#tpu.dimension_semantics<arbitrary>], iteration_bounds = array<i64: 10>, scalar_prefetch = 0 : i64, scratch_operands = 0 : i64, tpu.core_type = #tpu.core_type<tc>, window_params = [{transform_indices = @transform_0, window_bounds = array<i64: 1000, 128>}, {pipeline_mode = #tpu.pipeline_mode<synchronous>, transform_indices = @transform_1, window_bounds = array<i64: 128, 128>}, {pipeline_mode = #tpu.pipeline_mode<synchronous>, transform_indices = @transform_2, window_bounds = array<i64: 128, 384>}, {pipeline_mode = #tpu.pipeline_mode<synchronous>, transform_indices = @transform_3, window_bounds = array<i64: 1, 384>}, {transform_indices = @transform_4, window_bounds = array<i64: 1000, 128>}, {transform_indices = @transform_5, window_bounds = array<i64: 1000, 384>}]} {
    %get3A = arith.constant 0 : index
    %get3A_0 = arith.constant 0 : index
    %get3A_1 = vector.load %arg1[%get3A, %get3A_0] : memref<1000x128xf32, #tpu.memory_space<vmem>>, vector<1000x128xf32>
    %get3A_2 = arith.constant 0 : index
    %get3A_3 = arith.constant 0 : index
    %get3A_4 = vector.load %arg2[%get3A_2, %get3A_3] : memref<128x128xf32, #tpu.memory_space<vmem>>, vector<128x128xf32>
    %dot_general3A = arith.constant dense<0.000000e+00> : vector<1000x128xf32>
    %dot_general3A_5 = tpu.matmul %get3A_1, %get3A_4, %dot_general3A {dimension_numbers = #tpu.dot_dimension_numbers<[1], [0], [0], [1], [0, 0, 1, 1], [], []>, precision = #tpu.contract_precision<fp32>, transpose_lhs_hint = false} : vector<1000x128xf32>, vector<128x128xf32>, vector<1000x128xf32> -> vector<1000x128xf32>
    %swap3A = arith.constant 0 : index
    %swap3A_6 = arith.constant 0 : index
    %swap3A_7 = vector.load %arg5[%swap3A, %swap3A_6] : memref<1000x128xf32, #tpu.memory_space<vmem>>, vector<1000x128xf32>
    tpu.vector_store %arg5[%swap3A, %swap3A_6], %dot_general3A_5 {strides = array<i32>} : memref<1000x128xf32, #tpu.memory_space<vmem>>, vector<1000x128xf32>,
    %get3A_8 = arith.constant 0 : index
    %get3A_9 = arith.constant 0 : index
    %get3A_10 = vector.load %arg3[%get3A_8, %get3A_9] : memref<128x384xf32, #tpu.memory_space<vmem>>, vector<128x384xf32>
    %dot_general3A_11 = arith.constant dense<0.000000e+00> : vector<1000x384xf32>
    %dot_general3A_12 = tpu.matmul %get3A_1, %get3A_10, %dot_general3A_11 {dimension_numbers = #tpu.dot_dimension_numbers<[1], [0], [0], [1], [0, 0, 1, 1], [], []>, precision = #tpu.contract_precision<fp32>, transpose_lhs_hint = false} : vector<1000x128xf32>, vector<128x384xf32>, vector<1000x384xf32> -> vector<1000x384xf32>
    %get3A_13 = arith.constant 0 : index
    %get3A_14 = arith.constant 0 : index
    %get3A_15 = vector.load %arg4[%get3A_13, %get3A_14] : memref<1x384xf32, #tpu.memory_space<vmem>>, vector<1x384xf32>
    %add3A = vector.broadcast %get3A_15 : vector<1x384xf32> to vector<1000x384xf32>
    %add3A_16 = arith.addf %dot_general3A_12, %add3A : vector<1000x384xf32>
    %swap3A_17 = arith.constant 0 : index
    %swap3A_18 = arith.constant 0 : index
    %swap3A_19 = vector.load %arg6[%swap3A_17, %swap3A_18] : memref<1000x384xf32, #tpu.memory_space<vmem>>, vector<1000x384xf32>
    tpu.vector_store %arg6[%swap3A_17, %swap3A_18], %add3A_16 {strides = array<i32>} : memref<1000x384xf32, #tpu.memory_space<vmem>>, vector<1000x384xf32>,
    return
  }
  func.func @transform_0(%arg0: i32) -> (i32, i32) {
    %c0_i32 = arith.constant 0 : i32
    %c0_i32_0 = arith.constant 0 : i32
    return %arg0, %c0_i32 : i32, i32
  }
  func.func @transform_1(%arg0: i32) -> (i32, i32) {
    %c0_i32 = arith.constant 0 : i32
    %c0_i32_0 = arith.constant 0 : i32
    %c0_i32_1 = arith.constant 0 : i32
    return %c0_i32, %c0_i32_0 : i32, i32
  }
  func.func @transform_2(%arg0: i32) -> (i32, i32) {
    %c0_i32 = arith.constant 0 : i32
    %c0_i32_0 = arith.constant 0 : i32
    %c0_i32_1 = arith.constant 0 : i32
    return %c0_i32, %c0_i32_0 : i32, i32
  }
  func.func @transform_3(%arg0: i32) -> (i32, i32) {
    %c0_i32 = arith.constant 0 : i32
    %c0_i32_0 = arith.constant 0 : i32
    %c0_i32_1 = arith.constant 0 : i32
    return %c0_i32, %c0_i32_0 : i32, i32
  }
  func.func @transform_4(%arg0: i32) -> (i32, i32) {
    %c0_i32 = arith.constant 0 : i32
    %c0_i32_0 = arith.constant 0 : i32
    return %arg0, %c0_i32 : i32, i32
  }
  func.func @transform_5(%arg0: i32) -> (i32, i32) {
    %c0_i32 = arith.constant 0 : i32
    %c0_i32_0 = arith.constant 0 : i32
    return %arg0, %c0_i32 : i32, i32
  }
}

module attributes {stable_mosaic.version = 14 : i64} {
  func.func @body(%arg0: i32, %arg1: memref<1000x128xf32, #tpu.memory_space<vmem>>, %arg2: memref<1000x128xf32, #tpu.memory_space<vmem>>, %arg3: memref<1000x384xf32, #tpu.memory_space<vmem>>, %arg4: memref<1000x128xf32, #tpu.memory_space<vmem>>, %arg5: memref<128x384xf32, #tpu.memory_space<vmem>>, %arg6: memref<1x384xf32, #tpu.memory_space<vmem>>, %arg7: memref<128x128xf32, #tpu.memory_space<vmem>>, %arg8: memref<1000x128xf32, #tpu.memory_space<vmem>>, %arg9: memref<1000x128xf32, #tpu.memory_space<vmem>>) attributes {dimension_semantics = [#tpu.dimension_semantics<arbitrary>], iteration_bounds = array<i64: 10>, scalar_prefetch = 0 : i64, scratch_operands = 0 : i64, tpu.core_type = #tpu.core_type<tc>, window_params = [{transform_indices = @transform_0, window_bounds = array<i64: 1000, 128>}, {transform_indices = @transform_1, window_bounds = array<i64: 1000, 128>}, {transform_indices = @transform_2, window_bounds = array<i64: 1000, 384>}, {transform_indices = @transform_3, window_bounds = array<i64: 1000, 128>}, {pipeline_mode = #tpu.pipeline_mode<synchronous>, transform_indices = @transform_4, window_bounds = array<i64: 128, 384>}, {pipeline_mode = #tpu.pipeline_mode<synchronous>, transform_indices = @transform_5, window_bounds = array<i64: 1, 384>}, {pipeline_mode = #tpu.pipeline_mode<synchronous>, transform_indices = @transform_6, window_bounds = array<i64: 128, 128>}, {transform_indices = @transform_7, window_bounds = array<i64: 1000, 128>}, {transform_indices = @transform_8, window_bounds = array<i64: 1000, 128>}]} {
    %get3A = arith.constant 0 : index
    %get3A_0 = arith.constant 0 : index
    %get3A_1 = vector.load %arg1[%get3A, %get3A_0] : memref<1000x128xf32, #tpu.memory_space<vmem>>, vector<1000x128xf32>
    %get3A_2 = arith.constant 0 : index
    %get3A_3 = arith.constant 0 : index
    %get3A_4 = vector.load %arg2[%get3A_2, %get3A_3] : memref<1000x128xf32, #tpu.memory_space<vmem>>, vector<1000x128xf32>
    %add3A = arith.addf %get3A_1, %get3A_4 : vector<1000x128xf32>
    %get3A_5 = arith.constant 0 : index
    %get3A_6 = arith.constant 0 : index
    %get3A_7 = vector.load %arg3[%get3A_5, %get3A_6] : memref<1000x384xf32, #tpu.memory_space<vmem>>, vector<1000x384xf32>
    %get3A_8 = arith.constant 0 : index
    %get3A_9 = arith.constant 0 : index
    %get3A_10 = vector.load %arg4[%get3A_8, %get3A_9] : memref<1000x128xf32, #tpu.memory_space<vmem>>, vector<1000x128xf32>
    %get3A_11 = arith.constant 0 : index
    %get3A_12 = arith.constant 0 : index
    %get3A_13 = vector.load %arg5[%get3A_11, %get3A_12] : memref<128x384xf32, #tpu.memory_space<vmem>>, vector<128x384xf32>
    %get3A_14 = arith.constant 0 : index
    %get3A_15 = arith.constant 0 : index
    %get3A_16 = vector.load %arg6[%get3A_14, %get3A_15] : memref<1x384xf32, #tpu.memory_space<vmem>>, vector<1x384xf32>
    %dot_general3A = arith.constant dense<0.000000e+00> : vector<1000x384xf32>
    %dot_general3A_17 = tpu.matmul %add3A, %get3A_13, %dot_general3A {dimension_numbers = #tpu.dot_dimension_numbers<[1], [0], [0], [1], [0, 0, 1, 1], [], []>, precision = #tpu.contract_precision<fp32>, transpose_lhs_hint = false} : vector<1000x128xf32>, vector<128x384xf32>, vector<1000x384xf32> -> vector<1000x384xf32>
    %add3A_18 = vector.broadcast %get3A_16 : vector<1x384xf32> to vector<1000x384xf32>
    %add3A_19 = arith.addf %dot_general3A_17, %add3A_18 : vector<1000x384xf32>
    %slice3A = vector.extract_strided_slice %add3A_19 {offsets = [0, 0], sizes = [1000, 128], strides = [1, 1]} : vector<1000x384xf32> to vector<1000x128xf32>
    %slice3A_20 = vector.extract_strided_slice %add3A_19 {offsets = [0, 128], sizes = [1000, 128], strides = [1, 1]} : vector<1000x384xf32> to vector<1000x128xf32>
    %slice3A_21 = vector.extract_strided_slice %add3A_19 {offsets = [0, 256], sizes = [1000, 128], strides = [1, 1]} : vector<1000x384xf32> to vector<1000x128xf32>
    %slice3A_22 = vector.extract_strided_slice %get3A_7 {offsets = [0, 0], sizes = [1000, 128], strides = [1, 1]} : vector<1000x384xf32> to vector<1000x128xf32>
    %slice3A_23 = vector.extract_strided_slice %get3A_7 {offsets = [0, 128], sizes = [1000, 128], strides = [1, 1]} : vector<1000x384xf32> to vector<1000x128xf32>
    %slice3A_24 = vector.extract_strided_slice %get3A_7 {offsets = [0, 256], sizes = [1000, 128], strides = [1, 1]} : vector<1000x384xf32> to vector<1000x128xf32>
    %add3A_25 = arith.addf %slice3A, %slice3A_22 : vector<1000x128xf32>
    %logistic3A = arith.negf %add3A_25 : vector<1000x128xf32>
    %logistic3A_26 = math.exp %logistic3A : vector<1000x128xf32>
    %logistic3A_27 = arith.constant 1.000000e+00 : f32
    %logistic3A_28 = vector.broadcast %logistic3A_27 : f32 to vector<1000x128xf32>
    %logistic3A_29 = arith.addf %logistic3A_28, %logistic3A_26 : vector<1000x128xf32>
    %logistic3A_30 = arith.divf %logistic3A_28, %logistic3A_29 : vector<1000x128xf32>
    %add3A_31 = arith.addf %slice3A_20, %slice3A_23 : vector<1000x128xf32>
    %logistic3A_32 = arith.negf %add3A_31 : vector<1000x128xf32>
    %logistic3A_33 = math.exp %logistic3A_32 : vector<1000x128xf32>
    %logistic3A_34 = arith.constant 1.000000e+00 : f32
    %logistic3A_35 = vector.broadcast %logistic3A_34 : f32 to vector<1000x128xf32>
    %logistic3A_36 = arith.addf %logistic3A_35, %logistic3A_33 : vector<1000x128xf32>
    %logistic3A_37 = arith.divf %logistic3A_35, %logistic3A_36 : vector<1000x128xf32>
    %mul3A = arith.mulf %logistic3A_30, %slice3A_24 : vector<1000x128xf32>
    %add3A_38 = arith.addf %slice3A_21, %mul3A : vector<1000x128xf32>
    %tanh3A = math.tanh %add3A_38 : vector<1000x128xf32>
    %sub3A = arith.constant 1.000000e+00 : f32
    %sub3A_39 = vector.broadcast %sub3A : f32 to vector<1000x128xf32>
    %sub3A_40 = arith.subf %sub3A_39, %logistic3A_37 : vector<1000x128xf32>
    %mul3A_41 = arith.mulf %sub3A_40, %tanh3A : vector<1000x128xf32>
    %mul3A_42 = arith.mulf %logistic3A_37, %get3A_10 : vector<1000x128xf32>
    %add3A_43 = arith.addf %mul3A_41, %mul3A_42 : vector<1000x128xf32>
    %swap3A = arith.constant 0 : index
    %swap3A_44 = arith.constant 0 : index
    %swap3A_45 = vector.load %arg8[%swap3A, %swap3A_44] : memref<1000x128xf32, #tpu.memory_space<vmem>>, vector<1000x128xf32>
    tpu.vector_store %arg8[%swap3A, %swap3A_44], %add3A_43 {strides = array<i32>} : memref<1000x128xf32, #tpu.memory_space<vmem>>, vector<1000x128xf32>,
    %get3A_46 = arith.constant 0 : index
    %get3A_47 = arith.constant 0 : index
    %get3A_48 = vector.load %arg7[%get3A_46, %get3A_47] : memref<128x128xf32, #tpu.memory_space<vmem>>, vector<128x128xf32>
    %dot_general3A_49 = arith.constant dense<0.000000e+00> : vector<1000x128xf32>
    %dot_general3A_50 = tpu.matmul %add3A_43, %get3A_48, %dot_general3A_49 {dimension_numbers = #tpu.dot_dimension_numbers<[1], [0], [0], [1], [0, 0, 1, 1], [], []>, precision = #tpu.contract_precision<fp32>, transpose_lhs_hint = false} : vector<1000x128xf32>, vector<128x128xf32>, vector<1000x128xf32> -> vector<1000x128xf32>
    %swap3A_51 = arith.constant 0 : index
    %swap3A_52 = arith.constant 0 : index
    %swap3A_53 = vector.load %arg9[%swap3A_51, %swap3A_52] : memref<1000x128xf32, #tpu.memory_space<vmem>>, vector<1000x128xf32>
    tpu.vector_store %arg9[%swap3A_51, %swap3A_52], %dot_general3A_50 {strides = array<i32>} : memref<1000x128xf32, #tpu.memory_space<vmem>>, vector<1000x128xf32>,
    return
  }
  func.func @transform_0(%arg0: i32) -> (i32, i32) {
    %c0_i32 = arith.constant 0 : i32
    %c0_i32_0 = arith.constant 0 : i32
    return %arg0, %c0_i32 : i32, i32
  }
  func.func @transform_1(%arg0: i32) -> (i32, i32) {
    %c0_i32 = arith.constant 0 : i32
    %c0_i32_0 = arith.constant 0 : i32
    return %arg0, %c0_i32 : i32, i32
  }
  func.func @transform_2(%arg0: i32) -> (i32, i32) {
    %c0_i32 = arith.constant 0 : i32
    %c0_i32_0 = arith.constant 0 : i32
    return %arg0, %c0_i32 : i32, i32
  }
  func.func @transform_3(%arg0: i32) -> (i32, i32) {
    %c0_i32 = arith.constant 0 : i32
    %c0_i32_0 = arith.constant 0 : i32
    return %arg0, %c0_i32 : i32, i32
  }
  func.func @transform_4(%arg0: i32) -> (i32, i32) {
    %c0_i32 = arith.constant 0 : i32
    %c0_i32_0 = arith.constant 0 : i32
    %c0_i32_1 = arith.constant 0 : i32
    return %c0_i32, %c0_i32_0 : i32, i32
  }
  func.func @transform_5(%arg0: i32) -> (i32, i32) {
    %c0_i32 = arith.constant 0 : i32
    %c0_i32_0 = arith.constant 0 : i32
    %c0_i32_1 = arith.constant 0 : i32
    return %c0_i32, %c0_i32_0 : i32, i32
  }
  func.func @transform_6(%arg0: i32) -> (i32, i32) {
    %c0_i32 = arith.constant 0 : i32
    %c0_i32_0 = arith.constant 0 : i32
    %c0_i32_1 = arith.constant 0 : i32
    return %c0_i32, %c0_i32_0 : i32, i32
  }
  func.func @transform_7(%arg0: i32) -> (i32, i32) {
    %c0_i32 = arith.constant 0 : i32
    %c0_i32_0 = arith.constant 0 : i32
    return %arg0, %c0_i32 : i32, i32
  }
  func.func @transform_8(%arg0: i32) -> (i32, i32) {
    %c0_i32 = arith.constant 0 : i32
    %c0_i32_0 = arith.constant 0 : i32
    return %arg0, %c0_i32 : i32, i32
  }
}

module attributes {stable_mosaic.version = 14 : i64} {
  func.func @body(%arg0: i32, %arg1: memref<1024x128xf32, #tpu.memory_space<vmem>>, %arg2: memref<1024x128xf32, #tpu.memory_space<vmem>>, %arg3: memref<1024x128xf32, #tpu.memory_space<vmem>>, %arg4: memref<1024x128xf32, #tpu.memory_space<vmem>>, %arg5: memref<128x384xf32, #tpu.memory_space<vmem>>, %arg6: memref<1x384xf32, #tpu.memory_space<vmem>>, %arg7: memref<128x384xf32, #tpu.memory_space<vmem>>, %arg8: memref<1x384xf32, #tpu.memory_space<vmem>>, %arg9: memref<1024x128xf32, #tpu.memory_space<vmem>>, %arg10: memref<1024x1024xf32, #tpu.memory_space<vmem>>, %arg11: memref<1024x128xf32, #tpu.memory_space<vmem>>) attributes {dimension_semantics = [#tpu.dimension_semantics<arbitrary>], iteration_bounds = array<i64: 10>, scalar_prefetch = 0 : i64, scratch_operands = 1 : i64, tpu.core_type = #tpu.core_type<tc>, window_params = [{pipeline_mode = #tpu.pipeline_mode<synchronous>, transform_indices = @transform_0, window_bounds = array<i64: 1024, 128>}, {pipeline_mode = #tpu.pipeline_mode<synchronous>, transform_indices = @transform_1, window_bounds = array<i64: 1024, 128>}, {pipeline_mode = #tpu.pipeline_mode<synchronous>, transform_indices = @transform_2, window_bounds = array<i64: 1024, 128>}, {pipeline_mode = #tpu.pipeline_mode<synchronous>, transform_indices = @transform_3, window_bounds = array<i64: 1024, 128>}, {pipeline_mode = #tpu.pipeline_mode<synchronous>, transform_indices = @transform_4, window_bounds = array<i64: 128, 384>}, {pipeline_mode = #tpu.pipeline_mode<synchronous>, transform_indices = @transform_5, window_bounds = array<i64: 1, 384>}, {pipeline_mode = #tpu.pipeline_mode<synchronous>, transform_indices = @transform_6, window_bounds = array<i64: 128, 384>}, {pipeline_mode = #tpu.pipeline_mode<synchronous>, transform_indices = @transform_7, window_bounds = array<i64: 1, 384>}, {transform_indices = @transform_8, window_bounds = array<i64: 1024, 128>}, {transform_indices = @transform_9, window_bounds = array<i64: 1024, 1024>}]} {
    %eq3A = arith.constant 0 : i32
    %eq3A_0 = arith.cmpi eq, %arg0, %eq3A : i32
    %convert_element_type3A = arith.extui %eq3A_0 : i1 to i32
    %cond3A = arith.constant 0 : i32
    %cond3A_1 = arith.cmpi ne, %convert_element_type3A, %cond3A : i32
    scf.if %cond3A_1 {
      %get3A_15 = arith.constant 0 : index
      %get3A_16 = arith.constant 0 : index
      %get3A_17 = vector.load %arg2[%get3A_15, %get3A_16] : memref<1024x128xf32, #tpu.memory_space<vmem>>, vector<1024x128xf32>
      %get3A_18 = arith.constant 0 : index
      %get3A_19 = arith.constant 0 : index
      %get3A_20 = vector.load %arg3[%get3A_18, %get3A_19] : memref<1024x128xf32, #tpu.memory_space<vmem>>, vector<1024x128xf32>
      %add3A = arith.addf %get3A_17, %get3A_20 : vector<1024x128xf32>
      %get3A_21 = arith.constant 0 : index
      %get3A_22 = arith.constant 0 : index
      %get3A_23 = vector.load %arg1[%get3A_21, %get3A_22] : memref<1024x128xf32, #tpu.memory_space<vmem>>, vector<1024x128xf32>
      %get3A_24 = arith.constant 0 : index
      %get3A_25 = arith.constant 0 : index
      %get3A_26 = vector.load %arg7[%get3A_24, %get3A_25] : memref<128x384xf32, #tpu.memory_space<vmem>>, vector<128x384xf32>
      %dot_general3A_27 = arith.constant dense<0.000000e+00> : vector<1024x384xf32>
      %dot_general3A_28 = tpu.matmul %get3A_23, %get3A_26, %dot_general3A_27 {dimension_numbers = #tpu.dot_dimension_numbers<[1], [0], [0], [1], [0, 0, 1, 1], [], []>, precision = #tpu.contract_precision<fp32>, transpose_lhs_hint = false} : vector<1024x128xf32>, vector<128x384xf32>, vector<1024x384xf32> -> vector<1024x384xf32>
      %get3A_29 = arith.constant 0 : index
      %get3A_30 = arith.constant 0 : index
      %get3A_31 = vector.load %arg8[%get3A_29, %get3A_30] : memref<1x384xf32, #tpu.memory_space<vmem>>, vector<1x384xf32>
      %add3A_32 = vector.broadcast %get3A_31 : vector<1x384xf32> to vector<1024x384xf32>
      %add3A_33 = arith.addf %dot_general3A_28, %add3A_32 : vector<1024x384xf32>
      %get3A_34 = arith.constant 0 : index
      %get3A_35 = arith.constant 0 : index
      %get3A_36 = vector.load %arg1[%get3A_34, %get3A_35] : memref<1024x128xf32, #tpu.memory_space<vmem>>, vector<1024x128xf32>
      %get3A_37 = arith.constant 0 : index
      %get3A_38 = arith.constant 0 : index
      %get3A_39 = vector.load %arg5[%get3A_37, %get3A_38] : memref<128x384xf32, #tpu.memory_space<vmem>>, vector<128x384xf32>
      %get3A_40 = arith.constant 0 : index
      %get3A_41 = arith.constant 0 : index
      %get3A_42 = vector.load %arg6[%get3A_40, %get3A_41] : memref<1x384xf32, #tpu.memory_space<vmem>>, vector<1x384xf32>
      %dot_general3A_43 = arith.constant dense<0.000000e+00> : vector<1024x384xf32>
      %dot_general3A_44 = tpu.matmul %add3A, %get3A_39, %dot_general3A_43 {dimension_numbers = #tpu.dot_dimension_numbers<[1], [0], [0], [1], [0, 0, 1, 1], [], []>, precision = #tpu.contract_precision<fp32>, transpose_lhs_hint = false} : vector<1024x128xf32>, vector<128x384xf32>, vector<1024x384xf32> -> vector<1024x384xf32>
      %add3A_45 = vector.broadcast %get3A_42 : vector<1x384xf32> to vector<1024x384xf32>
      %add3A_46 = arith.addf %dot_general3A_44, %add3A_45 : vector<1024x384xf32>
      %slice3A = vector.extract_strided_slice %add3A_46 {offsets = [0, 0], sizes = [1024, 128], strides = [1, 1]} : vector<1024x384xf32> to vector<1024x128xf32>
      %slice3A_47 = vector.extract_strided_slice %add3A_46 {offsets = [0, 128], sizes = [1024, 128], strides = [1, 1]} : vector<1024x384xf32> to vector<1024x128xf32>
      %slice3A_48 = vector.extract_strided_slice %add3A_46 {offsets = [0, 256], sizes = [1024, 128], strides = [1, 1]} : vector<1024x384xf32> to vector<1024x128xf32>
      %slice3A_49 = vector.extract_strided_slice %add3A_33 {offsets = [0, 0], sizes = [1024, 128], strides = [1, 1]} : vector<1024x384xf32> to vector<1024x128xf32>
      %slice3A_50 = vector.extract_strided_slice %add3A_33 {offsets = [0, 128], sizes = [1024, 128], strides = [1, 1]} : vector<1024x384xf32> to vector<1024x128xf32>
      %slice3A_51 = vector.extract_strided_slice %add3A_33 {offsets = [0, 256], sizes = [1024, 128], strides = [1, 1]} : vector<1024x384xf32> to vector<1024x128xf32>
      %add3A_52 = arith.addf %slice3A, %slice3A_49 : vector<1024x128xf32>
      %logistic3A_53 = arith.negf %add3A_52 : vector<1024x128xf32>
      %logistic3A_54 = math.exp %logistic3A_53 : vector<1024x128xf32>
      %logistic3A_55 = arith.constant 1.000000e+00 : f32
      %logistic3A_56 = vector.broadcast %logistic3A_55 : f32 to vector<1024x128xf32>
      %logistic3A_57 = arith.addf %logistic3A_56, %logistic3A_54 : vector<1024x128xf32>
      %logistic3A_58 = arith.divf %logistic3A_56, %logistic3A_57 : vector<1024x128xf32>
      %add3A_59 = arith.addf %slice3A_47, %slice3A_50 : vector<1024x128xf32>
      %logistic3A_60 = arith.negf %add3A_59 : vector<1024x128xf32>
      %logistic3A_61 = math.exp %logistic3A_60 : vector<1024x128xf32>
      %logistic3A_62 = arith.constant 1.000000e+00 : f32
      %logistic3A_63 = vector.broadcast %logistic3A_62 : f32 to vector<1024x128xf32>
      %logistic3A_64 = arith.addf %logistic3A_63, %logistic3A_61 : vector<1024x128xf32>
      %logistic3A_65 = arith.divf %logistic3A_63, %logistic3A_64 : vector<1024x128xf32>
      %mul3A = arith.mulf %logistic3A_58, %slice3A_51 : vector<1024x128xf32>
      %add3A_66 = arith.addf %slice3A_48, %mul3A : vector<1024x128xf32>
      %tanh3A = math.tanh %add3A_66 : vector<1024x128xf32>
      %sub3A = arith.constant 1.000000e+00 : f32
      %sub3A_67 = vector.broadcast %sub3A : f32 to vector<1024x128xf32>
      %sub3A_68 = arith.subf %sub3A_67, %logistic3A_65 : vector<1024x128xf32>
      %mul3A_69 = arith.mulf %sub3A_68, %tanh3A : vector<1024x128xf32>
      %mul3A_70 = arith.mulf %logistic3A_65, %get3A_36 : vector<1024x128xf32>
      %add3A_71 = arith.addf %mul3A_69, %mul3A_70 : vector<1024x128xf32>
      %get3A_72 = arith.constant 0 : index
      %get3A_73 = arith.constant 0 : index
      %get3A_74 = vector.load %arg4[%get3A_72, %get3A_73] : memref<1024x128xf32, #tpu.memory_space<vmem>>, vector<1024x128xf32>
      %mul3A_75 = arith.mulf %add3A_71, %get3A_74 : vector<1024x128xf32>
      %swap3A_76 = arith.constant 0 : index
      %swap3A_77 = arith.constant 0 : index
      %swap3A_78 = vector.load %arg11[%swap3A_76, %swap3A_77] : memref<1024x128xf32, #tpu.memory_space<vmem>>, vector<1024x128xf32>
      tpu.vector_store %arg11[%swap3A_76, %swap3A_77], %mul3A_75 {strides = array<i32>} : memref<1024x128xf32, #tpu.memory_space<vmem>>, vector<1024x128xf32>,
    } else {
    }
    %get3A = arith.constant 0 : index
    %get3A_2 = arith.constant 0 : index
    %get3A_3 = vector.load %arg11[%get3A, %get3A_2] : memref<1024x128xf32, #tpu.memory_space<vmem>>, vector<1024x128xf32>
    %get3A_4 = arith.constant 0 : index
    %get3A_5 = arith.constant 0 : index
    %get3A_6 = vector.load %arg9[%get3A_4, %get3A_5] : memref<1024x128xf32, #tpu.memory_space<vmem>>, vector<1024x128xf32>
    %dot_general3A = arith.constant dense<0.000000e+00> : vector<1024x1024xf32>
    %dot_general3A_7 = tpu.matmul %get3A_3, %get3A_6, %dot_general3A {dimension_numbers = #tpu.dot_dimension_numbers<[1], [1], [0], [0], [0, 0, 1, 0], [], []>, precision = #tpu.contract_precision<fp32>, transpose_lhs_hint = false} : vector<1024x128xf32>, vector<1024x128xf32>, vector<1024x1024xf32> -> vector<1024x1024xf32>
    %logistic3A = arith.negf %dot_general3A_7 : vector<1024x1024xf32>
    %logistic3A_8 = math.exp %logistic3A : vector<1024x1024xf32>
    %logistic3A_9 = arith.constant 1.000000e+00 : f32
    %logistic3A_10 = vector.broadcast %logistic3A_9 : f32 to vector<1024x1024xf32>
    %logistic3A_11 = arith.addf %logistic3A_10, %logistic3A_8 : vector<1024x1024xf32>
    %logistic3A_12 = arith.divf %logistic3A_10, %logistic3A_11 : vector<1024x1024xf32>
    %swap3A = arith.constant 0 : index
    %swap3A_13 = arith.constant 0 : index
    %swap3A_14 = vector.load %arg10[%swap3A, %swap3A_13] : memref<1024x1024xf32, #tpu.memory_space<vmem>>, vector<1024x1024xf32>
    tpu.vector_store %arg10[%swap3A, %swap3A_13], %logistic3A_12 {strides = array<i32>} : memref<1024x1024xf32, #tpu.memory_space<vmem>>, vector<1024x1024xf32>,
    return
  }
  func.func @transform_0(%arg0: i32) -> (i32, i32) {
    %c0_i32 = arith.constant 0 : i32
    %c0_i32_0 = arith.constant 0 : i32
    %c0_i32_1 = arith.constant 0 : i32
    return %c0_i32, %c0_i32_0 : i32, i32
  }
  func.func @transform_1(%arg0: i32) -> (i32, i32) {
    %c0_i32 = arith.constant 0 : i32
    %c0_i32_0 = arith.constant 0 : i32
    %c0_i32_1 = arith.constant 0 : i32
    return %c0_i32, %c0_i32_0 : i32, i32
  }
  func.func @transform_2(%arg0: i32) -> (i32, i32) {
    %c0_i32 = arith.constant 0 : i32
    %c0_i32_0 = arith.constant 0 : i32
    %c0_i32_1 = arith.constant 0 : i32
    return %c0_i32, %c0_i32_0 : i32, i32
  }
  func.func @transform_3(%arg0: i32) -> (i32, i32) {
    %c0_i32 = arith.constant 0 : i32
    %c0_i32_0 = arith.constant 0 : i32
    %c0_i32_1 = arith.constant 0 : i32
    return %c0_i32, %c0_i32_0 : i32, i32
  }
  func.func @transform_4(%arg0: i32) -> (i32, i32) {
    %c0_i32 = arith.constant 0 : i32
    %c0_i32_0 = arith.constant 0 : i32
    %c0_i32_1 = arith.constant 0 : i32
    return %c0_i32, %c0_i32_0 : i32, i32
  }
  func.func @transform_5(%arg0: i32) -> (i32, i32) {
    %c0_i32 = arith.constant 0 : i32
    %c0_i32_0 = arith.constant 0 : i32
    %c0_i32_1 = arith.constant 0 : i32
    return %c0_i32, %c0_i32_0 : i32, i32
  }
  func.func @transform_6(%arg0: i32) -> (i32, i32) {
    %c0_i32 = arith.constant 0 : i32
    %c0_i32_0 = arith.constant 0 : i32
    %c0_i32_1 = arith.constant 0 : i32
    return %c0_i32, %c0_i32_0 : i32, i32
  }
  func.func @transform_7(%arg0: i32) -> (i32, i32) {
    %c0_i32 = arith.constant 0 : i32
    %c0_i32_0 = arith.constant 0 : i32
    %c0_i32_1 = arith.constant 0 : i32
    return %c0_i32, %c0_i32_0 : i32, i32
  }
  func.func @transform_8(%arg0: i32) -> (i32, i32) {
    %c0_i32 = arith.constant 0 : i32
    %c0_i32_0 = arith.constant 0 : i32
    return %arg0, %c0_i32 : i32, i32
  }
  func.func @transform_9(%arg0: i32) -> (i32, i32) {
    %c0_i32 = arith.constant 0 : i32
    %c0_i32_0 = arith.constant 0 : i32
    return %c0_i32, %arg0 : i32, i32
  }
}

</mosaic_0001>

<sc_bundles>
// kernel: kernel.11.cloned.1.call-start
scs
__scs_entry_jumppad:
0x0: {  	(pc) =	sbr.rel $0x88, $3  }
0x1: {  	(tag) =	ssettag $0x0;
	lr =	simm.s32 $0x1  }
0x2: {  	[smem:$0x3F97] =	sst lr;
	_ =	strace $0xD0000000  }
0x3: {  	_ = 	snop  }
0x4: {  	_ = 	snop  }
0x5: {  	_ = 	snop  }
0x6: {  	_ = 	snop  }
0x7: {  	_ = 	snop  }
__scs_overlays_trampoline_lowered:
0x8: {  	[smem:$0x3FA6] =	sst s0  }
0x9: {  	[smem:$0x3FA7] =	sst s1  }
0xa: {  	[smem:$0x3FA8] =	sst s2  }
0xb: {  	[smem:$0x3FA9] =	sst s3  }
0xc: {  	[smem:$0x3FAA] =	sst s4  }
0xd: {  	[smem:$0x3FAB] =	sst s5  }
0xe: {  	[smem:$0x3FAC] =	sst s6  }
0xf: {  	[smem:$0x3FAD] =	sst s7  }
0x10: {  	[smem:$0x3FAE] =	sst s8  }
0x11: {  	[smem:$0x3FAF] =	sst s9;
	s0 =	simm.s32 @!p0 $0x0  }
0x12: {  	s1 =	sld [smem:$0x3F95];
	s0 =	simm.s32 @p0 $0x1  }
0x13: {  	[smem:$0x3FB0] =	sst s0;
	s0 =	simm.s32 @!p1 $0x0  }
0x14: {  	s2 =	sld [smem:$0x3F94];
	s0 =	simm.s32 @p1 $0x1  }
0x15: {  	[smem:$0x3FB1] =	sst s0;
	s0 =	simm.s32 @!p2 $0x0  }
0x16: {  	s3 =	sld [smem:$0x3FDB];
	s0 =	simm.s32 @p2 $0x1  }
0x17: {  	s4 =	simm.s32 $0x1BF5;
	[smem:$0x3FB3] =	sst s0  }
0x18: {  	s0 =	sld [smem:$0x3F96];
	_ =	swait.ge [sflag:s4], $0x0  }
0x19: {  	s7 =	sld [smem:$0x3F97]  }
0x1a: {  	s8 =	sadd.s32 $0xFFFFE003, lr  }
0x1b: {  	s9 =	sadd.s32 $0xFFFFFEF7, lr;
	s5 =	simm.s32 $0xFFFFFFFF;
	p2 =	slt.u32 s8, $0xFFFFF086  }
0x1c: {  	p1 =	slt.u32 s9, $0xF7A;
	s5 =	simm.s32 @!p2 $0x0  }
0x1d: {  	s5 =	simm.s32 @p1 $0x1;
	p0 =	seq.s32 s7, s2  }
0x1e: {  	s7 =	smul.u32 @!p0 $0xF7A, s2;
	p2 =	seq.s32 @!p0 s5, $0x0  }
0x1f: {  	s9 =	smul.u32 $0xF7A, s1;
	s8 =	simm.s32 @!p0 $0x1BF5;
	p2 =	por !p2, p0  }
0x20: {  	[sflag:s8] =	ssyncset.s32 @!p0 $0xFFFFF086;
	s6 =	sadd.s32 @!p0 s3, s7;
	s7 =	simm.s32 @!p0 $0x108  }
0x21: {  	s3 =	sadd.s32 s3, s9;
	s6 =	sadd.s32 @!p0 $0x88, s6;
	s7 =	simm.s32 @p2 $0x1082  }
0x22: {  	[simem:s7], [sflag:s8] =	dma.local @!p0 [hbm:s6], $0xF7A  }
0x23: {  	s9 =	sor.u32 $0xD0000000, s2;
	s6 =	simm.s32 $0x108;
	_ =	swait.ge @!p0 [sflag:s8], $0x0  }
0x24: {  	s3 =	sadd.s32 $0x88, s3;
	s6 =	simm.s32 @!p1 $0x1082;
	[sflag:s4] =	ssyncset.s32 $0xFFFFF086  }
0x25: {  	[simem:s6], [sflag:s4] =	dma.local [hbm:s3], $0xF7A  }
0x26: {  	[smem:$0x3F97] =	sst s1;
	(tag) =	ssettag s2;
	_ =	strace s9  }
0x27: {  	s1 =	sld [smem:$0x3FA7]  }
0x28: {  	s2 =	sld [smem:$0x3FA8]  }
0x29: {  	s4 =	sld [smem:$0x3FAA]  }
0x2a: {  	p0 =	seq.s32 s5, $0x0;
	s5 =	sld [smem:$0x3FAB]  }
0x2b: {  	s6 =	sld [smem:$0x3FAC]  }
0x2c: {  	s7 =	sld [smem:$0x3FAD]  }
0x2d: {  	s3 =	simm.s32 $0x108;
	s8 =	sld [smem:$0x3FAE]  }
0x2e: {  	s3 =	simm.s32 @!p0 $0x1082;
	s9 =	sld [smem:$0x3FAF]  }
0x2f: {  	lr =	sadd.s32 s0, s3;
	s0 =	sld [smem:$0x3FA6]  }
0x30: {  	s3 =	sld [smem:$0x3FA9]  }
0x31: {  	[smem:$0x3FB2] =	sst s10  }
0x32: {  	s10 =	sld [smem:$0x3FB0];
	_ =	sdelay $0x3  }
0x33: {  	p0 =	seq.s32 s10, $0x1;
	s10 =	sld [smem:$0x3FB2];
	_ =	sdelay $0x3  }
0x34: {  	[smem:$0x3FB2] =	sst s10  }
0x35: {  	s10 =	sld [smem:$0x3FB1];
	_ =	sdelay $0x3  }
0x36: {  	p1 =	seq.s32 s10, $0x1;
	s10 =	sld [smem:$0x3FB2];
	_ =	sdelay $0x3  }
0x37: {  	[smem:$0x3FB2] =	sst s10  }
0x38: {  	s10 =	sld [smem:$0x3FB3]  }
0x39: {  	_ = 	snop;
	(pc) =	sbr.ind lr, $3  }
0x3a: {  	_ = 	snop  }
0x3b: {  	_ = 	snop  }
0x3c: {  	p2 =	seq.s32 s10, $0x1;
	s10 =	sld [smem:$0x3FB2]  }
0x3d: {  	_ =	shalt  }
0x3e: {  	_ =	shalt  }
0x3f: {  	_ =	shalt  }
0x40: {  	_ =	shalt  }
0x41: {  	_ =	shalt  }
0x42: {  	_ =	shalt  }
0x43: {  	_ =	shalt  }
0x44: {  	_ =	shalt  }
0x45: {  	_ =	shalt  }
0x46: {  	_ =	shalt  }
0x47: {  	_ =	shalt  }
0x48: {  	_ =	shalt  }
0x49: {  	_ =	shalt  }
0x4a: {  	_ =	shalt  }
0x4b: {  	_ =	shalt  }
0x4c: {  	_ =	shalt  }
0x4d: {  	_ =	shalt  }
0x4e: {  	_ =	shalt  }
0x4f: {  	_ =	shalt  }
0x50: {  	_ =	shalt  }
0x51: {  	_ =	shalt  }
0x52: {  	_ =	shalt  }
0x53: {  	_ =	shalt  }
0x54: {  	_ =	shalt  }
0x55: {  	_ =	shalt  }
0x56: {  	_ =	shalt  }
0x57: {  	_ =	shalt  }
0x58: {  	_ =	shalt  }
0x59: {  	_ =	shalt  }
0x5a: {  	_ =	shalt  }
0x5b: {  	_ =	shalt  }
0x5c: {  	_ =	shalt  }
0x5d: {  	_ =	shalt  }
0x5e: {  	_ =	shalt  }
0x5f: {  	_ =	shalt  }
0x60: {  	_ =	shalt  }
0x61: {  	_ =	shalt  }
0x62: {  	_ =	shalt  }
0x63: {  	_ =	shalt  }
0x64: {  	_ =	shalt  }
0x65: {  	_ =	shalt  }
0x66: {  	_ =	shalt  }
0x67: {  	_ =	shalt  }
0x68: {  	_ =	shalt  }
0x69: {  	_ =	shalt  }
0x6a: {  	_ =	shalt  }
0x6b: {  	_ =	shalt  }
0x6c: {  	_ =	shalt  }
0x6d: {  	_ =	shalt  }
0x6e: {  	_ =	shalt  }
0x6f: {  	_ =	shalt  }
0x70: {  	_ =	shalt  }
0x71: {  	_ =	shalt  }
0x72: {  	_ =	shalt  }
0x73: {  	_ =	shalt  }
0x74: {  	_ =	shalt  }
0x75: {  	_ =	shalt  }
0x76: {  	_ =	shalt  }
0x77: {  	_ =	shalt  }
0x78: {  	_ =	shalt  }
0x79: {  	_ =	shalt  }
0x7a: {  	_ =	shalt  }
0x7b: {  	_ =	shalt  }
0x7c: {  	_ =	shalt  }
0x7d: {  	_ =	shalt  }
0x7e: {  	_ =	shalt  }
0x7f: {  	_ =	shalt  }
0x80: {  	_ =	shalt  }
0x81: {  	_ =	shalt  }
0x82: {  	_ =	shalt  }
0x83: {  	_ =	shalt  }
0x84: {  	_ =	shalt  }
0x85: {  	_ =	shalt  }
0x86: {  	_ =	shalt  }
0x87: {  	_ =	shalt  }
.Lfunc_end0:
.L_simem_size_0:
called_computation.1_lowered:
.L_overlay_start_0:
0x88: {  	s2 =	sld [smem:$0x3FD9]  }
0x89: {  	s3 =	sld [smem:$0x3FFE];
	_ =	sdelay $0x1  }
0x8a: {  	s1 =	srdreg.scid  }
0x8b: {  	s0 =	sand.u32 $0x1, s1  }
0x8c: {  	s16 =	sshll.u32 s0, $0xA;
	s2 =	sadd.s32 s3, s2  }
0x8d: {  	s2 =	sadd.s32 s2, s16  }
0x8e: {  	[smem:$0x3FBE] =	sst s2  }
0x8f: {  	_ = 	snop  }
0x90: {  	(tm) =	ssettm $0x1  }
0x91: {  	s17 =	sld [smem:$0x3FFB];
	_ =	sdelay $0x3  }
0x92: {  	_ =	strace s17  }
0x93: {  	s2 =	sld [smem:$0x3FFC];
	_ =	sdelay $0x3  }
0x94: {  	_ =	strace s2  }
0x95: {  	s2 =	sld [smem:$0x3FFD];
	_ =	sdelay $0x3  }
0x96: {  	_ =	strace s2  }
0x97: {  	_ =	strace $0x8FFFFFFF  }
0x98: {  	s18 =	sld [smem:$0x3FDB];
	_ =	sdelay $0x1  }
0x99: {  	s19 =	simm.s32 $_scs_section_size  }
0x9a: {  	s4 =	simm.s32 $_size__tile_overlayer_lowered;
	s5 =	simm.s32 $_tile_overlayer_lowered  }
0x9b: {  	s22 =	simm.s32 $0x1BFF;
	s21 =	sshll.u32 s5, $0x1;
	s2 =	sadd.s32 s19, s18  }
0x9c: {  	s6 =	simm.s32 $0x0;
	s20 =	sshll.u32 s4, $0x1;
	s4 =	sadd.s32 s21, s2  }
0x9d: {  	[timem:s6], [sflag:s22] =	dma.local [hbm:s4], s20  }
0x9e: {  	_ =	swait.ge [sflag:s22], s20  }
0x9f: {  	s3 =	ssub.s32 $0x0, s20;
	[sflag:s22] =	ssyncset.done $0x0  }
0xa0: {  	[sflag:s22] =	ssyncadd.s32 s3;
	_ =	sdelay $0x1  }
0xa1: {  	s23 =	simm.s32 $0x1B8B  }
0xa2: {  	_ =	swait.ge [sflag:s23], $0x1  }
0xa3: {  	[sflag:s23] =	ssyncset.done $0x0  }
0xa4: {  	s25 =	simm.s32 $0x1B8E;
	s24 =	sld [smem:$0x3FFE];
	[sflag:s23] =	ssyncadd.s32 $0xFFFFFFFF  }
0xa5: {  	s26 =	simm.s32 $execute0_lowered;
	[smem:$0x3FD2] =	sst s25  }
0xa6: {  	s4 =	sshll.u32 s26, $0x1;
	_ =	strace $0x80000049;
	[dreg:$0x1] =	wrdreg $0xFFFFFFFF  }
0xa7: {  	s28 =	simm.s32 $_size_execute0_lowered;
	s2 =	sadd.s32 s2, s4;
	[dreg:$0x0] =	wrdreg $0x0  }
0xa8: {  	s4 =	sshll.u32 s28, $0x1;
	[dreg:$0x2] =	wrdreg s2  }
0xa9: {  	[dreg:$0x3] =	wrdreg s4  }
0xaa: {  	[dreg:$0x4] =	wrdreg $0xC0  }
0xab: {  	_ =	task [dreg:s6], $0x5FFFF  }
0xac: {  	[dreg:$0x1] =	wrdreg $0xFFFFFFFF  }
0xad: {  	[dreg:$0x0] =	wrdreg $0x60  }
0xae: {  	[dreg:$0x2] =	wrdreg s24  }
0xaf: {  	[dreg:$0x3] =	wrdreg $0xA8000  }
0xb0: {  	[dreg:$0x4] =	wrdreg $0x9  }
0xb1: {  	_ =	task.clear_ibuf [dreg:s6], $0x5FFFF;
	_ =	strace $0x90000049  }
0xb2: {  	s29 =	simm.s32 $0x9;
	_ =	strace $0x8000004B  }
0xb3: {  	_ =	swait.ge [sflag:s29], $0x1  }
0xb4: {  	[sflag:s29] =	ssyncadd.s32 $0xFFFFFFFF  }
0xb5: {  	_ =	strace $0x9000004B  }
0xb6: {  	_ =	sfence  }
0xb7: {  	s30 =	sld [smem:$0x0];
	_ =	sdelay $0x2  }
0xb8: {  	s31 =	sshll.u32 s1, $0xD;
	s1 =	sshrl.u32 s1, $0x2  }
0xb9: {  	s3 =	sand.u32 $0x4000, s31;
	s1 =	sadd.s32 s1, s30  }
0xba: {  	s0 =	sor.u32 s3, s0;
	s1 =	sshll.u32 s1, $0x11  }
0xbb: {  	s0 =	sor.u32 s1, s0  }
0xbc: {  	s0 =	sadd.s32 $0x8F2B, s0  }
0xbd: {  	[sflag:s0] =	ssyncadd.remote.s32 $0x1  }
0xbe: {  	_ =	sfence.sel $0xFFFF  }
0xbf: {  	[dreg:$0x0] =	wrdreg $0xFFFFFFFF;
	(pc) =	sbr.abs _section_cstart, $3  }
0xc0: {  	[dreg:$0x1] =	wrdreg $0xFFFFFFFF  }
0xc1: {  	_ =	task.clear_ibuf [dreg:s6], $0x2FFFF;
	_ =	strace $0x9FFFFFFF  }
0xc2: {  	(tm) =	ssettm $0x7FFFFFFF  }
0xc3: {  	_ =	shalt  }
tec
execute0_lowered:
.L_overlay_start_1:
0x0: {  	(tag) =	ssettag $0x1  }
0x1: {  	s1 =	rddreg [dreg:$0x0];
	s3 =	srdreg.scid  }
0x2: {  	s0 =	stileid.u32;
	s2 =	rddreg [dreg:$0x1];
	s5 =	simm.s32 $0x0  }
0x3: {  	s28 =	simm.s32 $0x2;
	s29 =	simm.s32 $0x1380;
	s30 =	simm.s32 $0x2700  }
0x4: {  	s31 =	simm.s32 $0x2780;
	s3 =	sand.u32 $0x1, s3;
	s6 =	smul.u32 $0x50000, s0  }
0x5: {  	s4 =	sshll.u32 s0, $0x1;
	[smem:$0x7FF] =	sst s5;
	s7 =	smul.u32 $0x2700, s0  }
0x6: {  	s26 =	smul.u32 $0x4E000, s0;
	p2 =	seq.s32 s0, $0xF;
	s17 =	sadd.s32 $0x138000, s2  }
0x7: {  	s18 =	sadd.s32 $0x66000, s1;
	s19 =	sadd.s32 $0x8D200, s1;
	s4 =	sor.u32 s3, s4  }
0x8: {  	_ =	strace $0x8000004A;
	s8 =	ssub.s32 $0x2, s3;
	p0 =	seq.s32 s3, $0x0  }
0x9: {  	p3 =	sne.s32 s3, $0x0;
	s21 =	smul.u32 $0x2800, s4;
	s4 =	sadd.s32 $0x17E00, s1  }
0xa: {  	s22 =	sshrl.u32 s8, $0x1;
	s6 =	sshrl.u32 s6, $0x2;
	s16 =	sadd.s32 s7, s1  }
0xb: {  	p1 =	por !p0, !p2;
	p0 =	seq.s32 s3, $0x1;
	s20 =	ssub.s32 s8, s22  }
0xc: {  	s15 =	sadd.s32 $0x3F000, s16;
	s16 =	sadd.s32 $0x66200, s16;
	p1 =	por !p1, !p1  }
0xd: {  	p2 =	por !p2, !p0;
	s22 =	simm.s32 $0x3;
	s5 =	sshrl.u32 s21, $0x3  }
0xe: {  	p2 =	por !p2, !p2;
	s13 =	sadd.s32 s5, s1;
	s5 =	sadd.s32 s6, s2  }
0xf: {  	s20 =	smax.u32 s20, $0x1;
	s21 =	simm.s32 $0x2800;
	s6 =	sadd.s32 $0x4000, s5  }
0x10: {  	s1 =	simm.s32 $0x0;
	s23 =	sadd.s32 $0x8000, s5;
	[dreg:$0x3] =	wrdreg s6  }
0x11: {  	s24 =	sadd.s32 $0xC000, s5;
	s25 =	sadd.s32 $0x10000, s5;
	[dreg:$0x4] =	wrdreg s23  }
0x12: {  	s10 =	sadd.s32 $0x3E00, s13;
	s11 =	sadd.s32 $0xDE00, s13;
	[dreg:$0x5] =	wrdreg s24  }
0x13: {  	s12 =	sadd.s32 $0x4080, s13;
	s13 =	sadd.s32 $0xE080, s13;
	[dreg:$0x6] =	wrdreg s25  }
0x14: {  	s6 =	sshrl.u32 s26, $0x2;
	s23 =	simm.s32 $0x1400;
	s24 =	simm.s32 $0x80  }
0x15: {  	v0 =	vimm.f32 $0.0e+00;
	s25 =	simm.s32 $0x6800;
	s26 =	simm.s32 $0x1;
	s14 =	sadd.s32 s6, s2  }
.LBB2_1:
0x16: {  	s3 =	simm.s32 $0x0;
	s6 =	simm.s32 $0x200  }
.LBB2_2:
0x17: {  	p4 =	sne.s32 s6, $0xFE00;
	[tilespmem:s3+$0x2870] =	vst v0  }
0x18: {  	[tilespmem:s3+$0x2800] =	vst v0  }
0x19: {  	[tilespmem:s3+$0x2810] =	vst v0  }
.Ltmp0:
0x1a: {  	[tilespmem:s3+$0x2820] =	vst v0;
	(pc) =	sbr.rel @p4 .LBB2_2-.Ltmp0, $4  }
0x1b: {  	[tilespmem:s3+$0x2830] =	vst v0  }
0x1c: {  	[tilespmem:s3+$0x2840] =	vst v0  }
0x1d: {  	[tilespmem:s3+$0x2850] =	vst v0  }
0x1e: {  	[tilespmem:s3+$0x2860] =	vst v0;
	s3 =	sshra.s32 s6, $0x2;
	s6 =	sadd.s32 $0x200, s6  }
0x1f: {  	[tilespmem:s3+$0x2870] =	vst v0  }
0x20: {  	[tilespmem:s3+$0x2800] =	vst v0  }
0x21: {  	[tilespmem:s3+$0x2810] =	vst v0  }
0x22: {  	[tilespmem:s3+$0x2820] =	vst v0  }
0x23: {  	[tilespmem:s3+$0x2830] =	vst v0  }
0x24: {  	[tilespmem:s3+$0x2840] =	vst v0  }
0x25: {  	[tilespmem:s3+$0x2850] =	vst v0  }
0x26: {  	[tilespmem:s3+$0x2860] =	vst v0  }
0x27: {  	[spmem:s5] =	stream.linear.scatter [tilespmem:s21], [sflag:$0x3], $0x4000, $0x38;
	[tilespmem:$0x1E800] =	vst v63  }
0x28: {  	_ =	swait.ge [sflag:s22], $0x4000  }
0x29: {  	[sflag:s22] =	ssyncset.done $0x0  }
0x2a: {  	s9 =	rddreg [dreg:$0x3];
	[sflag:s22] =	ssyncadd.s32 $0xFFFFC000  }
0x2b: {  	[spmem:s9] =	stream.linear.scatter [tilespmem:s21], [sflag:$0x3], $0x4000, $0x38;
	[tilespmem:$0x1E800] =	vst v63  }
0x2c: {  	_ =	swait.ge [sflag:s22], $0x4000  }
0x2d: {  	[sflag:s22] =	ssyncset.done $0x0  }
0x2e: {  	s6 =	rddreg [dreg:$0x4];
	[sflag:s22] =	ssyncadd.s32 $0xFFFFC000  }
0x2f: {  	[spmem:s6] =	stream.linear.scatter [tilespmem:s21], [sflag:$0x3], $0x4000, $0x38;
	[tilespmem:$0x1E800] =	vst v63  }
0x30: {  	_ =	swait.ge [sflag:s22], $0x4000  }
0x31: {  	[sflag:s22] =	ssyncset.done $0x0  }
0x32: {  	s7 =	rddreg [dreg:$0x5];
	[sflag:s22] =	ssyncadd.s32 $0xFFFFC000  }
0x33: {  	[spmem:s7] =	stream.linear.scatter [tilespmem:s21], [sflag:$0x3], $0x4000, $0x38;
	[tilespmem:$0x1E800] =	vst v63  }
0x34: {  	_ =	swait.ge [sflag:s22], $0x4000  }
0x35: {  	[sflag:s22] =	ssyncset.done $0x0  }
0x36: {  	s8 =	rddreg [dreg:$0x6];
	[sflag:s22] =	ssyncadd.s32 $0xFFFFC000  }
0x37: {  	[spmem:s8] =	stream.linear.scatter [tilespmem:s21], [sflag:$0x3], $0x4000, $0x38;
	[tilespmem:$0x1E800] =	vst v63  }
0x38: {  	_ =	swait.ge [sflag:s22], $0x4000  }
0x39: {  	[sflag:s22] =	ssyncset.done $0x0  }
0x3a: {  	[sflag:s22] =	ssyncadd.s32 $0xFFFFC000  }
0x3b: {  	s9 =	simm.s32 $0x0;
	[bflag:$0x0] =	sbarrier.arrive $0xFFFF  }
0x3c: {  	[tilespmem:s9], [sflag:$0x3] =	stream.linear.gather [hbm4b:s10+s9], $0x1400, $0x38;
	[tilespmem:$0x1E800] =	vst v63  }
0x3d: {  	_ =	swait.ge [sflag:s22], $0x1400  }
0x3e: {  	[sflag:s22] =	ssyncset.done $0x0  }
0x3f: {  	[sflag:s22] =	ssyncadd.s32 $0xFFFFEC00  }
0x40: {  	[tilespmem:s23], [sflag:$0x3] =	stream.linear.gather [hbm4b:s11+s9], $0x1400, $0x38;
	[tilespmem:$0x1E800] =	vst v63  }
0x41: {  	_ =	swait.ge [sflag:s22], $0x1400  }
0x42: {  	[sflag:s22] =	ssyncset.done $0x0  }
0x43: {  	[sflag:s22] =	ssyncadd.s32 $0xFFFFEC00  }
0x44: {  	[tilespmem:s21], [sflag:$0x1] =	stream.indirect.gather [hbm4b:s4+s24], $0x80, s9, s24, $0xb8;
	[tilespmem:$0x1E800] =	vst v63  }
0x45: {  	s6 =	simm.s32 $0x80  }
0x46: {  	[tilespmem:s25], [sflag:$0x2] =	stream.indirect.gather [hbm4b:s4+s24], $0x80, s6, s24, $0xb8;
	[tilespmem:$0x1E800] =	vst v63  }
0x47: {  	_ =	swait.ge [sflag:s26], $0x4000  }
0x48: {  	[sflag:s26] =	ssyncset.done $0x0  }
0x49: {  	s7 =	simm.s32 $0x1400;
	[sflag:s26] =	ssyncadd.s32 $0xFFFFC000  }
0x4a: {  	[spmem:s2] =	stream.indirect.scatter.add.f32 [tilespmem:s21], [sflag:$0x3], $0x80, s7, s24, $0xb8;
	[tilespmem:$0x1E800] =	vst v63  }
0x4b: {  	_ =	swait.ge [sflag:s22], $0x4000  }
0x4c: {  	[sflag:s22] =	ssyncset.done $0x0  }
0x4d: {  	s8 =	simm.s32 $0x100;
	[sflag:s22] =	ssyncadd.s32 $0xFFFFC000  }
0x4e: {  	[tilespmem:s21], [sflag:$0x1] =	stream.indirect.gather [hbm4b:s4+s24], $0x80, s8, s24, $0xb8;
	[tilespmem:$0x1E800] =	vst v63  }
0x4f: {  	_ =	swait.ge [sflag:s28], $0x4000  }
0x50: {  	[sflag:s28] =	ssyncset.done $0x0  }
0x51: {  	s9 =	simm.s32 $0x1480;
	[sflag:s28] =	ssyncadd.s32 $0xFFFFC000  }
0x52: {  	[spmem:s2] =	stream.indirect.scatter.add.f32 [tilespmem:s25], [sflag:$0x3], $0x80, s9, s24, $0xb8;
	[tilespmem:$0x1E800] =	vst v63  }
0x53: {  	_ =	swait.ge [sflag:s22], $0x4000  }
0x54: {  	s3 =	simm.s32 $0x100;
	s6 =	simm.s32 $0x800;
	[sflag:s22] =	ssyncset.done $0x0  }
.LBB2_4:
0x55: {  	s7 =	sadd.s32 $0x80, s3  }
0x56: {  	[sflag:s22] =	ssyncadd.s32 $0xFFFFC000;
	s8 =	smov.u32 s6;
	s9 =	sadd.s32 $0x400, s6  }
0x57: {  	[tilespmem:s25], [sflag:$0x2] =	stream.indirect.gather [hbm4b:s4+s24], $0x80, s7, s24, $0xb8;
	[tilespmem:$0x1E800] =	vst v63  }
0x58: {  	p4 =	sne.s32 s6, $0x4800;
	_ =	swait.ge [sflag:s26], $0x4000  }
0x59: {  	[sflag:s26] =	ssyncset.done $0x0  }
0x5a: {  	s6 =	sadd.s32 $0x1400, s3;
	[sflag:s26] =	ssyncadd.s32 $0xFFFFC000  }
0x5b: {  	[spmem:s2] =	stream.indirect.scatter.add.f32 [tilespmem:s21], [sflag:$0x3], $0x80, s6, s24, $0xb8;
	[tilespmem:$0x1E800] =	vst v63  }
0x5c: {  	_ =	swait.ge [sflag:s22], $0x4000  }
0x5d: {  	[sflag:s22] =	ssyncset.done $0x0  }
0x5e: {  	s6 =	sadd.s32 $0x100, s3;
	[sflag:s22] =	ssyncadd.s32 $0xFFFFC000  }
0x5f: {  	[tilespmem:s21], [sflag:$0x1] =	stream.indirect.gather [hbm4b:s4+s24], $0x80, s6, s24, $0xb8;
	[tilespmem:$0x1E800] =	vst v63  }
0x60: {  	_ =	swait.ge [sflag:s28], $0x4000  }
.Ltmp1:
0x61: {  	[sflag:s28] =	ssyncset.done $0x0;
	(pc) =	sbr.rel @p4 .LBB2_4-.Ltmp1, $4  }
0x62: {  	s3 =	sadd.s32 $0x1480, s3;
	[sflag:s28] =	ssyncadd.s32 $0xFFFFC000  }
0x63: {  	[spmem:s2] =	stream.indirect.scatter.add.f32 [tilespmem:s25], [sflag:$0x3], $0x80, s3, s24, $0xb8;
	[tilespmem:$0x1E800] =	vst v63  }
0x64: {  	_ =	swait.ge [sflag:s22], $0x4000  }
0x65: {  	s6 =	smov.u32 s9;
	s3 =	sshra.s32 s8, $0x2;
	[sflag:s22] =	ssyncset.done $0x0  }
0x66: {  	s6 =	sadd.s32 $0x80, s3;
	[sflag:s22] =	ssyncadd.s32 $0xFFFFC000  }
0x67: {  	[tilespmem:s25], [sflag:$0x2] =	stream.indirect.gather [hbm4b:s4+s24], $0x80, s6, s24, $0xb8;
	[tilespmem:$0x1E800] =	vst v63  }
0x68: {  	_ =	swait.ge [sflag:s26], $0x4000  }
0x69: {  	[sflag:s26] =	ssyncset.done $0x0  }
0x6a: {  	s9 =	sadd.s32 $0x1400, s3;
	[sflag:s26] =	ssyncadd.s32 $0xFFFFC000  }
0x6b: {  	[spmem:s2] =	stream.indirect.scatter.add.f32 [tilespmem:s21], [sflag:$0x3], $0x80, s9, s24, $0xb8;
	[tilespmem:$0x1E800] =	vst v63  }
0x6c: {  	_ =	swait.ge [sflag:s22], $0x4000  }
0x6d: {  	[sflag:s22] =	ssyncset.done $0x0  }
0x6e: {  	s7 =	sadd.s32 $0x100, s3;
	[sflag:s22] =	ssyncadd.s32 $0xFFFFC000  }
0x6f: {  	[tilespmem:s21], [sflag:$0x1] =	stream.indirect.gather [hbm4b:s4+s24], $0x80, s7, s24, $0xb8;
	[tilespmem:$0x1E800] =	vst v63  }
0x70: {  	_ =	swait.ge [sflag:s28], $0x4000  }
0x71: {  	[sflag:s28] =	ssyncset.done $0x0  }
0x72: {  	s8 =	sadd.s32 $0x1480, s3;
	[sflag:s28] =	ssyncadd.s32 $0xFFFFC000  }
0x73: {  	[spmem:s2] =	stream.indirect.scatter.add.f32 [tilespmem:s25], [sflag:$0x3], $0x80, s8, s24, $0xb8;
	[tilespmem:$0x1E800] =	vst v63  }
0x74: {  	_ =	swait.ge [sflag:s22], $0x4000  }
0x75: {  	[sflag:s22] =	ssyncset.done $0x0  }
0x76: {  	[sflag:s22] =	ssyncadd.s32 $0xFFFFC000  }
0x77: {  	[tilespmem:s25], [sflag:$0x2] =	stream.indirect.gather [hbm4b:s4+s24], $0x80, s29, s24, $0xb8;
	[tilespmem:$0x1E800] =	vst v63  }
0x78: {  	_ =	swait.ge [sflag:s26], $0x4000  }
0x79: {  	[sflag:s26] =	ssyncset.done $0x0  }
0x7a: {  	[sflag:s26] =	ssyncadd.s32 $0xFFFFC000  }
0x7b: {  	[spmem:s2] =	stream.indirect.scatter.add.f32 [tilespmem:s21], [sflag:$0x3], $0x80, s30, s24, $0xb8;
	[tilespmem:$0x1E800] =	vst v63  }
0x7c: {  	_ =	swait.ge [sflag:s22], $0x4000  }
0x7d: {  	[sflag:s22] =	ssyncset.done $0x0  }
0x7e: {  	s9 =	simm.s32 $0x0;
	[sflag:s22] =	ssyncadd.s32 $0xFFFFC000  }
0x7f: {  	[tilespmem:s21], [sflag:$0x1] =	stream.indirect.gather [hbm4b:s4+s24], $0x80, s9, s24, $0xb8;
	[tilespmem:$0x1E800] =	vst v63  }
0x80: {  	_ =	swait.ge [sflag:s28], $0x4000  }
0x81: {  	[sflag:s28] =	ssyncset.done $0x0  }
0x82: {  	[sflag:s28] =	ssyncadd.s32 $0xFFFFC000  }
0x83: {  	[spmem:s2] =	stream.indirect.scatter.add.f32 [tilespmem:s25], [sflag:$0x3], $0x80, s31, s24, $0xb8;
	[tilespmem:$0x1E800] =	vst v63  }
0x84: {  	_ =	swait.ge [sflag:s22], $0x4000  }
0x85: {  	[sflag:s22] =	ssyncset.done $0x0  }
0x86: {  	[sflag:s22] =	ssyncadd.s32 $0xFFFFC000  }
0x87: {  	_ =	swait.ge [sflag:s26], $0x4000  }
0x88: {  	[sflag:s26] =	ssyncset.done $0x0  }
0x89: {  	[sflag:s26] =	ssyncadd.s32 $0xFFFFC000  }
0x8a: {  	[tilespmem:s9], [sflag:$0x3] =	stream.linear.gather [hbm4b:s12+s9], $0x1400, $0x38;
	[tilespmem:$0x1E800] =	vst v63  }
0x8b: {  	_ =	swait.ge [sflag:s22], $0x1400  }
0x8c: {  	[sflag:s22] =	ssyncset.done $0x0  }
0x8d: {  	[sflag:s22] =	ssyncadd.s32 $0xFFFFEC00  }
0x8e: {  	[tilespmem:s23], [sflag:$0x3] =	stream.linear.gather [hbm4b:s13+s9], $0x1400, $0x38;
	[tilespmem:$0x1E800] =	vst v63  }
0x8f: {  	_ =	swait.ge [sflag:s22], $0x1400  }
0x90: {  	[sflag:s22] =	ssyncset.done $0x0  }
0x91: {  	[sflag:s22] =	ssyncadd.s32 $0xFFFFEC00  }
0x92: {  	[tilespmem:s21], [sflag:$0x1] =	stream.indirect.gather [hbm4b:s4+s24], $0x80, s9, s24, $0xb8;
	[tilespmem:$0x1E800] =	vst v63  }
0x93: {  	s6 =	simm.s32 $0x80  }
0x94: {  	[tilespmem:s25], [sflag:$0x2] =	stream.indirect.gather [hbm4b:s4+s24], $0x80, s6, s24, $0xb8;
	[tilespmem:$0x1E800] =	vst v63  }
0x95: {  	_ =	swait.ge [sflag:s26], $0x4000  }
0x96: {  	[sflag:s26] =	ssyncset.done $0x0  }
0x97: {  	s7 =	simm.s32 $0x1400;
	[sflag:s26] =	ssyncadd.s32 $0xFFFFC000  }
0x98: {  	[spmem:s2] =	stream.indirect.scatter.add.f32 [tilespmem:s21], [sflag:$0x3], $0x80, s7, s24, $0xb8;
	[tilespmem:$0x1E800] =	vst v63  }
0x99: {  	_ =	swait.ge [sflag:s22], $0x4000  }
0x9a: {  	[sflag:s22] =	ssyncset.done $0x0  }
0x9b: {  	s8 =	simm.s32 $0x100;
	[sflag:s22] =	ssyncadd.s32 $0xFFFFC000  }
0x9c: {  	[tilespmem:s21], [sflag:$0x1] =	stream.indirect.gather [hbm4b:s4+s24], $0x80, s8, s24, $0xb8;
	[tilespmem:$0x1E800] =	vst v63  }
0x9d: {  	_ =	swait.ge [sflag:s28], $0x4000  }
0x9e: {  	[sflag:s28] =	ssyncset.done $0x0  }
0x9f: {  	s9 =	simm.s32 $0x1480;
	[sflag:s28] =	ssyncadd.s32 $0xFFFFC000  }
0xa0: {  	[spmem:s2] =	stream.indirect.scatter.add.f32 [tilespmem:s25], [sflag:$0x3], $0x80, s9, s24, $0xb8;
	[tilespmem:$0x1E800] =	vst v63  }
0xa1: {  	_ =	swait.ge [sflag:s22], $0x4000  }
0xa2: {  	s3 =	simm.s32 $0x100;
	s6 =	simm.s32 $0x800;
	[sflag:s22] =	ssyncset.done $0x0  }
.LBB2_6:
0xa3: {  	s7 =	sadd.s32 $0x80, s3  }
0xa4: {  	[sflag:s22] =	ssyncadd.s32 $0xFFFFC000;
	s8 =	smov.u32 s6;
	s9 =	sadd.s32 $0x400, s6  }
0xa5: {  	[tilespmem:s25], [sflag:$0x2] =	stream.indirect.gather [hbm4b:s4+s24], $0x80, s7, s24, $0xb8;
	[tilespmem:$0x1E800] =	vst v63  }
0xa6: {  	p4 =	sne.s32 s6, $0x4800;
	_ =	swait.ge [sflag:s26], $0x4000  }
0xa7: {  	[sflag:s26] =	ssyncset.done $0x0  }
0xa8: {  	s6 =	sadd.s32 $0x1400, s3;
	[sflag:s26] =	ssyncadd.s32 $0xFFFFC000  }
0xa9: {  	[spmem:s2] =	stream.indirect.scatter.add.f32 [tilespmem:s21], [sflag:$0x3], $0x80, s6, s24, $0xb8;
	[tilespmem:$0x1E800] =	vst v63  }
0xaa: {  	_ =	swait.ge [sflag:s22], $0x4000  }
0xab: {  	[sflag:s22] =	ssyncset.done $0x0  }
0xac: {  	s6 =	sadd.s32 $0x100, s3;
	[sflag:s22] =	ssyncadd.s32 $0xFFFFC000  }
0xad: {  	[tilespmem:s21], [sflag:$0x1] =	stream.indirect.gather [hbm4b:s4+s24], $0x80, s6, s24, $0xb8;
	[tilespmem:$0x1E800] =	vst v63  }
0xae: {  	_ =	swait.ge [sflag:s28], $0x4000  }
.Ltmp2:
0xaf: {  	[sflag:s28] =	ssyncset.done $0x0;
	(pc) =	sbr.rel @p4 .LBB2_6-.Ltmp2, $4  }
0xb0: {  	s3 =	sadd.s32 $0x1480, s3;
	[sflag:s28] =	ssyncadd.s32 $0xFFFFC000  }
0xb1: {  	[spmem:s2] =	stream.indirect.scatter.add.f32 [tilespmem:s25], [sflag:$0x3], $0x80, s3, s24, $0xb8;
	[tilespmem:$0x1E800] =	vst v63  }
0xb2: {  	_ =	swait.ge [sflag:s22], $0x4000  }
0xb3: {  	s6 =	smov.u32 s9;
	s3 =	sshra.s32 s8, $0x2;
	[sflag:s22] =	ssyncset.done $0x0  }
0xb4: {  	s6 =	sadd.s32 $0x80, s3;
	[sflag:s22] =	ssyncadd.s32 $0xFFFFC000  }
0xb5: {  	[tilespmem:s25], [sflag:$0x2] =	stream.indirect.gather [hbm4b:s4+s24], $0x80, s6, s24, $0xb8;
	[tilespmem:$0x1E800] =	vst v63  }
0xb6: {  	_ =	swait.ge [sflag:s26], $0x4000  }
0xb7: {  	[sflag:s26] =	ssyncset.done $0x0  }
0xb8: {  	s9 =	sadd.s32 $0x1400, s3;
	[sflag:s26] =	ssyncadd.s32 $0xFFFFC000  }
0xb9: {  	[spmem:s2] =	stream.indirect.scatter.add.f32 [tilespmem:s21], [sflag:$0x3], $0x80, s9, s24, $0xb8;
	[tilespmem:$0x1E800] =	vst v63  }
0xba: {  	_ =	swait.ge [sflag:s22], $0x4000  }
0xbb: {  	[sflag:s22] =	ssyncset.done $0x0  }
0xbc: {  	s7 =	sadd.s32 $0x100, s3;
	[sflag:s22] =	ssyncadd.s32 $0xFFFFC000  }
0xbd: {  	[tilespmem:s21], [sflag:$0x1] =	stream.indirect.gather [hbm4b:s4+s24], $0x80, s7, s24, $0xb8;
	[tilespmem:$0x1E800] =	vst v63  }
0xbe: {  	_ =	swait.ge [sflag:s28], $0x4000  }
0xbf: {  	[sflag:s28] =	ssyncset.done $0x0  }
0xc0: {  	s8 =	sadd.s32 $0x1480, s3;
	[sflag:s28] =	ssyncadd.s32 $0xFFFFC000  }
0xc1: {  	[spmem:s2] =	stream.indirect.scatter.add.f32 [tilespmem:s25], [sflag:$0x3], $0x80, s8, s24, $0xb8;
	[tilespmem:$0x1E800] =	vst v63  }
0xc2: {  	_ =	swait.ge [sflag:s22], $0x4000  }
0xc3: {  	[sflag:s22] =	ssyncset.done $0x0  }
0xc4: {  	[sflag:s22] =	ssyncadd.s32 $0xFFFFC000  }
0xc5: {  	[tilespmem:s25], [sflag:$0x2] =	stream.indirect.gather [hbm4b:s4+s24], $0x80, s29, s24, $0xb8;
	[tilespmem:$0x1E800] =	vst v63  }
0xc6: {  	_ =	swait.ge [sflag:s26], $0x4000  }
0xc7: {  	[sflag:s26] =	ssyncset.done $0x0  }
0xc8: {  	[sflag:s26] =	ssyncadd.s32 $0xFFFFC000  }
0xc9: {  	[spmem:s2] =	stream.indirect.scatter.add.f32 [tilespmem:s21], [sflag:$0x3], $0x80, s30, s24, $0xb8;
	[tilespmem:$0x1E800] =	vst v63  }
0xca: {  	_ =	swait.ge [sflag:s22], $0x4000  }
0xcb: {  	[sflag:s22] =	ssyncset.done $0x0  }
0xcc: {  	s9 =	simm.s32 $0x0;
	[sflag:s22] =	ssyncadd.s32 $0xFFFFC000  }
0xcd: {  	[tilespmem:s21], [sflag:$0x1] =	stream.indirect.gather [hbm4b:s4+s24], $0x80, s9, s24, $0xb8;
	[tilespmem:$0x1E800] =	vst v63  }
0xce: {  	_ =	swait.ge [sflag:s28], $0x4000  }
0xcf: {  	[sflag:s28] =	ssyncset.done $0x0  }
0xd0: {  	[sflag:s28] =	ssyncadd.s32 $0xFFFFC000  }
0xd1: {  	[spmem:s2] =	stream.indirect.scatter.add.f32 [tilespmem:s25], [sflag:$0x3], $0x80, s31, s24, $0xb8;
	[tilespmem:$0x1E800] =	vst v63  }
0xd2: {  	_ =	swait.ge [sflag:s22], $0x4000  }
0xd3: {  	[sflag:s22] =	ssyncset.done $0x0  }
0xd4: {  	[sflag:s22] =	ssyncadd.s32 $0xFFFFC000  }
0xd5: {  	_ =	swait.ge [sflag:s26], $0x4000  }
0xd6: {  	[sflag:s26] =	ssyncset.done $0x0  }
0xd7: {  	s3 =	sshll.u32 @!p3 s0, $0x6;
	[sflag:s26] =	ssyncadd.s32 $0xFFFFC000  }
0xd8: {  	s3 =	sor.u32 @!p3 $0x1C03, s3;
	s6 =	sshrl.u32 @!p3 s14, $0x3;
	[bflag:$0x0] =	sbarrier.arrive $0xFFFF  }
0xd9: {  	[hbm:s15], [sflag:s3] =	dma.local @!p3 [spmem:s6], $0x2700  }
0xda: {  	s3 =	simm.s32 @!p3 $0x3  }
0xdb: {  	_ =	swait.ge @!p3 [sflag:s3], $0x2700  }
0xdc: {  	s6 =	sshll.u32 @p0 s0, $0x6;
	[sflag:s3] =	ssyncset.done @!p3 $0x0  }
0xdd: {  	[sflag:s3] =	ssyncadd.s32 @!p3 $0xFFFFD900;
	s3 =	sor.u32 @p0 $0x1C03, s6;
	s6 =	sshrl.u32 @p0 s14, $0x3  }
0xde: {  	[hbm:s16], [sflag:s3] =	dma.local @p0 [spmem:s6], $0x2700  }
0xdf: {  	s3 =	simm.s32 @p0 $0x3  }
0xe0: {  	_ =	swait.ge @p0 [sflag:s3], $0x2700  }
0xe1: {  	[sflag:s3] =	ssyncset.done @p0 $0x0  }
0xe2: {  	s6 =	simm.s32 @p1 $0x1FC3;
	[sflag:s3] =	ssyncadd.s32 @p0 $0xFFFFD900;
	s3 =	sshrl.u32 @p1 s17, $0x3  }
0xe3: {  	[hbm:s18], [sflag:s6] =	dma.local @p1 [spmem:s3], $0x100  }
0xe4: {  	s3 =	simm.s32 @p1 $0x3  }
0xe5: {  	s1 =	sadd.s32 $0x1, s1;
	_ =	swait.ge @p1 [sflag:s3], $0x100  }
0xe6: {  	p4 =	sne.s32 s1, s20;
	[sflag:s3] =	ssyncset.done @p1 $0x0  }
0xe7: {  	s6 =	simm.s32 @p2 $0x1FC3;
	[sflag:s3] =	ssyncadd.s32 @p1 $0xFFFFFF00;
	s3 =	sshrl.u32 @p2 s17, $0x3  }
0xe8: {  	[hbm:s19], [sflag:s6] =	dma.local @p2 [spmem:s3], $0x100  }
.Ltmp3:
0xe9: {  	_ = 	snop;
	(pc) =	sbr.rel @p4 .LBB2_1-.Ltmp3, $4  }
0xea: {  	s3 =	simm.s32 @p2 $0x3  }
0xeb: {  	_ =	swait.ge @p2 [sflag:s3], $0x100  }
0xec: {  	[sflag:s3] =	ssyncset.done @p2 $0x0  }
0xed: {  	[sflag:s3] =	ssyncadd.s32 @p2 $0xFFFFFF00  }
0xee: {  	_ =	sfence.sel $0x180000  }
0xef: {  	[bflag:$0x0] =	sbarrier.arrive $0xFFFF  }
0xf0: {  	_ =	strace $0x9000004A  }
0xf1: {  	[bflag:$0x2] =	sbarrier.arrive $0xFFFF  }
0xf2: {  	p0 =	sne.s32 s0, $0x0;
	s0 =	rddreg [dreg:$0x2]  }
0xf3: {  	s0 =	sadd.s32 @!p0 $0x100000, s0  }
0xf4: {  	[sflag:s0] =	ssyncadd.tile.s32 @!p0 $0x1;
	_ =	shalt  }
.Lfunc_end2:
_tile_overlayer_lowered:
.L_overlay_start_2:
0xf5: {  	(tag) =	ssettag $0x2  }
0xf6: {  	s0 =	rddreg [dreg:$0x0];
	s2 =	stileid.u32  }
0xf7: {  	s1 =	rddreg [dreg:$0x1];
	p0 =	sne.s32 s2, $0x0  }
0xf8: {  	s3 =	rddreg [dreg:$0x2];
	[bflag:$0x3] =	sbarrier.arrive $0xFFFF;
	s2 =	simm.s32 @!p0 $0x1C03  }
0xf9: {  	[timem:s3], [sflag:s2] =	dma.local @!p0 [hbm:s0], s1  }
0xfa: {  	s0 =	simm.s32 @!p0 $0x3  }
0xfb: {  	_ =	swait.ge @!p0 [sflag:s0], s1  }
0xfc: {  	s1 =	ssub.s32 @!p0 $0x0, s1;
	[sflag:s0] =	ssyncset.done @!p0 $0x0  }
0xfd: {  	[sflag:s0] =	ssyncadd.s32 @!p0 s1  }
0xfe: {  	[bflag:$0x3] =	sbarrier.arrive $0xFFFF  }
0xff: {  	_ =	shalt  }

// kernel: kernel.14.cloned.1.call-start
scs
__scs_entry_jumppad:
0x0: {  	(pc) =	sbr.rel $0x88, $3  }
0x1: {  	(tag) =	ssettag $0x0;
	lr =	simm.s32 $0x1  }
0x2: {  	[smem:$0x3F97] =	sst lr;
	_ =	strace $0xD0000000  }
0x3: {  	_ = 	snop  }
0x4: {  	_ = 	snop  }
0x5: {  	_ = 	snop  }
0x6: {  	_ = 	snop  }
0x7: {  	_ = 	snop  }
__scs_overlays_trampoline_lowered:
0x8: {  	[smem:$0x3FA6] =	sst s0  }
0x9: {  	[smem:$0x3FA7] =	sst s1  }
0xa: {  	[smem:$0x3FA8] =	sst s2  }
0xb: {  	[smem:$0x3FA9] =	sst s3  }
0xc: {  	[smem:$0x3FAA] =	sst s4  }
0xd: {  	[smem:$0x3FAB] =	sst s5  }
0xe: {  	[smem:$0x3FAC] =	sst s6  }
0xf: {  	[smem:$0x3FAD] =	sst s7  }
0x10: {  	[smem:$0x3FAE] =	sst s8  }
0x11: {  	[smem:$0x3FAF] =	sst s9;
	s0 =	simm.s32 @!p0 $0x0  }
0x12: {  	s1 =	sld [smem:$0x3F95];
	s0 =	simm.s32 @p0 $0x1  }
0x13: {  	[smem:$0x3FB0] =	sst s0;
	s0 =	simm.s32 @!p1 $0x0  }
0x14: {  	s2 =	sld [smem:$0x3F94];
	s0 =	simm.s32 @p1 $0x1  }
0x15: {  	[smem:$0x3FB1] =	sst s0;
	s0 =	simm.s32 @!p2 $0x0  }
0x16: {  	s3 =	sld [smem:$0x3FDB];
	s0 =	simm.s32 @p2 $0x1  }
0x17: {  	s4 =	simm.s32 $0x1BF5;
	[smem:$0x3FB3] =	sst s0  }
0x18: {  	s0 =	sld [smem:$0x3F96];
	_ =	swait.ge [sflag:s4], $0x0  }
0x19: {  	s7 =	sld [smem:$0x3F97]  }
0x1a: {  	s8 =	sadd.s32 $0xFFFFE003, lr  }
0x1b: {  	s9 =	sadd.s32 $0xFFFFFEF7, lr;
	s5 =	simm.s32 $0xFFFFFFFF;
	p2 =	slt.u32 s8, $0xFFFFF086  }
0x1c: {  	p1 =	slt.u32 s9, $0xF7A;
	s5 =	simm.s32 @!p2 $0x0  }
0x1d: {  	s5 =	simm.s32 @p1 $0x1;
	p0 =	seq.s32 s7, s2  }
0x1e: {  	s7 =	smul.u32 @!p0 $0xF7A, s2;
	p2 =	seq.s32 @!p0 s5, $0x0  }
0x1f: {  	s9 =	smul.u32 $0xF7A, s1;
	s8 =	simm.s32 @!p0 $0x1BF5;
	p2 =	por !p2, p0  }
0x20: {  	[sflag:s8] =	ssyncset.s32 @!p0 $0xFFFFF086;
	s6 =	sadd.s32 @!p0 s3, s7;
	s7 =	simm.s32 @!p0 $0x108  }
0x21: {  	s3 =	sadd.s32 s3, s9;
	s6 =	sadd.s32 @!p0 $0x88, s6;
	s7 =	simm.s32 @p2 $0x1082  }
0x22: {  	[simem:s7], [sflag:s8] =	dma.local @!p0 [hbm:s6], $0xF7A  }
0x23: {  	s9 =	sor.u32 $0xD0000000, s2;
	s6 =	simm.s32 $0x108;
	_ =	swait.ge @!p0 [sflag:s8], $0x0  }
0x24: {  	s3 =	sadd.s32 $0x88, s3;
	s6 =	simm.s32 @!p1 $0x1082;
	[sflag:s4] =	ssyncset.s32 $0xFFFFF086  }
0x25: {  	[simem:s6], [sflag:s4] =	dma.local [hbm:s3], $0xF7A  }
0x26: {  	[smem:$0x3F97] =	sst s1;
	(tag) =	ssettag s2;
	_ =	strace s9  }
0x27: {  	s1 =	sld [smem:$0x3FA7]  }
0x28: {  	s2 =	sld [smem:$0x3FA8]  }
0x29: {  	s4 =	sld [smem:$0x3FAA]  }
0x2a: {  	p0 =	seq.s32 s5, $0x0;
	s5 =	sld [smem:$0x3FAB]  }
0x2b: {  	s6 =	sld [smem:$0x3FAC]  }
0x2c: {  	s7 =	sld [smem:$0x3FAD]  }
0x2d: {  	s3 =	simm.s32 $0x108;
	s8 =	sld [smem:$0x3FAE]  }
0x2e: {  	s3 =	simm.s32 @!p0 $0x1082;
	s9 =	sld [smem:$0x3FAF]  }
0x2f: {  	lr =	sadd.s32 s0, s3;
	s0 =	sld [smem:$0x3FA6]  }
0x30: {  	s3 =	sld [smem:$0x3FA9]  }
0x31: {  	[smem:$0x3FB2] =	sst s10  }
0x32: {  	s10 =	sld [smem:$0x3FB0];
	_ =	sdelay $0x3  }
0x33: {  	p0 =	seq.s32 s10, $0x1;
	s10 =	sld [smem:$0x3FB2];
	_ =	sdelay $0x3  }
0x34: {  	[smem:$0x3FB2] =	sst s10  }
0x35: {  	s10 =	sld [smem:$0x3FB1];
	_ =	sdelay $0x3  }
0x36: {  	p1 =	seq.s32 s10, $0x1;
	s10 =	sld [smem:$0x3FB2];
	_ =	sdelay $0x3  }
0x37: {  	[smem:$0x3FB2] =	sst s10  }
0x38: {  	s10 =	sld [smem:$0x3FB3]  }
0x39: {  	_ = 	snop;
	(pc) =	sbr.ind lr, $3  }
0x3a: {  	_ = 	snop  }
0x3b: {  	_ = 	snop  }
0x3c: {  	p2 =	seq.s32 s10, $0x1;
	s10 =	sld [smem:$0x3FB2]  }
0x3d: {  	_ =	shalt  }
0x3e: {  	_ =	shalt  }
0x3f: {  	_ =	shalt  }
0x40: {  	_ =	shalt  }
0x41: {  	_ =	shalt  }
0x42: {  	_ =	shalt  }
0x43: {  	_ =	shalt  }
0x44: {  	_ =	shalt  }
0x45: {  	_ =	shalt  }
0x46: {  	_ =	shalt  }
0x47: {  	_ =	shalt  }
0x48: {  	_ =	shalt  }
0x49: {  	_ =	shalt  }
0x4a: {  	_ =	shalt  }
0x4b: {  	_ =	shalt  }
0x4c: {  	_ =	shalt  }
0x4d: {  	_ =	shalt  }
0x4e: {  	_ =	shalt  }
0x4f: {  	_ =	shalt  }
0x50: {  	_ =	shalt  }
0x51: {  	_ =	shalt  }
0x52: {  	_ =	shalt  }
0x53: {  	_ =	shalt  }
0x54: {  	_ =	shalt  }
0x55: {  	_ =	shalt  }
0x56: {  	_ =	shalt  }
0x57: {  	_ =	shalt  }
0x58: {  	_ =	shalt  }
0x59: {  	_ =	shalt  }
0x5a: {  	_ =	shalt  }
0x5b: {  	_ =	shalt  }
0x5c: {  	_ =	shalt  }
0x5d: {  	_ =	shalt  }
0x5e: {  	_ =	shalt  }
0x5f: {  	_ =	shalt  }
0x60: {  	_ =	shalt  }
0x61: {  	_ =	shalt  }
0x62: {  	_ =	shalt  }
0x63: {  	_ =	shalt  }
0x64: {  	_ =	shalt  }
0x65: {  	_ =	shalt  }
0x66: {  	_ =	shalt  }
0x67: {  	_ =	shalt  }
0x68: {  	_ =	shalt  }
0x69: {  	_ =	shalt  }
0x6a: {  	_ =	shalt  }
0x6b: {  	_ =	shalt  }
0x6c: {  	_ =	shalt  }
0x6d: {  	_ =	shalt  }
0x6e: {  	_ =	shalt  }
0x6f: {  	_ =	shalt  }
0x70: {  	_ =	shalt  }
0x71: {  	_ =	shalt  }
0x72: {  	_ =	shalt  }
0x73: {  	_ =	shalt  }
0x74: {  	_ =	shalt  }
0x75: {  	_ =	shalt  }
0x76: {  	_ =	shalt  }
0x77: {  	_ =	shalt  }
0x78: {  	_ =	shalt  }
0x79: {  	_ =	shalt  }
0x7a: {  	_ =	shalt  }
0x7b: {  	_ =	shalt  }
0x7c: {  	_ =	shalt  }
0x7d: {  	_ =	shalt  }
0x7e: {  	_ =	shalt  }
0x7f: {  	_ =	shalt  }
0x80: {  	_ =	shalt  }
0x81: {  	_ =	shalt  }
0x82: {  	_ =	shalt  }
0x83: {  	_ =	shalt  }
0x84: {  	_ =	shalt  }
0x85: {  	_ =	shalt  }
0x86: {  	_ =	shalt  }
0x87: {  	_ =	shalt  }
.Lfunc_end0:
.L_simem_size_0:
called_computation.2_lowered:
.L_overlay_start_0:
0x88: {  	s2 =	sld [smem:$0x3FD9]  }
0x89: {  	s3 =	sld [smem:$0x3FFE];
	_ =	sdelay $0x1  }
0x8a: {  	s1 =	srdreg.scid  }
0x8b: {  	s0 =	sand.u32 $0x1, s1  }
0x8c: {  	s17 =	sshll.u32 s0, $0xA;
	s2 =	sadd.s32 s3, s2  }
0x8d: {  	s2 =	sadd.s32 s2, s17  }
0x8e: {  	[smem:$0x3FBE] =	sst s2  }
0x8f: {  	_ = 	snop  }
0x90: {  	s2 =	sld [smem:$0x3FC9]  }
0x91: {  	s18 =	sld [smem:$0x3FC8]  }
0x92: {  	s4 =	sld [smem:$0x3FC5]  }
0x93: {  	s5 =	sld [smem:$0x3FD0];
	(tm) =	ssettm $0x1  }
0x94: {  	s6 =	sld [smem:$0x3FFB];
	_ =	sdelay $0x3  }
0x95: {  	_ =	strace s6  }
0x96: {  	s6 =	sld [smem:$0x3FFC];
	_ =	sdelay $0x3  }
0x97: {  	_ =	strace s6  }
0x98: {  	s6 =	sld [smem:$0x3FFD];
	_ =	sdelay $0x3  }
0x99: {  	_ =	strace s6  }
0x9a: {  	_ =	strace $0x8FFFFFFF  }
0x9b: {  	s19 =	sld [smem:$0x3FDB];
	_ =	sdelay $0x1  }
0x9c: {  	s7 =	simm.s32 $_scs_section_size  }
0x9d: {  	s8 =	simm.s32 $_size__tile_overlayer_lowered;
	s9 =	simm.s32 $_tile_overlayer_lowered  }
0x9e: {  	s22 =	simm.s32 $0x1BFF;
	s21 =	sshll.u32 s9, $0x1;
	s6 =	sadd.s32 s7, s19  }
0x9f: {  	s10 =	simm.s32 $0x0;
	s20 =	sshll.u32 s8, $0x1;
	s8 =	sadd.s32 s21, s6  }
0xa0: {  	[timem:s10], [sflag:s22] =	dma.local [hbm:s8], s20  }
0xa1: {  	_ =	swait.ge [sflag:s22], s20  }
0xa2: {  	s7 =	ssub.s32 $0x0, s20;
	[sflag:s22] =	ssyncset.done $0x0  }
0xa3: {  	[sflag:s22] =	ssyncadd.s32 s7;
	_ =	sdelay $0x1  }
0xa4: {  	s23 =	simm.s32 $0x1B8B  }
0xa5: {  	_ =	swait.ge [sflag:s23], $0x1  }
0xa6: {  	[sflag:s23] =	ssyncset.done $0x0  }
0xa7: {  	s25 =	simm.s32 $0x1B8E;
	s24 =	sld [smem:$0x3FFE];
	[sflag:s23] =	ssyncadd.s32 $0xFFFFFFFF  }
0xa8: {  	s26 =	simm.s32 $execute0_lowered;
	[smem:$0x3FD2] =	sst s25  }
0xa9: {  	s8 =	sshll.u32 s26, $0x1;
	_ =	strace $0x8000004C;
	[dreg:$0x1] =	wrdreg $0xFFFFFFFF  }
0xaa: {  	s28 =	simm.s32 $_size_execute0_lowered;
	s6 =	sadd.s32 s6, s8;
	[dreg:$0x0] =	wrdreg $0x0  }
0xab: {  	s8 =	sshll.u32 s28, $0x1;
	[dreg:$0x2] =	wrdreg s6  }
0xac: {  	[dreg:$0x3] =	wrdreg s8  }
0xad: {  	[dreg:$0x4] =	wrdreg $0xC0  }
0xae: {  	_ =	task [dreg:s10], $0x5FFFF  }
0xaf: {  	[dreg:$0x1] =	wrdreg $0xFFFFFFFF  }
0xb0: {  	[dreg:$0x0] =	wrdreg $0x60  }
0xb1: {  	[dreg:$0x2] =	wrdreg s5  }
0xb2: {  	[dreg:$0x3] =	wrdreg s24  }
0xb3: {  	[dreg:$0x4] =	wrdreg s4  }
0xb4: {  	[dreg:$0x5] =	wrdreg s2  }
0xb5: {  	[dreg:$0x6] =	wrdreg s18  }
0xb6: {  	[dreg:$0x7] =	wrdreg $0x9  }
0xb7: {  	_ =	task.clear_ibuf [dreg:s10], $0x8FFFF;
	_ =	strace $0x9000004C  }
0xb8: {  	s29 =	simm.s32 $0x9;
	_ =	strace $0x8000004E  }
0xb9: {  	_ =	swait.ge [sflag:s29], $0x1  }
0xba: {  	[sflag:s29] =	ssyncadd.s32 $0xFFFFFFFF  }
0xbb: {  	_ =	strace $0x9000004E  }
0xbc: {  	_ =	sfence  }
0xbd: {  	s30 =	sld [smem:$0x0];
	_ =	sdelay $0x2  }
0xbe: {  	s31 =	sshll.u32 s1, $0xD;
	s1 =	sshrl.u32 s1, $0x2  }
0xbf: {  	s3 =	sand.u32 $0x4000, s31;
	s1 =	sadd.s32 s1, s30  }
0xc0: {  	s0 =	sor.u32 s3, s0;
	s1 =	sshll.u32 s1, $0x11  }
0xc1: {  	s0 =	sor.u32 s1, s0  }
0xc2: {  	s0 =	sadd.s32 $0x8F2B, s0  }
0xc3: {  	[sflag:s0] =	ssyncadd.remote.s32 $0x1  }
0xc4: {  	_ =	sfence.sel $0xFFFF  }
0xc5: {  	[dreg:$0x0] =	wrdreg $0xFFFFFFFF;
	(pc) =	sbr.abs _section_cstart, $3  }
0xc6: {  	[dreg:$0x1] =	wrdreg $0xFFFFFFFF  }
0xc7: {  	_ =	task.clear_ibuf [dreg:s10], $0x2FFFF;
	_ =	strace $0x9FFFFFFF  }
0xc8: {  	(tm) =	ssettm $0x7FFFFFFF  }
0xc9: {  	_ =	shalt  }
tec
execute0_lowered:
.L_overlay_start_1:
0x0: {  	(tag) =	ssettag $0x1  }
0x1: {  	s1 =	rddreg [dreg:$0x0]  }
0x2: {  	s4 =	rddreg [dreg:$0x1]  }
0x3: {  	s7 =	rddreg [dreg:$0x2]  }
0x4: {  	s5 =	rddreg [dreg:$0x3]  }
0x5: {  	s6 =	rddreg [dreg:$0x4]  }
0x6: {  	s0 =	rddreg [dreg:$0x5];
	s3 =	simm.s32 $0x0;
	s2 =	stileid.u32  }
0x7: {  	s28 =	srdreg.scid;
	[smem:$0x7FF] =	sst s3;
	s8 =	sadd.s32 $0x3F000, s4  }
0x8: {  	s9 =	sadd.s32 $0x66200, s4;
	s10 =	sadd.s32 $0x3E00, s4;
	s11 =	sshrl.u32 s2, $0x2  }
0x9: {  	s12 =	sadd.s32 $0x7E00, s4;
	s13 =	sadd.s32 $0xBE00, s4;
	s14 =	sadd.s32 $0xFE00, s4  }
0xa: {  	s4 =	sand.u32 $0x1, s28;
	s15 =	sshll.u32 s2, $0x1;
	p0 =	seq.s32 s11, $0x3  }
0xb: {  	_ =	strace $0x8000004D;
	s15 =	sand.u32 $0x6, s15;
	p1 =	seq.s32 @!p0 s11, $0x0  }
0xc: {  	s16 =	ssub.s32 $0x2, s4;
	s15 =	sor.u32 s4, s15;
	p2 =	por p1, p0  }
0xd: {  	s29 =	sshrl.u32 s16, $0x1;
	s30 =	sshll.u32 s15, $0x4;
	p2 =	seq.s32 @!p2 s11, $0x2  }
0xe: {  	s31 =	sshll.u32 s15, $0xB;
	s11 =	ssub.s32 s16, s29;
	p2 =	por @!p0 !p2, p1  }
0xf: {  	s4 =	sadd.s32 s5, s30;
	s5 =	sadd.s32 s6, s30;
	p2 =	por !p2, p0  }
0x10: {  	p1 =	por !p1, p0;
	s6 =	smax.u32 s11, $0x1;
	s12 =	smov.u32 @p2 s13  }
0x11: {  	s8 =	smov.u32 @p2 s9;
	s9 =	simm.s32 $0x1;
	s10 =	smov.u32 @p1 s12  }
0x12: {  	s1 =	smov.u32 @p1 s8;
	s8 =	simm.s32 $0x80;
	s10 =	smov.u32 @p0 s14  }
0x13: {  	s1 =	smov.u32 @p0 s7;
	s7 =	sadd.s32 s10, s31;
	s10 =	simm.s32 $0x2  }
.LBB2_1:
0x14: {  	s11 =	simm.s32 @p0 $0x0  }
0x15: {  	[tilespmem:s11], [sflag:$0x2] =	stream.linear.gather @p0 [hbm4b:s5+s11], $0x80, $0x38;
	[tilespmem:$0x4080] =	vst v63  }
0x16: {  	s11 =	simm.s32 @p0 $0x2  }
0x17: {  	_ =	swait.ge @p0 [sflag:s11], $0x80  }
0x18: {  	[sflag:s11] =	ssyncset.done @p0 $0x0  }
0x19: {  	[sflag:s11] =	ssyncadd.s32 @p0 $0xFFFFFF80;
	s11 =	simm.s32 @!p0 $0x0  }
0x1a: {  	[tilespmem:s11], [sflag:$0x2] =	stream.linear.gather @!p0 [hbm4b:s4+s11], $0x80, $0x38;
	[tilespmem:$0x4080] =	vst v63  }
0x1b: {  	s11 =	simm.s32 @!p0 $0x2  }
0x1c: {  	_ =	swait.ge @!p0 [sflag:s11], $0x80  }
0x1d: {  	[sflag:s11] =	ssyncset.done @!p0 $0x0  }
0x1e: {  	[sflag:s11] =	ssyncadd.s32 @!p0 $0xFFFFFF80  }
0x1f: {  	[tilespmem:s8], [sflag:$0x1] =	stream.indirect.gather [hbm4b:s1+s8], $0x80, s3, s8, $0xb8;
	[tilespmem:$0x4080] =	vst v63  }
0x20: {  	s6 =	sadd.s32 $0xFFFFFFFF, s6;
	_ =	swait.ge [sflag:s9], $0x4000  }
0x21: {  	p1 =	sne.s32 s6, $0x0;
	[sflag:s9] =	ssyncset.done $0x0  }
.Ltmp0:
0x22: {  	[sflag:s9] =	ssyncadd.s32 $0xFFFFC000;
	(pc) =	sbr.rel @p1 .LBB2_1-.Ltmp0, $4  }
0x23: {  	[hbm4b:s7+s3] =	stream.linear.scatter [tilespmem:s8], [sflag:$0x2], $0x4000, $0x38;
	[tilespmem:$0x4080] =	vst v63  }
0x24: {  	_ =	swait.ge [sflag:s10], $0x4000  }
0x25: {  	[sflag:s10] =	ssyncset.done $0x0  }
0x26: {  	[sflag:s10] =	ssyncadd.s32 $0xFFFFC000  }
0x27: {  	_ =	sfence.sel $0x180000  }
0x28: {  	[bflag:$0x0] =	sbarrier.arrive $0xFFFF  }
0x29: {  	p0 =	sne.s32 s2, $0x0;
	_ =	strace $0x9000004D  }
0x2a: {  	s0 =	sadd.s32 @!p0 $0x100000, s0;
	[bflag:$0x2] =	sbarrier.arrive $0xFFFF  }
0x2b: {  	[sflag:s0] =	ssyncadd.tile.s32 @!p0 $0x1;
	_ =	shalt  }
.Lfunc_end2:
_tile_overlayer_lowered:
.L_overlay_start_2:
0x2c: {  	(tag) =	ssettag $0x2  }
0x2d: {  	s0 =	rddreg [dreg:$0x0];
	s2 =	stileid.u32  }
0x2e: {  	s1 =	rddreg [dreg:$0x1];
	p0 =	sne.s32 s2, $0x0  }
0x2f: {  	s3 =	rddreg [dreg:$0x2];
	[bflag:$0x3] =	sbarrier.arrive $0xFFFF;
	s2 =	simm.s32 @!p0 $0x1C02  }
0x30: {  	[timem:s3], [sflag:s2] =	dma.local @!p0 [hbm:s0], s1  }
0x31: {  	s0 =	simm.s32 @!p0 $0x2  }
0x32: {  	_ =	swait.ge @!p0 [sflag:s0], s1  }
0x33: {  	s1 =	ssub.s32 @!p0 $0x0, s1;
	[sflag:s0] =	ssyncset.done @!p0 $0x0  }
0x34: {  	[sflag:s0] =	ssyncadd.s32 @!p0 s1  }
0x35: {  	[bflag:$0x3] =	sbarrier.arrive $0xFFFF  }
0x36: {  	_ =	shalt  }

// kernel: kernel.8.cloned.1.call-start
scs
__scs_entry_jumppad:
0x0: {  	(pc) =	sbr.rel $0x88, $3  }
0x1: {  	(tag) =	ssettag $0x0;
	lr =	simm.s32 $0x1  }
0x2: {  	[smem:$0x3F97] =	sst lr;
	_ =	strace $0xD0000000  }
0x3: {  	_ = 	snop  }
0x4: {  	_ = 	snop  }
0x5: {  	_ = 	snop  }
0x6: {  	_ = 	snop  }
0x7: {  	_ = 	snop  }
__scs_overlays_trampoline_lowered:
0x8: {  	[smem:$0x3FA6] =	sst s0  }
0x9: {  	[smem:$0x3FA7] =	sst s1  }
0xa: {  	[smem:$0x3FA8] =	sst s2  }
0xb: {  	[smem:$0x3FA9] =	sst s3  }
0xc: {  	[smem:$0x3FAA] =	sst s4  }
0xd: {  	[smem:$0x3FAB] =	sst s5  }
0xe: {  	[smem:$0x3FAC] =	sst s6  }
0xf: {  	[smem:$0x3FAD] =	sst s7  }
0x10: {  	[smem:$0x3FAE] =	sst s8  }
0x11: {  	[smem:$0x3FAF] =	sst s9;
	s0 =	simm.s32 @!p0 $0x0  }
0x12: {  	s1 =	sld [smem:$0x3F95];
	s0 =	simm.s32 @p0 $0x1  }
0x13: {  	[smem:$0x3FB0] =	sst s0;
	s0 =	simm.s32 @!p1 $0x0  }
0x14: {  	s2 =	sld [smem:$0x3F94];
	s0 =	simm.s32 @p1 $0x1  }
0x15: {  	[smem:$0x3FB1] =	sst s0;
	s0 =	simm.s32 @!p2 $0x0  }
0x16: {  	s3 =	sld [smem:$0x3FDB];
	s0 =	simm.s32 @p2 $0x1  }
0x17: {  	s4 =	simm.s32 $0x1BF5;
	[smem:$0x3FB3] =	sst s0  }
0x18: {  	s0 =	sld [smem:$0x3F96];
	_ =	swait.ge [sflag:s4], $0x0  }
0x19: {  	s7 =	sld [smem:$0x3F97]  }
0x1a: {  	s8 =	sadd.s32 $0xFFFFE003, lr  }
0x1b: {  	s9 =	sadd.s32 $0xFFFFFEF7, lr;
	s5 =	simm.s32 $0xFFFFFFFF;
	p2 =	slt.u32 s8, $0xFFFFF086  }
0x1c: {  	p1 =	slt.u32 s9, $0xF7A;
	s5 =	simm.s32 @!p2 $0x0  }
0x1d: {  	s5 =	simm.s32 @p1 $0x1;
	p0 =	seq.s32 s7, s2  }
0x1e: {  	s7 =	smul.u32 @!p0 $0xF7A, s2;
	p2 =	seq.s32 @!p0 s5, $0x0  }
0x1f: {  	s9 =	smul.u32 $0xF7A, s1;
	s8 =	simm.s32 @!p0 $0x1BF5;
	p2 =	por !p2, p0  }
0x20: {  	[sflag:s8] =	ssyncset.s32 @!p0 $0xFFFFF086;
	s6 =	sadd.s32 @!p0 s3, s7;
	s7 =	simm.s32 @!p0 $0x108  }
0x21: {  	s3 =	sadd.s32 s3, s9;
	s6 =	sadd.s32 @!p0 $0x88, s6;
	s7 =	simm.s32 @p2 $0x1082  }
0x22: {  	[simem:s7], [sflag:s8] =	dma.local @!p0 [hbm:s6], $0xF7A  }
0x23: {  	s9 =	sor.u32 $0xD0000000, s2;
	s6 =	simm.s32 $0x108;
	_ =	swait.ge @!p0 [sflag:s8], $0x0  }
0x24: {  	s3 =	sadd.s32 $0x88, s3;
	s6 =	simm.s32 @!p1 $0x1082;
	[sflag:s4] =	ssyncset.s32 $0xFFFFF086  }
0x25: {  	[simem:s6], [sflag:s4] =	dma.local [hbm:s3], $0xF7A  }
0x26: {  	[smem:$0x3F97] =	sst s1;
	(tag) =	ssettag s2;
	_ =	strace s9  }
0x27: {  	s1 =	sld [smem:$0x3FA7]  }
0x28: {  	s2 =	sld [smem:$0x3FA8]  }
0x29: {  	s4 =	sld [smem:$0x3FAA]  }
0x2a: {  	p0 =	seq.s32 s5, $0x0;
	s5 =	sld [smem:$0x3FAB]  }
0x2b: {  	s6 =	sld [smem:$0x3FAC]  }
0x2c: {  	s7 =	sld [smem:$0x3FAD]  }
0x2d: {  	s3 =	simm.s32 $0x108;
	s8 =	sld [smem:$0x3FAE]  }
0x2e: {  	s3 =	simm.s32 @!p0 $0x1082;
	s9 =	sld [smem:$0x3FAF]  }
0x2f: {  	lr =	sadd.s32 s0, s3;
	s0 =	sld [smem:$0x3FA6]  }
0x30: {  	s3 =	sld [smem:$0x3FA9]  }
0x31: {  	[smem:$0x3FB2] =	sst s10  }
0x32: {  	s10 =	sld [smem:$0x3FB0];
	_ =	sdelay $0x3  }
0x33: {  	p0 =	seq.s32 s10, $0x1;
	s10 =	sld [smem:$0x3FB2];
	_ =	sdelay $0x3  }
0x34: {  	[smem:$0x3FB2] =	sst s10  }
0x35: {  	s10 =	sld [smem:$0x3FB1];
	_ =	sdelay $0x3  }
0x36: {  	p1 =	seq.s32 s10, $0x1;
	s10 =	sld [smem:$0x3FB2];
	_ =	sdelay $0x3  }
0x37: {  	[smem:$0x3FB2] =	sst s10  }
0x38: {  	s10 =	sld [smem:$0x3FB3]  }
0x39: {  	_ = 	snop;
	(pc) =	sbr.ind lr, $3  }
0x3a: {  	_ = 	snop  }
0x3b: {  	_ = 	snop  }
0x3c: {  	p2 =	seq.s32 s10, $0x1;
	s10 =	sld [smem:$0x3FB2]  }
0x3d: {  	_ =	shalt  }
0x3e: {  	_ =	shalt  }
0x3f: {  	_ =	shalt  }
0x40: {  	_ =	shalt  }
0x41: {  	_ =	shalt  }
0x42: {  	_ =	shalt  }
0x43: {  	_ =	shalt  }
0x44: {  	_ =	shalt  }
0x45: {  	_ =	shalt  }
0x46: {  	_ =	shalt  }
0x47: {  	_ =	shalt  }
0x48: {  	_ =	shalt  }
0x49: {  	_ =	shalt  }
0x4a: {  	_ =	shalt  }
0x4b: {  	_ =	shalt  }
0x4c: {  	_ =	shalt  }
0x4d: {  	_ =	shalt  }
0x4e: {  	_ =	shalt  }
0x4f: {  	_ =	shalt  }
0x50: {  	_ =	shalt  }
0x51: {  	_ =	shalt  }
0x52: {  	_ =	shalt  }
0x53: {  	_ =	shalt  }
0x54: {  	_ =	shalt  }
0x55: {  	_ =	shalt  }
0x56: {  	_ =	shalt  }
0x57: {  	_ =	shalt  }
0x58: {  	_ =	shalt  }
0x59: {  	_ =	shalt  }
0x5a: {  	_ =	shalt  }
0x5b: {  	_ =	shalt  }
0x5c: {  	_ =	shalt  }
0x5d: {  	_ =	shalt  }
0x5e: {  	_ =	shalt  }
0x5f: {  	_ =	shalt  }
0x60: {  	_ =	shalt  }
0x61: {  	_ =	shalt  }
0x62: {  	_ =	shalt  }
0x63: {  	_ =	shalt  }
0x64: {  	_ =	shalt  }
0x65: {  	_ =	shalt  }
0x66: {  	_ =	shalt  }
0x67: {  	_ =	shalt  }
0x68: {  	_ =	shalt  }
0x69: {  	_ =	shalt  }
0x6a: {  	_ =	shalt  }
0x6b: {  	_ =	shalt  }
0x6c: {  	_ =	shalt  }
0x6d: {  	_ =	shalt  }
0x6e: {  	_ =	shalt  }
0x6f: {  	_ =	shalt  }
0x70: {  	_ =	shalt  }
0x71: {  	_ =	shalt  }
0x72: {  	_ =	shalt  }
0x73: {  	_ =	shalt  }
0x74: {  	_ =	shalt  }
0x75: {  	_ =	shalt  }
0x76: {  	_ =	shalt  }
0x77: {  	_ =	shalt  }
0x78: {  	_ =	shalt  }
0x79: {  	_ =	shalt  }
0x7a: {  	_ =	shalt  }
0x7b: {  	_ =	shalt  }
0x7c: {  	_ =	shalt  }
0x7d: {  	_ =	shalt  }
0x7e: {  	_ =	shalt  }
0x7f: {  	_ =	shalt  }
0x80: {  	_ =	shalt  }
0x81: {  	_ =	shalt  }
0x82: {  	_ =	shalt  }
0x83: {  	_ =	shalt  }
0x84: {  	_ =	shalt  }
0x85: {  	_ =	shalt  }
0x86: {  	_ =	shalt  }
0x87: {  	_ =	shalt  }
.Lfunc_end0:
.L_simem_size_0:
called_computation_lowered:
.L_overlay_start_0:
0x88: {  	s2 =	sld [smem:$0x3FD9]  }
0x89: {  	s3 =	sld [smem:$0x3FFE];
	_ =	sdelay $0x1  }
0x8a: {  	s1 =	srdreg.scid  }
0x8b: {  	s0 =	sand.u32 $0x1, s1  }
0x8c: {  	s16 =	sshll.u32 s0, $0xA;
	s2 =	sadd.s32 s3, s2  }
0x8d: {  	s2 =	sadd.s32 s2, s16  }
0x8e: {  	[smem:$0x3FBE] =	sst s2  }
0x8f: {  	_ = 	snop  }
0x90: {  	(tm) =	ssettm $0x1  }
0x91: {  	s17 =	sld [smem:$0x3FFB];
	_ =	sdelay $0x3  }
0x92: {  	_ =	strace s17  }
0x93: {  	s2 =	sld [smem:$0x3FFC];
	_ =	sdelay $0x3  }
0x94: {  	_ =	strace s2  }
0x95: {  	s2 =	sld [smem:$0x3FFD];
	_ =	sdelay $0x3  }
0x96: {  	_ =	strace s2  }
0x97: {  	_ =	strace $0x8FFFFFFF  }
0x98: {  	s18 =	sld [smem:$0x3FDB];
	_ =	sdelay $0x1  }
0x99: {  	s19 =	simm.s32 $_scs_section_size  }
0x9a: {  	s4 =	simm.s32 $_size__tile_overlayer_lowered;
	s5 =	simm.s32 $_tile_overlayer_lowered  }
0x9b: {  	s22 =	simm.s32 $0x1BFF;
	s21 =	sshll.u32 s5, $0x1;
	s2 =	sadd.s32 s19, s18  }
0x9c: {  	s6 =	simm.s32 $0x0;
	s20 =	sshll.u32 s4, $0x1;
	s4 =	sadd.s32 s21, s2  }
0x9d: {  	[timem:s6], [sflag:s22] =	dma.local [hbm:s4], s20  }
0x9e: {  	_ =	swait.ge [sflag:s22], s20  }
0x9f: {  	s3 =	ssub.s32 $0x0, s20;
	[sflag:s22] =	ssyncset.done $0x0  }
0xa0: {  	[sflag:s22] =	ssyncadd.s32 s3;
	_ =	sdelay $0x1  }
0xa1: {  	s23 =	simm.s32 $0x1B8B  }
0xa2: {  	_ =	swait.ge [sflag:s23], $0x1  }
0xa3: {  	[sflag:s23] =	ssyncset.done $0x0  }
0xa4: {  	s25 =	simm.s32 $0x1B8E;
	s24 =	sld [smem:$0x3FFE];
	[sflag:s23] =	ssyncadd.s32 $0xFFFFFFFF  }
0xa5: {  	s26 =	simm.s32 $execute0_lowered;
	[smem:$0x3FD2] =	sst s25  }
0xa6: {  	s4 =	sshll.u32 s26, $0x1;
	_ =	strace $0x80000046;
	[dreg:$0x1] =	wrdreg $0xFFFFFFFF  }
0xa7: {  	s28 =	simm.s32 $_size_execute0_lowered;
	s2 =	sadd.s32 s2, s4;
	[dreg:$0x0] =	wrdreg $0x0  }
0xa8: {  	s4 =	sshll.u32 s28, $0x1;
	[dreg:$0x2] =	wrdreg s2  }
0xa9: {  	[dreg:$0x3] =	wrdreg s4  }
0xaa: {  	[dreg:$0x4] =	wrdreg $0xC0  }
0xab: {  	_ =	task [dreg:s6], $0x5FFFF  }
0xac: {  	[dreg:$0x1] =	wrdreg $0xFFFFFFFF  }
0xad: {  	[dreg:$0x0] =	wrdreg $0x60  }
0xae: {  	[dreg:$0x2] =	wrdreg s24  }
0xaf: {  	[dreg:$0x3] =	wrdreg $0xA8000  }
0xb0: {  	[dreg:$0x4] =	wrdreg $0x9  }
0xb1: {  	_ =	task.clear_ibuf [dreg:s6], $0x5FFFF;
	_ =	strace $0x90000046  }
0xb2: {  	s29 =	simm.s32 $0x9;
	_ =	strace $0x80000048  }
0xb3: {  	_ =	swait.ge [sflag:s29], $0x1  }
0xb4: {  	[sflag:s29] =	ssyncadd.s32 $0xFFFFFFFF  }
0xb5: {  	_ =	strace $0x90000048  }
0xb6: {  	_ =	sfence  }
0xb7: {  	s30 =	sld [smem:$0x0];
	_ =	sdelay $0x2  }
0xb8: {  	s31 =	sshll.u32 s1, $0xD;
	s1 =	sshrl.u32 s1, $0x2  }
0xb9: {  	s3 =	sand.u32 $0x4000, s31;
	s1 =	sadd.s32 s1, s30  }
0xba: {  	s0 =	sor.u32 s3, s0;
	s1 =	sshll.u32 s1, $0x11  }
0xbb: {  	s0 =	sor.u32 s1, s0  }
0xbc: {  	s0 =	sadd.s32 $0x8F2B, s0  }
0xbd: {  	[sflag:s0] =	ssyncadd.remote.s32 $0x1  }
0xbe: {  	_ =	sfence.sel $0xFFFF  }
0xbf: {  	[dreg:$0x0] =	wrdreg $0xFFFFFFFF;
	(pc) =	sbr.abs _section_cstart, $3  }
0xc0: {  	[dreg:$0x1] =	wrdreg $0xFFFFFFFF  }
0xc1: {  	_ =	task.clear_ibuf [dreg:s6], $0x2FFFF;
	_ =	strace $0x9FFFFFFF  }
0xc2: {  	(tm) =	ssettm $0x7FFFFFFF  }
0xc3: {  	_ =	shalt  }
tec
execute0_lowered:
.L_overlay_start_1:
0x0: {  	(tag) =	ssettag $0x1  }
0x1: {  	s1 =	rddreg [dreg:$0x0];
	s3 =	srdreg.scid  }
0x2: {  	s0 =	stileid.u32;
	s2 =	rddreg [dreg:$0x1];
	s5 =	simm.s32 $0x0  }
0x3: {  	s28 =	simm.s32 $0x2;
	s29 =	simm.s32 $0x1380;
	s30 =	simm.s32 $0x2700  }
0x4: {  	s31 =	simm.s32 $0x2780;
	s3 =	sand.u32 $0x1, s3;
	s6 =	smul.u32 $0x50000, s0  }
0x5: {  	s4 =	sshll.u32 s0, $0x1;
	[smem:$0x7FF] =	sst s5;
	s7 =	smul.u32 $0x2700, s0  }
0x6: {  	s26 =	smul.u32 $0x4E000, s0;
	p2 =	seq.s32 s0, $0xF;
	s17 =	sadd.s32 $0x138000, s2  }
0x7: {  	s18 =	sadd.s32 $0x66000, s1;
	s19 =	sadd.s32 $0x8D200, s1;
	s4 =	sor.u32 s3, s4  }
0x8: {  	_ =	strace $0x80000047;
	s8 =	ssub.s32 $0x2, s3;
	p0 =	seq.s32 s3, $0x0  }
0x9: {  	p3 =	sne.s32 s3, $0x0;
	s21 =	smul.u32 $0x2800, s4;
	s4 =	sadd.s32 $0x17E00, s1  }
0xa: {  	s22 =	sshrl.u32 s8, $0x1;
	s6 =	sshrl.u32 s6, $0x2;
	s16 =	sadd.s32 s7, s1  }
0xb: {  	p1 =	por !p0, !p2;
	p0 =	seq.s32 s3, $0x1;
	s20 =	ssub.s32 s8, s22  }
0xc: {  	s15 =	sadd.s32 $0x3F000, s16;
	s16 =	sadd.s32 $0x66200, s16;
	p1 =	por !p1, !p1  }
0xd: {  	p2 =	por !p2, !p0;
	s22 =	simm.s32 $0x3;
	s5 =	sshrl.u32 s21, $0x3  }
0xe: {  	p2 =	por !p2, !p2;
	s13 =	sadd.s32 s5, s1;
	s5 =	sadd.s32 s6, s2  }
0xf: {  	s20 =	smax.u32 s20, $0x1;
	s21 =	simm.s32 $0x2800;
	s6 =	sadd.s32 $0x4000, s5  }
0x10: {  	s1 =	simm.s32 $0x0;
	s23 =	sadd.s32 $0x8000, s5;
	[dreg:$0x3] =	wrdreg s6  }
0x11: {  	s24 =	sadd.s32 $0xC000, s5;
	s25 =	sadd.s32 $0x10000, s5;
	[dreg:$0x4] =	wrdreg s23  }
0x12: {  	s10 =	sadd.s32 $0x3E00, s13;
	s11 =	sadd.s32 $0xDE00, s13;
	[dreg:$0x5] =	wrdreg s24  }
0x13: {  	s12 =	sadd.s32 $0x4080, s13;
	s13 =	sadd.s32 $0xE080, s13;
	[dreg:$0x6] =	wrdreg s25  }
0x14: {  	s6 =	sshrl.u32 s26, $0x2;
	s23 =	simm.s32 $0x1400;
	s24 =	simm.s32 $0x80  }
0x15: {  	v0 =	vimm.f32 $0.0e+00;
	s25 =	simm.s32 $0x6800;
	s26 =	simm.s32 $0x1;
	s14 =	sadd.s32 s6, s2  }
.LBB2_1:
0x16: {  	s3 =	simm.s32 $0x0;
	s6 =	simm.s32 $0x200  }
.LBB2_2:
0x17: {  	p4 =	sne.s32 s6, $0xFE00;
	[tilespmem:s3+$0x2870] =	vst v0  }
0x18: {  	[tilespmem:s3+$0x2800] =	vst v0  }
0x19: {  	[tilespmem:s3+$0x2810] =	vst v0  }
.Ltmp0:
0x1a: {  	[tilespmem:s3+$0x2820] =	vst v0;
	(pc) =	sbr.rel @p4 .LBB2_2-.Ltmp0, $4  }
0x1b: {  	[tilespmem:s3+$0x2830] =	vst v0  }
0x1c: {  	[tilespmem:s3+$0x2840] =	vst v0  }
0x1d: {  	[tilespmem:s3+$0x2850] =	vst v0  }
0x1e: {  	[tilespmem:s3+$0x2860] =	vst v0;
	s3 =	sshra.s32 s6, $0x2;
	s6 =	sadd.s32 $0x200, s6  }
0x1f: {  	[tilespmem:s3+$0x2870] =	vst v0  }
0x20: {  	[tilespmem:s3+$0x2800] =	vst v0  }
0x21: {  	[tilespmem:s3+$0x2810] =	vst v0  }
0x22: {  	[tilespmem:s3+$0x2820] =	vst v0  }
0x23: {  	[tilespmem:s3+$0x2830] =	vst v0  }
0x24: {  	[tilespmem:s3+$0x2840] =	vst v0  }
0x25: {  	[tilespmem:s3+$0x2850] =	vst v0  }
0x26: {  	[tilespmem:s3+$0x2860] =	vst v0  }
0x27: {  	[spmem:s5] =	stream.linear.scatter [tilespmem:s21], [sflag:$0x3], $0x4000, $0x38;
	[tilespmem:$0x1E800] =	vst v63  }
0x28: {  	_ =	swait.ge [sflag:s22], $0x4000  }
0x29: {  	[sflag:s22] =	ssyncset.done $0x0  }
0x2a: {  	s9 =	rddreg [dreg:$0x3];
	[sflag:s22] =	ssyncadd.s32 $0xFFFFC000  }
0x2b: {  	[spmem:s9] =	stream.linear.scatter [tilespmem:s21], [sflag:$0x3], $0x4000, $0x38;
	[tilespmem:$0x1E800] =	vst v63  }
0x2c: {  	_ =	swait.ge [sflag:s22], $0x4000  }
0x2d: {  	[sflag:s22] =	ssyncset.done $0x0  }
0x2e: {  	s6 =	rddreg [dreg:$0x4];
	[sflag:s22] =	ssyncadd.s32 $0xFFFFC000  }
0x2f: {  	[spmem:s6] =	stream.linear.scatter [tilespmem:s21], [sflag:$0x3], $0x4000, $0x38;
	[tilespmem:$0x1E800] =	vst v63  }
0x30: {  	_ =	swait.ge [sflag:s22], $0x4000  }
0x31: {  	[sflag:s22] =	ssyncset.done $0x0  }
0x32: {  	s7 =	rddreg [dreg:$0x5];
	[sflag:s22] =	ssyncadd.s32 $0xFFFFC000  }
0x33: {  	[spmem:s7] =	stream.linear.scatter [tilespmem:s21], [sflag:$0x3], $0x4000, $0x38;
	[tilespmem:$0x1E800] =	vst v63  }
0x34: {  	_ =	swait.ge [sflag:s22], $0x4000  }
0x35: {  	[sflag:s22] =	ssyncset.done $0x0  }
0x36: {  	s8 =	rddreg [dreg:$0x6];
	[sflag:s22] =	ssyncadd.s32 $0xFFFFC000  }
0x37: {  	[spmem:s8] =	stream.linear.scatter [tilespmem:s21], [sflag:$0x3], $0x4000, $0x38;
	[tilespmem:$0x1E800] =	vst v63  }
0x38: {  	_ =	swait.ge [sflag:s22], $0x4000  }
0x39: {  	[sflag:s22] =	ssyncset.done $0x0  }
0x3a: {  	[sflag:s22] =	ssyncadd.s32 $0xFFFFC000  }
0x3b: {  	s9 =	simm.s32 $0x0;
	[bflag:$0x0] =	sbarrier.arrive $0xFFFF  }
0x3c: {  	[tilespmem:s9], [sflag:$0x3] =	stream.linear.gather [hbm4b:s10+s9], $0x1400, $0x38;
	[tilespmem:$0x1E800] =	vst v63  }
0x3d: {  	_ =	swait.ge [sflag:s22], $0x1400  }
0x3e: {  	[sflag:s22] =	ssyncset.done $0x0  }
0x3f: {  	[sflag:s22] =	ssyncadd.s32 $0xFFFFEC00  }
0x40: {  	[tilespmem:s23], [sflag:$0x3] =	stream.linear.gather [hbm4b:s11+s9], $0x1400, $0x38;
	[tilespmem:$0x1E800] =	vst v63  }
0x41: {  	_ =	swait.ge [sflag:s22], $0x1400  }
0x42: {  	[sflag:s22] =	ssyncset.done $0x0  }
0x43: {  	[sflag:s22] =	ssyncadd.s32 $0xFFFFEC00  }
0x44: {  	[tilespmem:s21], [sflag:$0x1] =	stream.indirect.gather [hbm4b:s4+s24], $0x80, s9, s24, $0xb8;
	[tilespmem:$0x1E800] =	vst v63  }
0x45: {  	s6 =	simm.s32 $0x80  }
0x46: {  	[tilespmem:s25], [sflag:$0x2] =	stream.indirect.gather [hbm4b:s4+s24], $0x80, s6, s24, $0xb8;
	[tilespmem:$0x1E800] =	vst v63  }
0x47: {  	_ =	swait.ge [sflag:s26], $0x4000  }
0x48: {  	[sflag:s26] =	ssyncset.done $0x0  }
0x49: {  	s7 =	simm.s32 $0x1400;
	[sflag:s26] =	ssyncadd.s32 $0xFFFFC000  }
0x4a: {  	[spmem:s2] =	stream.indirect.scatter.add.f32 [tilespmem:s21], [sflag:$0x3], $0x80, s7, s24, $0xb8;
	[tilespmem:$0x1E800] =	vst v63  }
0x4b: {  	_ =	swait.ge [sflag:s22], $0x4000  }
0x4c: {  	[sflag:s22] =	ssyncset.done $0x0  }
0x4d: {  	s8 =	simm.s32 $0x100;
	[sflag:s22] =	ssyncadd.s32 $0xFFFFC000  }
0x4e: {  	[tilespmem:s21], [sflag:$0x1] =	stream.indirect.gather [hbm4b:s4+s24], $0x80, s8, s24, $0xb8;
	[tilespmem:$0x1E800] =	vst v63  }
0x4f: {  	_ =	swait.ge [sflag:s28], $0x4000  }
0x50: {  	[sflag:s28] =	ssyncset.done $0x0  }
0x51: {  	s9 =	simm.s32 $0x1480;
	[sflag:s28] =	ssyncadd.s32 $0xFFFFC000  }
0x52: {  	[spmem:s2] =	stream.indirect.scatter.add.f32 [tilespmem:s25], [sflag:$0x3], $0x80, s9, s24, $0xb8;
	[tilespmem:$0x1E800] =	vst v63  }
0x53: {  	_ =	swait.ge [sflag:s22], $0x4000  }
0x54: {  	s3 =	simm.s32 $0x100;
	s6 =	simm.s32 $0x800;
	[sflag:s22] =	ssyncset.done $0x0  }
.LBB2_4:
0x55: {  	s7 =	sadd.s32 $0x80, s3  }
0x56: {  	[sflag:s22] =	ssyncadd.s32 $0xFFFFC000;
	s8 =	smov.u32 s6;
	s9 =	sadd.s32 $0x400, s6  }
0x57: {  	[tilespmem:s25], [sflag:$0x2] =	stream.indirect.gather [hbm4b:s4+s24], $0x80, s7, s24, $0xb8;
	[tilespmem:$0x1E800] =	vst v63  }
0x58: {  	p4 =	sne.s32 s6, $0x4800;
	_ =	swait.ge [sflag:s26], $0x4000  }
0x59: {  	[sflag:s26] =	ssyncset.done $0x0  }
0x5a: {  	s6 =	sadd.s32 $0x1400, s3;
	[sflag:s26] =	ssyncadd.s32 $0xFFFFC000  }
0x5b: {  	[spmem:s2] =	stream.indirect.scatter.add.f32 [tilespmem:s21], [sflag:$0x3], $0x80, s6, s24, $0xb8;
	[tilespmem:$0x1E800] =	vst v63  }
0x5c: {  	_ =	swait.ge [sflag:s22], $0x4000  }
0x5d: {  	[sflag:s22] =	ssyncset.done $0x0  }
0x5e: {  	s6 =	sadd.s32 $0x100, s3;
	[sflag:s22] =	ssyncadd.s32 $0xFFFFC000  }
0x5f: {  	[tilespmem:s21], [sflag:$0x1] =	stream.indirect.gather [hbm4b:s4+s24], $0x80, s6, s24, $0xb8;
	[tilespmem:$0x1E800] =	vst v63  }
0x60: {  	_ =	swait.ge [sflag:s28], $0x4000  }
.Ltmp1:
0x61: {  	[sflag:s28] =	ssyncset.done $0x0;
	(pc) =	sbr.rel @p4 .LBB2_4-.Ltmp1, $4  }
0x62: {  	s3 =	sadd.s32 $0x1480, s3;
	[sflag:s28] =	ssyncadd.s32 $0xFFFFC000  }
0x63: {  	[spmem:s2] =	stream.indirect.scatter.add.f32 [tilespmem:s25], [sflag:$0x3], $0x80, s3, s24, $0xb8;
	[tilespmem:$0x1E800] =	vst v63  }
0x64: {  	_ =	swait.ge [sflag:s22], $0x4000  }
0x65: {  	s6 =	smov.u32 s9;
	s3 =	sshra.s32 s8, $0x2;
	[sflag:s22] =	ssyncset.done $0x0  }
0x66: {  	s6 =	sadd.s32 $0x80, s3;
	[sflag:s22] =	ssyncadd.s32 $0xFFFFC000  }
0x67: {  	[tilespmem:s25], [sflag:$0x2] =	stream.indirect.gather [hbm4b:s4+s24], $0x80, s6, s24, $0xb8;
	[tilespmem:$0x1E800] =	vst v63  }
0x68: {  	_ =	swait.ge [sflag:s26], $0x4000  }
0x69: {  	[sflag:s26] =	ssyncset.done $0x0  }
0x6a: {  	s9 =	sadd.s32 $0x1400, s3;
	[sflag:s26] =	ssyncadd.s32 $0xFFFFC000  }
0x6b: {  	[spmem:s2] =	stream.indirect.scatter.add.f32 [tilespmem:s21], [sflag:$0x3], $0x80, s9, s24, $0xb8;
	[tilespmem:$0x1E800] =	vst v63  }
0x6c: {  	_ =	swait.ge [sflag:s22], $0x4000  }
0x6d: {  	[sflag:s22] =	ssyncset.done $0x0  }
0x6e: {  	s7 =	sadd.s32 $0x100, s3;
	[sflag:s22] =	ssyncadd.s32 $0xFFFFC000  }
0x6f: {  	[tilespmem:s21], [sflag:$0x1] =	stream.indirect.gather [hbm4b:s4+s24], $0x80, s7, s24, $0xb8;
	[tilespmem:$0x1E800] =	vst v63  }
0x70: {  	_ =	swait.ge [sflag:s28], $0x4000  }
0x71: {  	[sflag:s28] =	ssyncset.done $0x0  }
0x72: {  	s8 =	sadd.s32 $0x1480, s3;
	[sflag:s28] =	ssyncadd.s32 $0xFFFFC000  }
0x73: {  	[spmem:s2] =	stream.indirect.scatter.add.f32 [tilespmem:s25], [sflag:$0x3], $0x80, s8, s24, $0xb8;
	[tilespmem:$0x1E800] =	vst v63  }
0x74: {  	_ =	swait.ge [sflag:s22], $0x4000  }
0x75: {  	[sflag:s22] =	ssyncset.done $0x0  }
0x76: {  	[sflag:s22] =	ssyncadd.s32 $0xFFFFC000  }
0x77: {  	[tilespmem:s25], [sflag:$0x2] =	stream.indirect.gather [hbm4b:s4+s24], $0x80, s29, s24, $0xb8;
	[tilespmem:$0x1E800] =	vst v63  }
0x78: {  	_ =	swait.ge [sflag:s26], $0x4000  }
0x79: {  	[sflag:s26] =	ssyncset.done $0x0  }
0x7a: {  	[sflag:s26] =	ssyncadd.s32 $0xFFFFC000  }
0x7b: {  	[spmem:s2] =	stream.indirect.scatter.add.f32 [tilespmem:s21], [sflag:$0x3], $0x80, s30, s24, $0xb8;
	[tilespmem:$0x1E800] =	vst v63  }
0x7c: {  	_ =	swait.ge [sflag:s22], $0x4000  }
0x7d: {  	[sflag:s22] =	ssyncset.done $0x0  }
0x7e: {  	s9 =	simm.s32 $0x0;
	[sflag:s22] =	ssyncadd.s32 $0xFFFFC000  }
0x7f: {  	[tilespmem:s21], [sflag:$0x1] =	stream.indirect.gather [hbm4b:s4+s24], $0x80, s9, s24, $0xb8;
	[tilespmem:$0x1E800] =	vst v63  }
0x80: {  	_ =	swait.ge [sflag:s28], $0x4000  }
0x81: {  	[sflag:s28] =	ssyncset.done $0x0  }
0x82: {  	[sflag:s28] =	ssyncadd.s32 $0xFFFFC000  }
0x83: {  	[spmem:s2] =	stream.indirect.scatter.add.f32 [tilespmem:s25], [sflag:$0x3], $0x80, s31, s24, $0xb8;
	[tilespmem:$0x1E800] =	vst v63  }
0x84: {  	_ =	swait.ge [sflag:s22], $0x4000  }
0x85: {  	[sflag:s22] =	ssyncset.done $0x0  }
0x86: {  	[sflag:s22] =	ssyncadd.s32 $0xFFFFC000  }
0x87: {  	_ =	swait.ge [sflag:s26], $0x4000  }
0x88: {  	[sflag:s26] =	ssyncset.done $0x0  }
0x89: {  	[sflag:s26] =	ssyncadd.s32 $0xFFFFC000  }
0x8a: {  	[tilespmem:s9], [sflag:$0x3] =	stream.linear.gather [hbm4b:s12+s9], $0x1400, $0x38;
	[tilespmem:$0x1E800] =	vst v63  }
0x8b: {  	_ =	swait.ge [sflag:s22], $0x1400  }
0x8c: {  	[sflag:s22] =	ssyncset.done $0x0  }
0x8d: {  	[sflag:s22] =	ssyncadd.s32 $0xFFFFEC00  }
0x8e: {  	[tilespmem:s23], [sflag:$0x3] =	stream.linear.gather [hbm4b:s13+s9], $0x1400, $0x38;
	[tilespmem:$0x1E800] =	vst v63  }
0x8f: {  	_ =	swait.ge [sflag:s22], $0x1400  }
0x90: {  	[sflag:s22] =	ssyncset.done $0x0  }
0x91: {  	[sflag:s22] =	ssyncadd.s32 $0xFFFFEC00  }
0x92: {  	[tilespmem:s21], [sflag:$0x1] =	stream.indirect.gather [hbm4b:s4+s24], $0x80, s9, s24, $0xb8;
	[tilespmem:$0x1E800] =	vst v63  }
0x93: {  	s6 =	simm.s32 $0x80  }
0x94: {  	[tilespmem:s25], [sflag:$0x2] =	stream.indirect.gather [hbm4b:s4+s24], $0x80, s6, s24, $0xb8;
	[tilespmem:$0x1E800] =	vst v63  }
0x95: {  	_ =	swait.ge [sflag:s26], $0x4000  }
0x96: {  	[sflag:s26] =	ssyncset.done $0x0  }
0x97: {  	s7 =	simm.s32 $0x1400;
	[sflag:s26] =	ssyncadd.s32 $0xFFFFC000  }
0x98: {  	[spmem:s2] =	stream.indirect.scatter.add.f32 [tilespmem:s21], [sflag:$0x3], $0x80, s7, s24, $0xb8;
	[tilespmem:$0x1E800] =	vst v63  }
0x99: {  	_ =	swait.ge [sflag:s22], $0x4000  }
0x9a: {  	[sflag:s22] =	ssyncset.done $0x0  }
0x9b: {  	s8 =	simm.s32 $0x100;
	[sflag:s22] =	ssyncadd.s32 $0xFFFFC000  }
0x9c: {  	[tilespmem:s21], [sflag:$0x1] =	stream.indirect.gather [hbm4b:s4+s24], $0x80, s8, s24, $0xb8;
	[tilespmem:$0x1E800] =	vst v63  }
0x9d: {  	_ =	swait.ge [sflag:s28], $0x4000  }
0x9e: {  	[sflag:s28] =	ssyncset.done $0x0  }
0x9f: {  	s9 =	simm.s32 $0x1480;
	[sflag:s28] =	ssyncadd.s32 $0xFFFFC000  }
0xa0: {  	[spmem:s2] =	stream.indirect.scatter.add.f32 [tilespmem:s25], [sflag:$0x3], $0x80, s9, s24, $0xb8;
	[tilespmem:$0x1E800] =	vst v63  }
0xa1: {  	_ =	swait.ge [sflag:s22], $0x4000  }
0xa2: {  	s3 =	simm.s32 $0x100;
	s6 =	simm.s32 $0x800;
	[sflag:s22] =	ssyncset.done $0x0  }
.LBB2_6:
0xa3: {  	s7 =	sadd.s32 $0x80, s3  }
0xa4: {  	[sflag:s22] =	ssyncadd.s32 $0xFFFFC000;
	s8 =	smov.u32 s6;
	s9 =	sadd.s32 $0x400, s6  }
0xa5: {  	[tilespmem:s25], [sflag:$0x2] =	stream.indirect.gather [hbm4b:s4+s24], $0x80, s7, s24, $0xb8;
	[tilespmem:$0x1E800] =	vst v63  }
0xa6: {  	p4 =	sne.s32 s6, $0x4800;
	_ =	swait.ge [sflag:s26], $0x4000  }
0xa7: {  	[sflag:s26] =	ssyncset.done $0x0  }
0xa8: {  	s6 =	sadd.s32 $0x1400, s3;
	[sflag:s26] =	ssyncadd.s32 $0xFFFFC000  }
0xa9: {  	[spmem:s2] =	stream.indirect.scatter.add.f32 [tilespmem:s21], [sflag:$0x3], $0x80, s6, s24, $0xb8;
	[tilespmem:$0x1E800] =	vst v63  }
0xaa: {  	_ =	swait.ge [sflag:s22], $0x4000  }
0xab: {  	[sflag:s22] =	ssyncset.done $0x0  }
0xac: {  	s6 =	sadd.s32 $0x100, s3;
	[sflag:s22] =	ssyncadd.s32 $0xFFFFC000  }
0xad: {  	[tilespmem:s21], [sflag:$0x1] =	stream.indirect.gather [hbm4b:s4+s24], $0x80, s6, s24, $0xb8;
	[tilespmem:$0x1E800] =	vst v63  }
0xae: {  	_ =	swait.ge [sflag:s28], $0x4000  }
.Ltmp2:
0xaf: {  	[sflag:s28] =	ssyncset.done $0x0;
	(pc) =	sbr.rel @p4 .LBB2_6-.Ltmp2, $4  }
0xb0: {  	s3 =	sadd.s32 $0x1480, s3;
	[sflag:s28] =	ssyncadd.s32 $0xFFFFC000  }
0xb1: {  	[spmem:s2] =	stream.indirect.scatter.add.f32 [tilespmem:s25], [sflag:$0x3], $0x80, s3, s24, $0xb8;
	[tilespmem:$0x1E800] =	vst v63  }
0xb2: {  	_ =	swait.ge [sflag:s22], $0x4000  }
0xb3: {  	s6 =	smov.u32 s9;
	s3 =	sshra.s32 s8, $0x2;
	[sflag:s22] =	ssyncset.done $0x0  }
0xb4: {  	s6 =	sadd.s32 $0x80, s3;
	[sflag:s22] =	ssyncadd.s32 $0xFFFFC000  }
0xb5: {  	[tilespmem:s25], [sflag:$0x2] =	stream.indirect.gather [hbm4b:s4+s24], $0x80, s6, s24, $0xb8;
	[tilespmem:$0x1E800] =	vst v63  }
0xb6: {  	_ =	swait.ge [sflag:s26], $0x4000  }
0xb7: {  	[sflag:s26] =	ssyncset.done $0x0  }
0xb8: {  	s9 =	sadd.s32 $0x1400, s3;
	[sflag:s26] =	ssyncadd.s32 $0xFFFFC000  }
0xb9: {  	[spmem:s2] =	stream.indirect.scatter.add.f32 [tilespmem:s21], [sflag:$0x3], $0x80, s9, s24, $0xb8;
	[tilespmem:$0x1E800] =	vst v63  }
0xba: {  	_ =	swait.ge [sflag:s22], $0x4000  }
0xbb: {  	[sflag:s22] =	ssyncset.done $0x0  }
0xbc: {  	s7 =	sadd.s32 $0x100, s3;
	[sflag:s22] =	ssyncadd.s32 $0xFFFFC000  }
0xbd: {  	[tilespmem:s21], [sflag:$0x1] =	stream.indirect.gather [hbm4b:s4+s24], $0x80, s7, s24, $0xb8;
	[tilespmem:$0x1E800] =	vst v63  }
0xbe: {  	_ =	swait.ge [sflag:s28], $0x4000  }
0xbf: {  	[sflag:s28] =	ssyncset.done $0x0  }
0xc0: {  	s8 =	sadd.s32 $0x1480, s3;
	[sflag:s28] =	ssyncadd.s32 $0xFFFFC000  }
0xc1: {  	[spmem:s2] =	stream.indirect.scatter.add.f32 [tilespmem:s25], [sflag:$0x3], $0x80, s8, s24, $0xb8;
	[tilespmem:$0x1E800] =	vst v63  }
0xc2: {  	_ =	swait.ge [sflag:s22], $0x4000  }
0xc3: {  	[sflag:s22] =	ssyncset.done $0x0  }
0xc4: {  	[sflag:s22] =	ssyncadd.s32 $0xFFFFC000  }
0xc5: {  	[tilespmem:s25], [sflag:$0x2] =	stream.indirect.gather [hbm4b:s4+s24], $0x80, s29, s24, $0xb8;
	[tilespmem:$0x1E800] =	vst v63  }
0xc6: {  	_ =	swait.ge [sflag:s26], $0x4000  }
0xc7: {  	[sflag:s26] =	ssyncset.done $0x0  }
0xc8: {  	[sflag:s26] =	ssyncadd.s32 $0xFFFFC000  }
0xc9: {  	[spmem:s2] =	stream.indirect.scatter.add.f32 [tilespmem:s21], [sflag:$0x3], $0x80, s30, s24, $0xb8;
	[tilespmem:$0x1E800] =	vst v63  }
0xca: {  	_ =	swait.ge [sflag:s22], $0x4000  }
0xcb: {  	[sflag:s22] =	ssyncset.done $0x0  }
0xcc: {  	s9 =	simm.s32 $0x0;
	[sflag:s22] =	ssyncadd.s32 $0xFFFFC000  }
0xcd: {  	[tilespmem:s21], [sflag:$0x1] =	stream.indirect.gather [hbm4b:s4+s24], $0x80, s9, s24, $0xb8;
	[tilespmem:$0x1E800] =	vst v63  }
0xce: {  	_ =	swait.ge [sflag:s28], $0x4000  }
0xcf: {  	[sflag:s28] =	ssyncset.done $0x0  }
0xd0: {  	[sflag:s28] =	ssyncadd.s32 $0xFFFFC000  }
0xd1: {  	[spmem:s2] =	stream.indirect.scatter.add.f32 [tilespmem:s25], [sflag:$0x3], $0x80, s31, s24, $0xb8;
	[tilespmem:$0x1E800] =	vst v63  }
0xd2: {  	_ =	swait.ge [sflag:s22], $0x4000  }
0xd3: {  	[sflag:s22] =	ssyncset.done $0x0  }
0xd4: {  	[sflag:s22] =	ssyncadd.s32 $0xFFFFC000  }
0xd5: {  	_ =	swait.ge [sflag:s26], $0x4000  }
0xd6: {  	[sflag:s26] =	ssyncset.done $0x0  }
0xd7: {  	s3 =	sshll.u32 @!p3 s0, $0x6;
	[sflag:s26] =	ssyncadd.s32 $0xFFFFC000  }
0xd8: {  	s3 =	sor.u32 @!p3 $0x1C03, s3;
	s6 =	sshrl.u32 @!p3 s14, $0x3;
	[bflag:$0x0] =	sbarrier.arrive $0xFFFF  }
0xd9: {  	[hbm:s15], [sflag:s3] =	dma.local @!p3 [spmem:s6], $0x2700  }
0xda: {  	s3 =	simm.s32 @!p3 $0x3  }
0xdb: {  	_ =	swait.ge @!p3 [sflag:s3], $0x2700  }
0xdc: {  	s6 =	sshll.u32 @p0 s0, $0x6;
	[sflag:s3] =	ssyncset.done @!p3 $0x0  }
0xdd: {  	[sflag:s3] =	ssyncadd.s32 @!p3 $0xFFFFD900;
	s3 =	sor.u32 @p0 $0x1C03, s6;
	s6 =	sshrl.u32 @p0 s14, $0x3  }
0xde: {  	[hbm:s16], [sflag:s3] =	dma.local @p0 [spmem:s6], $0x2700  }
0xdf: {  	s3 =	simm.s32 @p0 $0x3  }
0xe0: {  	_ =	swait.ge @p0 [sflag:s3], $0x2700  }
0xe1: {  	[sflag:s3] =	ssyncset.done @p0 $0x0  }
0xe2: {  	s6 =	simm.s32 @p1 $0x1FC3;
	[sflag:s3] =	ssyncadd.s32 @p0 $0xFFFFD900;
	s3 =	sshrl.u32 @p1 s17, $0x3  }
0xe3: {  	[hbm:s18], [sflag:s6] =	dma.local @p1 [spmem:s3], $0x100  }
0xe4: {  	s3 =	simm.s32 @p1 $0x3  }
0xe5: {  	s1 =	sadd.s32 $0x1, s1;
	_ =	swait.ge @p1 [sflag:s3], $0x100  }
0xe6: {  	p4 =	sne.s32 s1, s20;
	[sflag:s3] =	ssyncset.done @p1 $0x0  }
0xe7: {  	s6 =	simm.s32 @p2 $0x1FC3;
	[sflag:s3] =	ssyncadd.s32 @p1 $0xFFFFFF00;
	s3 =	sshrl.u32 @p2 s17, $0x3  }
0xe8: {  	[hbm:s19], [sflag:s6] =	dma.local @p2 [spmem:s3], $0x100  }
.Ltmp3:
0xe9: {  	_ = 	snop;
	(pc) =	sbr.rel @p4 .LBB2_1-.Ltmp3, $4  }
0xea: {  	s3 =	simm.s32 @p2 $0x3  }
0xeb: {  	_ =	swait.ge @p2 [sflag:s3], $0x100  }
0xec: {  	[sflag:s3] =	ssyncset.done @p2 $0x0  }
0xed: {  	[sflag:s3] =	ssyncadd.s32 @p2 $0xFFFFFF00  }
0xee: {  	_ =	sfence.sel $0x180000  }
0xef: {  	[bflag:$0x0] =	sbarrier.arrive $0xFFFF  }
0xf0: {  	_ =	strace $0x90000047  }
0xf1: {  	[bflag:$0x2] =	sbarrier.arrive $0xFFFF  }
0xf2: {  	p0 =	sne.s32 s0, $0x0;
	s0 =	rddreg [dreg:$0x2]  }
0xf3: {  	s0 =	sadd.s32 @!p0 $0x100000, s0  }
0xf4: {  	[sflag:s0] =	ssyncadd.tile.s32 @!p0 $0x1;
	_ =	shalt  }
.Lfunc_end2:
_tile_overlayer_lowered:
.L_overlay_start_2:
0xf5: {  	(tag) =	ssettag $0x2  }
0xf6: {  	s0 =	rddreg [dreg:$0x0];
	s2 =	stileid.u32  }
0xf7: {  	s1 =	rddreg [dreg:$0x1];
	p0 =	sne.s32 s2, $0x0  }
0xf8: {  	s3 =	rddreg [dreg:$0x2];
	[bflag:$0x3] =	sbarrier.arrive $0xFFFF;
	s2 =	simm.s32 @!p0 $0x1C03  }
0xf9: {  	[timem:s3], [sflag:s2] =	dma.local @!p0 [hbm:s0], s1  }
0xfa: {  	s0 =	simm.s32 @!p0 $0x3  }
0xfb: {  	_ =	swait.ge @!p0 [sflag:s0], s1  }
0xfc: {  	s1 =	ssub.s32 @!p0 $0x0, s1;
	[sflag:s0] =	ssyncset.done @!p0 $0x0  }
0xfd: {  	[sflag:s0] =	ssyncadd.s32 @!p0 s1  }
0xfe: {  	[bflag:$0x3] =	sbarrier.arrive $0xFFFF  }
0xff: {  	_ =	shalt  }

</sc_bundles>
